<compile_context>
chip_gen: v7x
topology: tpu7x:2x2x1
jax: 0.10.2.dev20260603
libtpu: 0.0.44.dev20260713+nightly
codegen_flags: <defaults>
</compile_context>

<pallas_src>
import functools

import jax
import jax.numpy as jnp
from jax import lax
from jax.experimental import pallas as pl
from jax.experimental.pallas import tpu as pltpu
from jax.experimental.pallas import tpu_sc as plsc

VOCAB_SIZE = 1000000
EMBED_DIM = 32
BATCH = 4096
SEQ_LEN = 200

_info = plsc.get_sparse_core_info()
_NC, _NS = _info.num_cores, _info.num_subcores
_NW = _NC * _NS
_SG = SEQ_LEN // 8
_BB = BATCH // 128
_CHUNK = 1024


@functools.partial(
    pl.kernel,
    mesh=plsc.VectorSubcoreMesh(core_axis_name="c", subcore_axis_name="s"),
    out_type=jax.ShapeDtypeStruct((SEQ_LEN, 4, _BB, 8, 128), jnp.float32),
    scratch_types=[
        pltpu.VMEM((_CHUNK,), jnp.int32),
        pltpu.VMEM((_CHUNK,), jnp.int32),
        pltpu.VMEM((_CHUNK, EMBED_DIM), jnp.float32),
        pltpu.VMEM((_CHUNK, EMBED_DIM), jnp.float32),
        pltpu.VMEM((32, 129), jnp.float32),
        pltpu.VMEM((32, 129), jnp.float32),
        pltpu.SemaphoreType.DMA,
        pltpu.SemaphoreType.DMA,
        pltpu.SemaphoreType.DMA,
        pltpu.SemaphoreType.DMA,
    ],
    compiler_params=pltpu.CompilerParams(
        use_tc_tiling_on_sc=False, needs_layout_passes=False
    ),
)
def _sc_gather(
    table_hbm, x4_hbm, out_hbm,
    idx_a, idx_b, rows_a, rows_b, tbuf_a, tbuf_b,
    gsem_a, gsem_b, wsem_a, wsem_b,
):
    wid = lax.axis_index("s") * _NC + lax.axis_index("c")
    iota = lax.iota(jnp.int32, 16)
    iota16p = iota + 16

    def drain_tbuf(tbuf, wsem):
        for t in range(4):
            pltpu.make_async_copy(
                out_hbm.at[0, 0, 0],
                tbuf.at[pl.ds(t * 8, 8), pl.ds(0, 128)],
                wsem,
            ).wait()

    def transpose_chunk(g, rows, first):
        def do_ss(ss, tbuf, wsem, guard):
            if guard is None:
                drain_tbuf(tbuf, wsem)
            else:

                @pl.when(guard)
                def _():
                    drain_tbuf(tbuf, wsem)

            row0 = ss * 128
            def ubody(u, carry):
                bl0 = u * 4
                for k in range(4):
                    bl = bl0 + k
                    r = row0 + bl
                    colv = jnp.full((16,), bl, jnp.int32)
                    h0 = rows[r, pl.ds(0, 16)]
                    h1 = rows[r, pl.ds(16, 16)]
                    plsc.store_scatter(tbuf, [iota, colv], h0)
                    plsc.store_scatter(tbuf, [iota16p, colv], h1)
                return carry

            lax.fori_loop(0, 32, ubody, 0)
            s = g * 8 + ss
            for t in range(4):
                pltpu.async_copy(
                    tbuf.at[pl.ds(t * 8, 8), pl.ds(0, 128)],
                    out_hbm.at[s, t, wid],
                    wsem,
                )

        def jbody(j, carry):
            ss0 = j * 2
            do_ss(ss0, tbuf_a, wsem_a, (g > 0) | (j > 0) if first else None)
            do_ss(ss0 + 1, tbuf_b, wsem_b, (g > 0) | (j > 0) if first else None)
            return carry

        lax.fori_loop(0, 4, jbody, 0)

    pltpu.sync_copy(x4_hbm.at[0, wid], idx_a)
    ga = pltpu.async_copy(table_hbm.at[idx_a], rows_a, gsem_a)

    def kbody(k, carry):
        g = k * 2
        pltpu.sync_copy(x4_hbm.at[g + 1, wid], idx_b)
        pltpu.async_copy(table_hbm.at[idx_b], rows_b, gsem_b)
        pltpu.make_async_copy(table_hbm.at[idx_a], rows_a, gsem_a).wait()
        transpose_chunk(g, rows_a, True)
        pltpu.sync_copy(x4_hbm.at[g + 2, wid], idx_a)
        pltpu.async_copy(table_hbm.at[idx_a], rows_a, gsem_a)
        pltpu.make_async_copy(table_hbm.at[idx_b], rows_b, gsem_b).wait()
        transpose_chunk(g + 1, rows_b, False)
        return carry

    lax.fori_loop(0, (_SG - 1) // 2, kbody, 0)

    ga = pltpu.make_async_copy(table_hbm.at[idx_a], rows_a, gsem_a)
    ga.wait()
    transpose_chunk(_SG - 1, rows_a, False)
    drain_tbuf(tbuf_a, wsem_a)
    drain_tbuf(tbuf_b, wsem_b)


def kernel(x, embedding_weight):
    x4 = (
        x.T.reshape(_SG, 8, _BB, 128).transpose(0, 2, 1, 3).reshape(_SG, _BB, 1024)
    )
    out6 = _sc_gather(embedding_weight, x4)
    return out6.transpose(2, 4, 0, 1, 3).reshape(BATCH, SEQ_LEN, EMBED_DIM)

# --- scband reference (transcript-rebuilt; emitter-appended) ---
"""Pipeline reference for scband-news-embedding-29076928594045 (READ-ONLY COPY).

The authoritative reference and input builder live on the scoring server;
editing this copy changes nothing except your own understanding.
"""

import jax, jax.numpy as jnp
import numpy as np

VOCAB_SIZE = 1000000
EMBED_DIM = 32
BATCH = 4096
SEQ_LEN = 200


def setup_inputs(seed: int = 0) -> dict:
    key = jax.random.key(seed)
    k_idx, k_tab = jax.random.split(key)
    x = jax.random.randint(k_idx, (BATCH, SEQ_LEN), 0, VOCAB_SIZE, dtype=jnp.int64 if jax.config.jax_enable_x64 else jnp.int32)
    x = x.astype(jnp.int32)
    # nn.Embedding weight, init uniform(-0.05, 0.05) per init_weight()
    embedding_weight = jax.random.uniform(k_tab, (VOCAB_SIZE, EMBED_DIM), dtype=jnp.float32, minval=-0.05, maxval=0.05)
    return {"x": x, "embedding_weight": embedding_weight}


def reference(x, embedding_weight):
    # forward (elmo_mode=False): embedding lookup followed by dropout.
    # Dropout is identity at inference time.
    embedding = jnp.take(embedding_weight, x, axis=0)  # (batch, seq_len, embed_dim)
    return embedding

if __name__ == "__main__":
    import jax
    _d = setup_inputs()
    print(jax.jit(kernel)(*tuple(_d.values())))

</pallas_src>

<mosaic_0001>
#map = affine_map<(d0, d1) -> (0, 0)>
#map1 = affine_map<(d0, d1) -> (0, 0, 0)>
#map2 = affine_map<(d0, d1) -> (0, 0, 0, 0, 0)>
module attributes {stable_mosaic.version = 14 : i64} {
  func.func @_sc_gather(%arg0: i32, %arg1: i32, %arg2: memref<1000000x32xf32, #tpu.memory_space<hbm>>, %arg3: memref<25x32x1024xi32, #tpu.memory_space<hbm>>, %arg4: memref<200x4x32x8x128xf32, #tpu.memory_space<hbm>>, %arg5: memref<1024xi32, #tpu.memory_space<vmem>>, %arg6: memref<1024xi32, #tpu.memory_space<vmem>>, %arg7: memref<1024x32xf32, #tpu.memory_space<vmem>>, %arg8: memref<1024x32xf32, #tpu.memory_space<vmem>>, %arg9: memref<32x129xf32, #tpu.memory_space<vmem>>, %arg10: memref<32x129xf32, #tpu.memory_space<vmem>>, %arg11: memref<!tpu.dma_semaphore, #tpu.memory_space<semaphore_mem>>, %arg12: memref<!tpu.dma_semaphore, #tpu.memory_space<semaphore_mem>>, %arg13: memref<!tpu.dma_semaphore, #tpu.memory_space<semaphore_mem>>, %arg14: memref<!tpu.dma_semaphore, #tpu.memory_space<semaphore_mem>>) attributes {dimension_semantics = [#tpu.dimension_semantics<core_parallel>, #tpu.dimension_semantics<subcore_parallel>], iteration_bounds = array<i64: 2, 16>, scalar_prefetch = 0 : i64, scratch_operands = 10 : i64, tpu.core_type = #tpu.core_type<sc_vector_subcore>, window_params = [{transform_indices = #map}, {transform_indices = #map1}, {transform_indices = #map2}]} {
    %mul3A = arith.constant 2 : i32
    %mul3A_0 = arith.muli %arg1, %mul3A : i32
    %add3A = arith.addi %mul3A_0, %arg0 : i32
    %iota3A = tpu.iota {dimensions = array<i32: 0>} : vector<16xi32>
    %add3A_1 = arith.constant 16 : i32
    %add3A_2 = vector.broadcast %add3A_1 : i32 to vector<16xi32>
    %add3A_3 = arith.addi %iota3A, %add3A_2 : vector<16xi32>
    %run_scoped3A = arith.constant 0 : i32
    "tpu.region"() ({
      %run_scoped3A_155 = tpu.sem_alloc : memref<!tpu.dma_semaphore, #tpu.memory_space<semaphore_mem>>
      %dma_start3A_156 = arith.constant 0 : i32
      %dma_start3A_157 = tpu.memref_slice %arg3[%run_scoped3A, %add3A, %dma_start3A_156] : memref<25x32x1024xi32, #tpu.memory_space<hbm>> -> memref<1x1x1024xi32, #tpu.memory_space<hbm>>
      %dma_start3A_158 = tpu.memref_squeeze %dma_start3A_157 : memref<1x1x1024xi32, #tpu.memory_space<hbm>> -> memref<1024xi32, #tpu.memory_space<hbm>>
      %dma_start3A_159 = arith.constant 0 : i32
      %dma_start3A_160 = tpu.memref_slice %arg3[%run_scoped3A, %add3A, %dma_start3A_159] : memref<25x32x1024xi32, #tpu.memory_space<hbm>> -> memref<1x1x1024xi32, #tpu.memory_space<hbm>>
      %dma_start3A_161 = tpu.memref_squeeze %dma_start3A_160 : memref<1x1x1024xi32, #tpu.memory_space<hbm>> -> memref<1024xi32, #tpu.memory_space<hbm>>
      tpu.enqueue_dma source(%dma_start3A_161 : memref<1024xi32, #tpu.memory_space<hbm>>) target(%arg5 : memref<1024xi32, #tpu.memory_space<vmem>>) target_semaphore(%run_scoped3A_155 : memref<!tpu.dma_semaphore, #tpu.memory_space<semaphore_mem>>)
      %dma_wait3A_162 = arith.constant 0 : i32
      %dma_wait3A_163 = tpu.memref_slice %arg3[%run_scoped3A, %add3A, %dma_wait3A_162] : memref<25x32x1024xi32, #tpu.memory_space<hbm>> -> memref<1x1x1024xi32, #tpu.memory_space<hbm>>
      %dma_wait3A_164 = tpu.memref_squeeze %dma_wait3A_163 : memref<1x1x1024xi32, #tpu.memory_space<hbm>> -> memref<1024xi32, #tpu.memory_space<hbm>>
      %dma_wait3A_165 = arith.constant 0 : i32
      %dma_wait3A_166 = tpu.memref_slice %arg3[%run_scoped3A, %add3A, %dma_wait3A_165] : memref<25x32x1024xi32, #tpu.memory_space<hbm>> -> memref<1x1x1024xi32, #tpu.memory_space<hbm>>
      %dma_wait3A_167 = tpu.memref_squeeze %dma_wait3A_166 : memref<1x1x1024xi32, #tpu.memory_space<hbm>> -> memref<1024xi32, #tpu.memory_space<hbm>>
      tpu.wait_dma2 semaphore(%run_scoped3A_155 : memref<!tpu.dma_semaphore, #tpu.memory_space<semaphore_mem>>) src(%dma_wait3A_167 : memref<1024xi32, #tpu.memory_space<hbm>>) dst(%arg5 : memref<1024xi32, #tpu.memory_space<vmem>>)
      tpu.yield
    }) : () -> ()
    %dma_start3A = arith.constant 0 : i32
    %dma_start3A_4 = arith.constant 0 : i32
    %dma_start3A_5 = tpu.memref_slice %arg2[%dma_start3A, %dma_start3A_4] : memref<1000000x32xf32, #tpu.memory_space<hbm>> -> memref<1000000x32xf32, #tpu.memory_space<hbm>>
    tpu.enqueue_indirect_dma source(%dma_start3A_5 : memref<1000000x32xf32, #tpu.memory_space<hbm>>) target(%arg7 : memref<1024x32xf32, #tpu.memory_space<vmem>>) offsets(%arg5 : memref<1024xi32, #tpu.memory_space<vmem>>) semaphore(%arg11 : memref<!tpu.dma_semaphore, #tpu.memory_space<semaphore_mem>>)
    %scan3A = arith.constant 0 : i32
    %scan3A_6 = arith.constant 0 : i32
    %scan3A_7 = arith.constant 12 : i32
    %scan3A_8 = arith.addi %scan3A_6, %scan3A_7 : i32
    %scan3A_9 = arith.constant 1 : i32
    scf.for %scan3A_155 = %scan3A_6 to %scan3A_8 step %scan3A_9  : i32 {
      %mul3A_156 = arith.constant 2 : i32
      %mul3A_157 = arith.muli %scan3A_155, %mul3A_156 : i32
      %add3A_158 = arith.constant 1 : i32
      %add3A_159 = arith.addi %mul3A_157, %add3A_158 : i32
      "tpu.region"() ({
        %run_scoped3A_188 = tpu.sem_alloc : memref<!tpu.dma_semaphore, #tpu.memory_space<semaphore_mem>>
        %dma_start3A_189 = arith.constant 0 : i32
        %dma_start3A_190 = tpu.memref_slice %arg3[%add3A_159, %add3A, %dma_start3A_189] : memref<25x32x1024xi32, #tpu.memory_space<hbm>> -> memref<1x1x1024xi32, #tpu.memory_space<hbm>>
        %dma_start3A_191 = tpu.memref_squeeze %dma_start3A_190 : memref<1x1x1024xi32, #tpu.memory_space<hbm>> -> memref<1024xi32, #tpu.memory_space<hbm>>
        %dma_start3A_192 = arith.constant 0 : i32
        %dma_start3A_193 = tpu.memref_slice %arg3[%add3A_159, %add3A, %dma_start3A_192] : memref<25x32x1024xi32, #tpu.memory_space<hbm>> -> memref<1x1x1024xi32, #tpu.memory_space<hbm>>
        %dma_start3A_194 = tpu.memref_squeeze %dma_start3A_193 : memref<1x1x1024xi32, #tpu.memory_space<hbm>> -> memref<1024xi32, #tpu.memory_space<hbm>>
        tpu.enqueue_dma source(%dma_start3A_194 : memref<1024xi32, #tpu.memory_space<hbm>>) target(%arg6 : memref<1024xi32, #tpu.memory_space<vmem>>) target_semaphore(%run_scoped3A_188 : memref<!tpu.dma_semaphore, #tpu.memory_space<semaphore_mem>>)
        %dma_wait3A_195 = arith.constant 0 : i32
        %dma_wait3A_196 = tpu.memref_slice %arg3[%add3A_159, %add3A, %dma_wait3A_195] : memref<25x32x1024xi32, #tpu.memory_space<hbm>> -> memref<1x1x1024xi32, #tpu.memory_space<hbm>>
        %dma_wait3A_197 = tpu.memref_squeeze %dma_wait3A_196 : memref<1x1x1024xi32, #tpu.memory_space<hbm>> -> memref<1024xi32, #tpu.memory_space<hbm>>
        %dma_wait3A_198 = arith.constant 0 : i32
        %dma_wait3A_199 = tpu.memref_slice %arg3[%add3A_159, %add3A, %dma_wait3A_198] : memref<25x32x1024xi32, #tpu.memory_space<hbm>> -> memref<1x1x1024xi32, #tpu.memory_space<hbm>>
        %dma_wait3A_200 = tpu.memref_squeeze %dma_wait3A_199 : memref<1x1x1024xi32, #tpu.memory_space<hbm>> -> memref<1024xi32, #tpu.memory_space<hbm>>
        tpu.wait_dma2 semaphore(%run_scoped3A_188 : memref<!tpu.dma_semaphore, #tpu.memory_space<semaphore_mem>>) src(%dma_wait3A_200 : memref<1024xi32, #tpu.memory_space<hbm>>) dst(%arg6 : memref<1024xi32, #tpu.memory_space<vmem>>)
        tpu.yield
      }) : () -> ()
      %dma_start3A_160 = arith.constant 0 : i32
      %dma_start3A_161 = arith.constant 0 : i32
      %dma_start3A_162 = tpu.memref_slice %arg2[%dma_start3A_160, %dma_start3A_161] : memref<1000000x32xf32, #tpu.memory_space<hbm>> -> memref<1000000x32xf32, #tpu.memory_space<hbm>>
      tpu.enqueue_indirect_dma source(%dma_start3A_162 : memref<1000000x32xf32, #tpu.memory_space<hbm>>) target(%arg8 : memref<1024x32xf32, #tpu.memory_space<vmem>>) offsets(%arg6 : memref<1024xi32, #tpu.memory_space<vmem>>) semaphore(%arg12 : memref<!tpu.dma_semaphore, #tpu.memory_space<semaphore_mem>>)
      %dma_wait3A_163 = arith.constant 0 : i32
      %dma_wait3A_164 = arith.constant 0 : i32
      %dma_wait3A_165 = tpu.memref_slice %arg2[%dma_wait3A_163, %dma_wait3A_164] : memref<1000000x32xf32, #tpu.memory_space<hbm>> -> memref<1000000x32xf32, #tpu.memory_space<hbm>>
      tpu.wait_indirect_dma semaphore(%arg11 : memref<!tpu.dma_semaphore, #tpu.memory_space<semaphore_mem>>) src(%dma_wait3A_165 : memref<1000000x32xf32, #tpu.memory_space<hbm>>) dst(%arg7 : memref<1024x32xf32, #tpu.memory_space<vmem>>)
      %scan3A_166 = arith.constant 0 : i32
      %scan3A_167 = arith.constant 0 : i32
      %scan3A_168 = arith.constant 4 : i32
      %scan3A_169 = arith.addi %scan3A_167, %scan3A_168 : i32
      %scan3A_170 = arith.constant 1 : i32
      scf.for %scan3A_188 = %scan3A_167 to %scan3A_169 step %scan3A_170  : i32 {
        %mul3A_189 = arith.constant 2 : i32
        %mul3A_190 = arith.muli %scan3A_188, %mul3A_189 : i32
        %gt3A = arith.constant 0 : i32
        %gt3A_191 = arith.cmpi sgt, %mul3A_157, %gt3A : i32
        %gt3A_192 = arith.constant 0 : i32
        %gt3A_193 = arith.cmpi sgt, %scan3A_188, %gt3A_192 : i32
        %or3A = arith.ori %gt3A_191, %gt3A_193 : i1
        %convert_element_type3A = arith.extui %or3A : i1 to i32
        %cond3A = arith.constant 0 : i32
        %cond3A_194 = arith.cmpi ne, %convert_element_type3A, %cond3A : i32
        scf.if %cond3A_194 {
          %dma_wait3A_347 = arith.constant 0 : i32
          %dma_wait3A_348 = arith.constant 0 : i32
          %dma_wait3A_349 = arith.constant 0 : i32
          %dma_wait3A_350 = arith.constant 0 : i32
          %dma_wait3A_351 = arith.constant 0 : i32
          %dma_wait3A_352 = tpu.memref_slice %arg9[%dma_wait3A_350, %dma_wait3A_351] : memref<32x129xf32, #tpu.memory_space<vmem>> -> memref<8x128xf32, #tpu.memory_space<vmem>>
          %dma_wait3A_353 = arith.constant 0 : i32
          %dma_wait3A_354 = arith.constant 0 : i32
          %dma_wait3A_355 = tpu.memref_slice %arg4[%dma_wait3A_347, %dma_wait3A_348, %dma_wait3A_349, %dma_wait3A_353, %dma_wait3A_354] : memref<200x4x32x8x128xf32, #tpu.memory_space<hbm>> -> memref<1x1x1x8x128xf32, #tpu.memory_space<hbm>>
          %dma_wait3A_356 = tpu.memref_squeeze %dma_wait3A_355 : memref<1x1x1x8x128xf32, #tpu.memory_space<hbm>> -> memref<8x128xf32, #tpu.memory_space<hbm>>
          %dma_wait3A_357 = arith.constant 0 : i32
          %dma_wait3A_358 = arith.constant 0 : i32
          %dma_wait3A_359 = tpu.memref_slice %arg9[%dma_wait3A_357, %dma_wait3A_358] : memref<32x129xf32, #tpu.memory_space<vmem>> -> memref<8x128xf32, #tpu.memory_space<vmem>>
          %dma_wait3A_360 = arith.constant 0 : i32
          %dma_wait3A_361 = arith.constant 0 : i32
          %dma_wait3A_362 = tpu.memref_slice %arg4[%dma_wait3A_347, %dma_wait3A_348, %dma_wait3A_349, %dma_wait3A_360, %dma_wait3A_361] : memref<200x4x32x8x128xf32, #tpu.memory_space<hbm>> -> memref<1x1x1x8x128xf32, #tpu.memory_space<hbm>>
          %dma_wait3A_363 = tpu.memref_squeeze %dma_wait3A_362 : memref<1x1x1x8x128xf32, #tpu.memory_space<hbm>> -> memref<8x128xf32, #tpu.memory_space<hbm>>
          tpu.wait_dma2 semaphore(%arg13 : memref<!tpu.dma_semaphore, #tpu.memory_space<semaphore_mem>>) src(%dma_wait3A_363 : memref<8x128xf32, #tpu.memory_space<hbm>>) dst(%dma_wait3A_359 : memref<8x128xf32, #tpu.memory_space<vmem>>)
          %dma_wait3A_364 = arith.constant 0 : i32
          %dma_wait3A_365 = arith.constant 0 : i32
          %dma_wait3A_366 = arith.constant 0 : i32
          %dma_wait3A_367 = arith.constant 8 : i32
          %dma_wait3A_368 = arith.constant 0 : i32
          %dma_wait3A_369 = tpu.memref_slice %arg9[%dma_wait3A_367, %dma_wait3A_368] : memref<32x129xf32, #tpu.memory_space<vmem>> -> memref<8x128xf32, #tpu.memory_space<vmem>>
          %dma_wait3A_370 = arith.constant 0 : i32
          %dma_wait3A_371 = arith.constant 0 : i32
          %dma_wait3A_372 = tpu.memref_slice %arg4[%dma_wait3A_364, %dma_wait3A_365, %dma_wait3A_366, %dma_wait3A_370, %dma_wait3A_371] : memref<200x4x32x8x128xf32, #tpu.memory_space<hbm>> -> memref<1x1x1x8x128xf32, #tpu.memory_space<hbm>>
          %dma_wait3A_373 = tpu.memref_squeeze %dma_wait3A_372 : memref<1x1x1x8x128xf32, #tpu.memory_space<hbm>> -> memref<8x128xf32, #tpu.memory_space<hbm>>
          %dma_wait3A_374 = arith.constant 8 : i32
          %dma_wait3A_375 = arith.constant 0 : i32
          %dma_wait3A_376 = tpu.memref_slice %arg9[%dma_wait3A_374, %dma_wait3A_375] : memref<32x129xf32, #tpu.memory_space<vmem>> -> memref<8x128xf32, #tpu.memory_space<vmem>>
          %dma_wait3A_377 = arith.constant 0 : i32
          %dma_wait3A_378 = arith.constant 0 : i32
          %dma_wait3A_379 = tpu.memref_slice %arg4[%dma_wait3A_364, %dma_wait3A_365, %dma_wait3A_366, %dma_wait3A_377, %dma_wait3A_378] : memref<200x4x32x8x128xf32, #tpu.memory_space<hbm>> -> memref<1x1x1x8x128xf32, #tpu.memory_space<hbm>>
          %dma_wait3A_380 = tpu.memref_squeeze %dma_wait3A_379 : memref<1x1x1x8x128xf32, #tpu.memory_space<hbm>> -> memref<8x128xf32, #tpu.memory_space<hbm>>
          tpu.wait_dma2 semaphore(%arg13 : memref<!tpu.dma_semaphore, #tpu.memory_space<semaphore_mem>>) src(%dma_wait3A_380 : memref<8x128xf32, #tpu.memory_space<hbm>>) dst(%dma_wait3A_376 : memref<8x128xf32, #tpu.memory_space<vmem>>)
          %dma_wait3A_381 = arith.constant 0 : i32
          %dma_wait3A_382 = arith.constant 0 : i32
          %dma_wait3A_383 = arith.constant 0 : i32
          %dma_wait3A_384 = arith.constant 16 : i32
          %dma_wait3A_385 = arith.constant 0 : i32
          %dma_wait3A_386 = tpu.memref_slice %arg9[%dma_wait3A_384, %dma_wait3A_385] : memref<32x129xf32, #tpu.memory_space<vmem>> -> memref<8x128xf32, #tpu.memory_space<vmem>>
          %dma_wait3A_387 = arith.constant 0 : i32
          %dma_wait3A_388 = arith.constant 0 : i32
          %dma_wait3A_389 = tpu.memref_slice %arg4[%dma_wait3A_381, %dma_wait3A_382, %dma_wait3A_383, %dma_wait3A_387, %dma_wait3A_388] : memref<200x4x32x8x128xf32, #tpu.memory_space<hbm>> -> memref<1x1x1x8x128xf32, #tpu.memory_space<hbm>>
          %dma_wait3A_390 = tpu.memref_squeeze %dma_wait3A_389 : memref<1x1x1x8x128xf32, #tpu.memory_space<hbm>> -> memref<8x128xf32, #tpu.memory_space<hbm>>
          %dma_wait3A_391 = arith.constant 16 : i32
          %dma_wait3A_392 = arith.constant 0 : i32
          %dma_wait3A_393 = tpu.memref_slice %arg9[%dma_wait3A_391, %dma_wait3A_392] : memref<32x129xf32, #tpu.memory_space<vmem>> -> memref<8x128xf32, #tpu.memory_space<vmem>>
          %dma_wait3A_394 = arith.constant 0 : i32
          %dma_wait3A_395 = arith.constant 0 : i32
          %dma_wait3A_396 = tpu.memref_slice %arg4[%dma_wait3A_381, %dma_wait3A_382, %dma_wait3A_383, %dma_wait3A_394, %dma_wait3A_395] : memref<200x4x32x8x128xf32, #tpu.memory_space<hbm>> -> memref<1x1x1x8x128xf32, #tpu.memory_space<hbm>>
          %dma_wait3A_397 = tpu.memref_squeeze %dma_wait3A_396 : memref<1x1x1x8x128xf32, #tpu.memory_space<hbm>> -> memref<8x128xf32, #tpu.memory_space<hbm>>
          tpu.wait_dma2 semaphore(%arg13 : memref<!tpu.dma_semaphore, #tpu.memory_space<semaphore_mem>>) src(%dma_wait3A_397 : memref<8x128xf32, #tpu.memory_space<hbm>>) dst(%dma_wait3A_393 : memref<8x128xf32, #tpu.memory_space<vmem>>)
          %dma_wait3A_398 = arith.constant 0 : i32
          %dma_wait3A_399 = arith.constant 0 : i32
          %dma_wait3A_400 = arith.constant 0 : i32
          %dma_wait3A_401 = arith.constant 24 : i32
          %dma_wait3A_402 = arith.constant 0 : i32
          %dma_wait3A_403 = tpu.memref_slice %arg9[%dma_wait3A_401, %dma_wait3A_402] : memref<32x129xf32, #tpu.memory_space<vmem>> -> memref<8x128xf32, #tpu.memory_space<vmem>>
          %dma_wait3A_404 = arith.constant 0 : i32
          %dma_wait3A_405 = arith.constant 0 : i32
          %dma_wait3A_406 = tpu.memref_slice %arg4[%dma_wait3A_398, %dma_wait3A_399, %dma_wait3A_400, %dma_wait3A_404, %dma_wait3A_405] : memref<200x4x32x8x128xf32, #tpu.memory_space<hbm>> -> memref<1x1x1x8x128xf32, #tpu.memory_space<hbm>>
          %dma_wait3A_407 = tpu.memref_squeeze %dma_wait3A_406 : memref<1x1x1x8x128xf32, #tpu.memory_space<hbm>> -> memref<8x128xf32, #tpu.memory_space<hbm>>
          %dma_wait3A_408 = arith.constant 24 : i32
          %dma_wait3A_409 = arith.constant 0 : i32
          %dma_wait3A_410 = tpu.memref_slice %arg9[%dma_wait3A_408, %dma_wait3A_409] : memref<32x129xf32, #tpu.memory_space<vmem>> -> memref<8x128xf32, #tpu.memory_space<vmem>>
          %dma_wait3A_411 = arith.constant 0 : i32
          %dma_wait3A_412 = arith.constant 0 : i32
          %dma_wait3A_413 = tpu.memref_slice %arg4[%dma_wait3A_398, %dma_wait3A_399, %dma_wait3A_400, %dma_wait3A_411, %dma_wait3A_412] : memref<200x4x32x8x128xf32, #tpu.memory_space<hbm>> -> memref<1x1x1x8x128xf32, #tpu.memory_space<hbm>>
          %dma_wait3A_414 = tpu.memref_squeeze %dma_wait3A_413 : memref<1x1x1x8x128xf32, #tpu.memory_space<hbm>> -> memref<8x128xf32, #tpu.memory_space<hbm>>
          tpu.wait_dma2 semaphore(%arg13 : memref<!tpu.dma_semaphore, #tpu.memory_space<semaphore_mem>>) src(%dma_wait3A_414 : memref<8x128xf32, #tpu.memory_space<hbm>>) dst(%dma_wait3A_410 : memref<8x128xf32, #tpu.memory_space<vmem>>)
        } else {
        }
        %mul3A_195 = arith.constant 128 : i32
        %mul3A_196 = arith.muli %mul3A_190, %mul3A_195 : i32
        %scan3A_197 = arith.constant 0 : i32
        %scan3A_198 = arith.constant 0 : i32
        %scan3A_199 = arith.constant 32 : i32
        %scan3A_200 = arith.addi %scan3A_198, %scan3A_199 : i32
        %scan3A_201 = arith.constant 1 : i32
        scf.for %scan3A_347 = %scan3A_198 to %scan3A_200 step %scan3A_201  : i32 {
          %mul3A_348 = arith.constant 4 : i32
          %mul3A_349 = arith.muli %scan3A_347, %mul3A_348 : i32
          %add3A_350 = arith.constant 0 : i32
          %add3A_351 = arith.addi %mul3A_349, %add3A_350 : i32
          %add3A_352 = arith.addi %mul3A_196, %add3A_351 : i32
          %broadcast_in_dim3A = vector.broadcast %add3A_351 : i32 to vector<16xi32>
          %get3A = arith.index_cast %add3A_352 : i32 to index
          %get3A_353 = arith.constant 0 : index
          %get3A_354 = tpu.vector_load %arg7[%get3A, %get3A_353] {strides = array<i32>} : memref<1024x32xf32, #tpu.memory_space<vmem>>, vector<16xf32>,
          %get3A_355 = arith.index_cast %add3A_352 : i32 to index
          %get3A_356 = arith.constant 16 : index
          %get3A_357 = tpu.vector_load %arg7[%get3A_355, %get3A_356] {strides = array<i32>} : memref<1024x32xf32, #tpu.memory_space<vmem>>, vector<16xf32>,
          tpu.vector_store_idx %arg9[%iota3A, %broadcast_in_dim3A], %get3A_354 : memref<32x129xf32, #tpu.memory_space<vmem>>[vector<16xi32>, vector<16xi32>], vector<16xf32>,
          tpu.vector_store_idx %arg9[%add3A_3, %broadcast_in_dim3A], %get3A_357 : memref<32x129xf32, #tpu.memory_space<vmem>>[vector<16xi32>, vector<16xi32>], vector<16xf32>,
          %add3A_358 = arith.constant 1 : i32
          %add3A_359 = arith.addi %mul3A_349, %add3A_358 : i32
          %add3A_360 = arith.addi %mul3A_196, %add3A_359 : i32
          %broadcast_in_dim3A_361 = vector.broadcast %add3A_359 : i32 to vector<16xi32>
          %get3A_362 = arith.index_cast %add3A_360 : i32 to index
          %get3A_363 = arith.constant 0 : index
          %get3A_364 = tpu.vector_load %arg7[%get3A_362, %get3A_363] {strides = array<i32>} : memref<1024x32xf32, #tpu.memory_space<vmem>>, vector<16xf32>,
          %get3A_365 = arith.index_cast %add3A_360 : i32 to index
          %get3A_366 = arith.constant 16 : index
          %get3A_367 = tpu.vector_load %arg7[%get3A_365, %get3A_366] {strides = array<i32>} : memref<1024x32xf32, #tpu.memory_space<vmem>>, vector<16xf32>,
          tpu.vector_store_idx %arg9[%iota3A, %broadcast_in_dim3A_361], %get3A_364 : memref<32x129xf32, #tpu.memory_space<vmem>>[vector<16xi32>, vector<16xi32>], vector<16xf32>,
          tpu.vector_store_idx %arg9[%add3A_3, %broadcast_in_dim3A_361], %get3A_367 : memref<32x129xf32, #tpu.memory_space<vmem>>[vector<16xi32>, vector<16xi32>], vector<16xf32>,
          %add3A_368 = arith.constant 2 : i32
          %add3A_369 = arith.addi %mul3A_349, %add3A_368 : i32
          %add3A_370 = arith.addi %mul3A_196, %add3A_369 : i32
          %broadcast_in_dim3A_371 = vector.broadcast %add3A_369 : i32 to vector<16xi32>
          %get3A_372 = arith.index_cast %add3A_370 : i32 to index
          %get3A_373 = arith.constant 0 : index
          %get3A_374 = tpu.vector_load %arg7[%get3A_372, %get3A_373] {strides = array<i32>} : memref<1024x32xf32, #tpu.memory_space<vmem>>, vector<16xf32>,
          %get3A_375 = arith.index_cast %add3A_370 : i32 to index
          %get3A_376 = arith.constant 16 : index
          %get3A_377 = tpu.vector_load %arg7[%get3A_375, %get3A_376] {strides = array<i32>} : memref<1024x32xf32, #tpu.memory_space<vmem>>, vector<16xf32>,
          tpu.vector_store_idx %arg9[%iota3A, %broadcast_in_dim3A_371], %get3A_374 : memref<32x129xf32, #tpu.memory_space<vmem>>[vector<16xi32>, vector<16xi32>], vector<16xf32>,
          tpu.vector_store_idx %arg9[%add3A_3, %broadcast_in_dim3A_371], %get3A_377 : memref<32x129xf32, #tpu.memory_space<vmem>>[vector<16xi32>, vector<16xi32>], vector<16xf32>,
          %add3A_378 = arith.constant 3 : i32
          %add3A_379 = arith.addi %mul3A_349, %add3A_378 : i32
          %add3A_380 = arith.addi %mul3A_196, %add3A_379 : i32
          %broadcast_in_dim3A_381 = vector.broadcast %add3A_379 : i32 to vector<16xi32>
          %get3A_382 = arith.index_cast %add3A_380 : i32 to index
          %get3A_383 = arith.constant 0 : index
          %get3A_384 = tpu.vector_load %arg7[%get3A_382, %get3A_383] {strides = array<i32>} : memref<1024x32xf32, #tpu.memory_space<vmem>>, vector<16xf32>,
          %get3A_385 = arith.index_cast %add3A_380 : i32 to index
          %get3A_386 = arith.constant 16 : index
          %get3A_387 = tpu.vector_load %arg7[%get3A_385, %get3A_386] {strides = array<i32>} : memref<1024x32xf32, #tpu.memory_space<vmem>>, vector<16xf32>,
          tpu.vector_store_idx %arg9[%iota3A, %broadcast_in_dim3A_381], %get3A_384 : memref<32x129xf32, #tpu.memory_space<vmem>>[vector<16xi32>, vector<16xi32>], vector<16xf32>,
          tpu.vector_store_idx %arg9[%add3A_3, %broadcast_in_dim3A_381], %get3A_387 : memref<32x129xf32, #tpu.memory_space<vmem>>[vector<16xi32>, vector<16xi32>], vector<16xf32>,
        }
        %scan3A_202 = arith.constant 32 : i32
        %mul3A_203 = arith.constant 8 : i32
        %mul3A_204 = arith.muli %mul3A_157, %mul3A_203 : i32
        %add3A_205 = arith.addi %mul3A_204, %mul3A_190 : i32
        %dma_start3A_206 = arith.constant 0 : i32
        %dma_start3A_207 = arith.constant 0 : i32
        %dma_start3A_208 = arith.constant 0 : i32
        %dma_start3A_209 = tpu.memref_slice %arg9[%dma_start3A_207, %dma_start3A_208] : memref<32x129xf32, #tpu.memory_space<vmem>> -> memref<8x128xf32, #tpu.memory_space<vmem>>
        %dma_start3A_210 = arith.constant 0 : i32
        %dma_start3A_211 = arith.constant 0 : i32
        %dma_start3A_212 = tpu.memref_slice %arg4[%add3A_205, %dma_start3A_206, %add3A, %dma_start3A_210, %dma_start3A_211] : memref<200x4x32x8x128xf32, #tpu.memory_space<hbm>> -> memref<1x1x1x8x128xf32, #tpu.memory_space<hbm>>
        %dma_start3A_213 = tpu.memref_squeeze %dma_start3A_212 : memref<1x1x1x8x128xf32, #tpu.memory_space<hbm>> -> memref<8x128xf32, #tpu.memory_space<hbm>>
        %dma_start3A_214 = arith.constant 0 : i32
        %dma_start3A_215 = arith.constant 0 : i32
        %dma_start3A_216 = tpu.memref_slice %arg4[%add3A_205, %dma_start3A_206, %add3A, %dma_start3A_214, %dma_start3A_215] : memref<200x4x32x8x128xf32, #tpu.memory_space<hbm>> -> memref<1x1x1x8x128xf32, #tpu.memory_space<hbm>>
        %dma_start3A_217 = tpu.memref_squeeze %dma_start3A_216 : memref<1x1x1x8x128xf32, #tpu.memory_space<hbm>> -> memref<8x128xf32, #tpu.memory_space<hbm>>
        %dma_start3A_218 = arith.constant 0 : i32
        %dma_start3A_219 = arith.constant 0 : i32
        %dma_start3A_220 = tpu.memref_slice %arg9[%dma_start3A_218, %dma_start3A_219] : memref<32x129xf32, #tpu.memory_space<vmem>> -> memref<8x128xf32, #tpu.memory_space<vmem>>
        tpu.enqueue_dma source(%dma_start3A_220 : memref<8x128xf32, #tpu.memory_space<vmem>>) target(%dma_start3A_217 : memref<8x128xf32, #tpu.memory_space<hbm>>) target_semaphore(%arg13 : memref<!tpu.dma_semaphore, #tpu.memory_space<semaphore_mem>>)
        %dma_start3A_221 = arith.constant 1 : i32
        %dma_start3A_222 = arith.constant 8 : i32
        %dma_start3A_223 = arith.constant 0 : i32
        %dma_start3A_224 = tpu.memref_slice %arg9[%dma_start3A_222, %dma_start3A_223] : memref<32x129xf32, #tpu.memory_space<vmem>> -> memref<8x128xf32, #tpu.memory_space<vmem>>
        %dma_start3A_225 = arith.constant 0 : i32
        %dma_start3A_226 = arith.constant 0 : i32
        %dma_start3A_227 = tpu.memref_slice %arg4[%add3A_205, %dma_start3A_221, %add3A, %dma_start3A_225, %dma_start3A_226] : memref<200x4x32x8x128xf32, #tpu.memory_space<hbm>> -> memref<1x1x1x8x128xf32, #tpu.memory_space<hbm>>
        %dma_start3A_228 = tpu.memref_squeeze %dma_start3A_227 : memref<1x1x1x8x128xf32, #tpu.memory_space<hbm>> -> memref<8x128xf32, #tpu.memory_space<hbm>>
        %dma_start3A_229 = arith.constant 0 : i32
        %dma_start3A_230 = arith.constant 0 : i32
        %dma_start3A_231 = tpu.memref_slice %arg4[%add3A_205, %dma_start3A_221, %add3A, %dma_start3A_229, %dma_start3A_230] : memref<200x4x32x8x128xf32, #tpu.memory_space<hbm>> -> memref<1x1x1x8x128xf32, #tpu.memory_space<hbm>>
        %dma_start3A_232 = tpu.memref_squeeze %dma_start3A_231 : memref<1x1x1x8x128xf32, #tpu.memory_space<hbm>> -> memref<8x128xf32, #tpu.memory_space<hbm>>
        %dma_start3A_233 = arith.constant 8 : i32
        %dma_start3A_234 = arith.constant 0 : i32
        %dma_start3A_235 = tpu.memref_slice %arg9[%dma_start3A_233, %dma_start3A_234] : memref<32x129xf32, #tpu.memory_space<vmem>> -> memref<8x128xf32, #tpu.memory_space<vmem>>
        tpu.enqueue_dma source(%dma_start3A_235 : memref<8x128xf32, #tpu.memory_space<vmem>>) target(%dma_start3A_232 : memref<8x128xf32, #tpu.memory_space<hbm>>) target_semaphore(%arg13 : memref<!tpu.dma_semaphore, #tpu.memory_space<semaphore_mem>>)
        %dma_start3A_236 = arith.constant 2 : i32
        %dma_start3A_237 = arith.constant 16 : i32
        %dma_start3A_238 = arith.constant 0 : i32
        %dma_start3A_239 = tpu.memref_slice %arg9[%dma_start3A_237, %dma_start3A_238] : memref<32x129xf32, #tpu.memory_space<vmem>> -> memref<8x128xf32, #tpu.memory_space<vmem>>
        %dma_start3A_240 = arith.constant 0 : i32
        %dma_start3A_241 = arith.constant 0 : i32
        %dma_start3A_242 = tpu.memref_slice %arg4[%add3A_205, %dma_start3A_236, %add3A, %dma_start3A_240, %dma_start3A_241] : memref<200x4x32x8x128xf32, #tpu.memory_space<hbm>> -> memref<1x1x1x8x128xf32, #tpu.memory_space<hbm>>
        %dma_start3A_243 = tpu.memref_squeeze %dma_start3A_242 : memref<1x1x1x8x128xf32, #tpu.memory_space<hbm>> -> memref<8x128xf32, #tpu.memory_space<hbm>>
        %dma_start3A_244 = arith.constant 0 : i32
        %dma_start3A_245 = arith.constant 0 : i32
        %dma_start3A_246 = tpu.memref_slice %arg4[%add3A_205, %dma_start3A_236, %add3A, %dma_start3A_244, %dma_start3A_245] : memref<200x4x32x8x128xf32, #tpu.memory_space<hbm>> -> memref<1x1x1x8x128xf32, #tpu.memory_space<hbm>>
        %dma_start3A_247 = tpu.memref_squeeze %dma_start3A_246 : memref<1x1x1x8x128xf32, #tpu.memory_space<hbm>> -> memref<8x128xf32, #tpu.memory_space<hbm>>
        %dma_start3A_248 = arith.constant 16 : i32
        %dma_start3A_249 = arith.constant 0 : i32
        %dma_start3A_250 = tpu.memref_slice %arg9[%dma_start3A_248, %dma_start3A_249] : memref<32x129xf32, #tpu.memory_space<vmem>> -> memref<8x128xf32, #tpu.memory_space<vmem>>
        tpu.enqueue_dma source(%dma_start3A_250 : memref<8x128xf32, #tpu.memory_space<vmem>>) target(%dma_start3A_247 : memref<8x128xf32, #tpu.memory_space<hbm>>) target_semaphore(%arg13 : memref<!tpu.dma_semaphore, #tpu.memory_space<semaphore_mem>>)
        %dma_start3A_251 = arith.constant 3 : i32
        %dma_start3A_252 = arith.constant 24 : i32
        %dma_start3A_253 = arith.constant 0 : i32
        %dma_start3A_254 = tpu.memref_slice %arg9[%dma_start3A_252, %dma_start3A_253] : memref<32x129xf32, #tpu.memory_space<vmem>> -> memref<8x128xf32, #tpu.memory_space<vmem>>
        %dma_start3A_255 = arith.constant 0 : i32
        %dma_start3A_256 = arith.constant 0 : i32
        %dma_start3A_257 = tpu.memref_slice %arg4[%add3A_205, %dma_start3A_251, %add3A, %dma_start3A_255, %dma_start3A_256] : memref<200x4x32x8x128xf32, #tpu.memory_space<hbm>> -> memref<1x1x1x8x128xf32, #tpu.memory_space<hbm>>
        %dma_start3A_258 = tpu.memref_squeeze %dma_start3A_257 : memref<1x1x1x8x128xf32, #tpu.memory_space<hbm>> -> memref<8x128xf32, #tpu.memory_space<hbm>>
        %dma_start3A_259 = arith.constant 0 : i32
        %dma_start3A_260 = arith.constant 0 : i32
        %dma_start3A_261 = tpu.memref_slice %arg4[%add3A_205, %dma_start3A_251, %add3A, %dma_start3A_259, %dma_start3A_260] : memref<200x4x32x8x128xf32, #tpu.memory_space<hbm>> -> memref<1x1x1x8x128xf32, #tpu.memory_space<hbm>>
        %dma_start3A_262 = tpu.memref_squeeze %dma_start3A_261 : memref<1x1x1x8x128xf32, #tpu.memory_space<hbm>> -> memref<8x128xf32, #tpu.memory_space<hbm>>
        %dma_start3A_263 = arith.constant 24 : i32
        %dma_start3A_264 = arith.constant 0 : i32
        %dma_start3A_265 = tpu.memref_slice %arg9[%dma_start3A_263, %dma_start3A_264] : memref<32x129xf32, #tpu.memory_space<vmem>> -> memref<8x128xf32, #tpu.memory_space<vmem>>
        tpu.enqueue_dma source(%dma_start3A_265 : memref<8x128xf32, #tpu.memory_space<vmem>>) target(%dma_start3A_262 : memref<8x128xf32, #tpu.memory_space<hbm>>) target_semaphore(%arg13 : memref<!tpu.dma_semaphore, #tpu.memory_space<semaphore_mem>>)
        %add3A_266 = arith.constant 1 : i32
        %add3A_267 = arith.addi %mul3A_190, %add3A_266 : i32
        %gt3A_268 = arith.constant 0 : i32
        %gt3A_269 = arith.cmpi sgt, %mul3A_157, %gt3A_268 : i32
        %gt3A_270 = arith.constant 0 : i32
        %gt3A_271 = arith.cmpi sgt, %scan3A_188, %gt3A_270 : i32
        %or3A_272 = arith.ori %gt3A_269, %gt3A_271 : i1
        %convert_element_type3A_273 = arith.extui %or3A_272 : i1 to i32
        %cond3A_274 = arith.constant 0 : i32
        %cond3A_275 = arith.cmpi ne, %convert_element_type3A_273, %cond3A_274 : i32
        scf.if %cond3A_275 {
          %dma_wait3A_347 = arith.constant 0 : i32
          %dma_wait3A_348 = arith.constant 0 : i32
          %dma_wait3A_349 = arith.constant 0 : i32
          %dma_wait3A_350 = arith.constant 0 : i32
          %dma_wait3A_351 = arith.constant 0 : i32
          %dma_wait3A_352 = tpu.memref_slice %arg10[%dma_wait3A_350, %dma_wait3A_351] : memref<32x129xf32, #tpu.memory_space<vmem>> -> memref<8x128xf32, #tpu.memory_space<vmem>>
          %dma_wait3A_353 = arith.constant 0 : i32
          %dma_wait3A_354 = arith.constant 0 : i32
          %dma_wait3A_355 = tpu.memref_slice %arg4[%dma_wait3A_347, %dma_wait3A_348, %dma_wait3A_349, %dma_wait3A_353, %dma_wait3A_354] : memref<200x4x32x8x128xf32, #tpu.memory_space<hbm>> -> memref<1x1x1x8x128xf32, #tpu.memory_space<hbm>>
          %dma_wait3A_356 = tpu.memref_squeeze %dma_wait3A_355 : memref<1x1x1x8x128xf32, #tpu.memory_space<hbm>> -> memref<8x128xf32, #tpu.memory_space<hbm>>
          %dma_wait3A_357 = arith.constant 0 : i32
          %dma_wait3A_358 = arith.constant 0 : i32
          %dma_wait3A_359 = tpu.memref_slice %arg10[%dma_wait3A_357, %dma_wait3A_358] : memref<32x129xf32, #tpu.memory_space<vmem>> -> memref<8x128xf32, #tpu.memory_space<vmem>>
          %dma_wait3A_360 = arith.constant 0 : i32
          %dma_wait3A_361 = arith.constant 0 : i32
          %dma_wait3A_362 = tpu.memref_slice %arg4[%dma_wait3A_347, %dma_wait3A_348, %dma_wait3A_349, %dma_wait3A_360, %dma_wait3A_361] : memref<200x4x32x8x128xf32, #tpu.memory_space<hbm>> -> memref<1x1x1x8x128xf32, #tpu.memory_space<hbm>>
          %dma_wait3A_363 = tpu.memref_squeeze %dma_wait3A_362 : memref<1x1x1x8x128xf32, #tpu.memory_space<hbm>> -> memref<8x128xf32, #tpu.memory_space<hbm>>
          tpu.wait_dma2 semaphore(%arg14 : memref<!tpu.dma_semaphore, #tpu.memory_space<semaphore_mem>>) src(%dma_wait3A_363 : memref<8x128xf32, #tpu.memory_space<hbm>>) dst(%dma_wait3A_359 : memref<8x128xf32, #tpu.memory_space<vmem>>)
          %dma_wait3A_364 = arith.constant 0 : i32
          %dma_wait3A_365 = arith.constant 0 : i32
          %dma_wait3A_366 = arith.constant 0 : i32
          %dma_wait3A_367 = arith.constant 8 : i32
          %dma_wait3A_368 = arith.constant 0 : i32
          %dma_wait3A_369 = tpu.memref_slice %arg10[%dma_wait3A_367, %dma_wait3A_368] : memref<32x129xf32, #tpu.memory_space<vmem>> -> memref<8x128xf32, #tpu.memory_space<vmem>>
          %dma_wait3A_370 = arith.constant 0 : i32
          %dma_wait3A_371 = arith.constant 0 : i32
          %dma_wait3A_372 = tpu.memref_slice %arg4[%dma_wait3A_364, %dma_wait3A_365, %dma_wait3A_366, %dma_wait3A_370, %dma_wait3A_371] : memref<200x4x32x8x128xf32, #tpu.memory_space<hbm>> -> memref<1x1x1x8x128xf32, #tpu.memory_space<hbm>>
          %dma_wait3A_373 = tpu.memref_squeeze %dma_wait3A_372 : memref<1x1x1x8x128xf32, #tpu.memory_space<hbm>> -> memref<8x128xf32, #tpu.memory_space<hbm>>
          %dma_wait3A_374 = arith.constant 8 : i32
          %dma_wait3A_375 = arith.constant 0 : i32
          %dma_wait3A_376 = tpu.memref_slice %arg10[%dma_wait3A_374, %dma_wait3A_375] : memref<32x129xf32, #tpu.memory_space<vmem>> -> memref<8x128xf32, #tpu.memory_space<vmem>>
          %dma_wait3A_377 = arith.constant 0 : i32
          %dma_wait3A_378 = arith.constant 0 : i32
          %dma_wait3A_379 = tpu.memref_slice %arg4[%dma_wait3A_364, %dma_wait3A_365, %dma_wait3A_366, %dma_wait3A_377, %dma_wait3A_378] : memref<200x4x32x8x128xf32, #tpu.memory_space<hbm>> -> memref<1x1x1x8x128xf32, #tpu.memory_space<hbm>>
          %dma_wait3A_380 = tpu.memref_squeeze %dma_wait3A_379 : memref<1x1x1x8x128xf32, #tpu.memory_space<hbm>> -> memref<8x128xf32, #tpu.memory_space<hbm>>
          tpu.wait_dma2 semaphore(%arg14 : memref<!tpu.dma_semaphore, #tpu.memory_space<semaphore_mem>>) src(%dma_wait3A_380 : memref<8x128xf32, #tpu.memory_space<hbm>>) dst(%dma_wait3A_376 : memref<8x128xf32, #tpu.memory_space<vmem>>)
          %dma_wait3A_381 = arith.constant 0 : i32
          %dma_wait3A_382 = arith.constant 0 : i32
          %dma_wait3A_383 = arith.constant 0 : i32
          %dma_wait3A_384 = arith.constant 16 : i32
          %dma_wait3A_385 = arith.constant 0 : i32
          %dma_wait3A_386 = tpu.memref_slice %arg10[%dma_wait3A_384, %dma_wait3A_385] : memref<32x129xf32, #tpu.memory_space<vmem>> -> memref<8x128xf32, #tpu.memory_space<vmem>>
          %dma_wait3A_387 = arith.constant 0 : i32
          %dma_wait3A_388 = arith.constant 0 : i32
          %dma_wait3A_389 = tpu.memref_slice %arg4[%dma_wait3A_381, %dma_wait3A_382, %dma_wait3A_383, %dma_wait3A_387, %dma_wait3A_388] : memref<200x4x32x8x128xf32, #tpu.memory_space<hbm>> -> memref<1x1x1x8x128xf32, #tpu.memory_space<hbm>>
          %dma_wait3A_390 = tpu.memref_squeeze %dma_wait3A_389 : memref<1x1x1x8x128xf32, #tpu.memory_space<hbm>> -> memref<8x128xf32, #tpu.memory_space<hbm>>
          %dma_wait3A_391 = arith.constant 16 : i32
          %dma_wait3A_392 = arith.constant 0 : i32
          %dma_wait3A_393 = tpu.memref_slice %arg10[%dma_wait3A_391, %dma_wait3A_392] : memref<32x129xf32, #tpu.memory_space<vmem>> -> memref<8x128xf32, #tpu.memory_space<vmem>>
          %dma_wait3A_394 = arith.constant 0 : i32
          %dma_wait3A_395 = arith.constant 0 : i32
          %dma_wait3A_396 = tpu.memref_slice %arg4[%dma_wait3A_381, %dma_wait3A_382, %dma_wait3A_383, %dma_wait3A_394, %dma_wait3A_395] : memref<200x4x32x8x128xf32, #tpu.memory_space<hbm>> -> memref<1x1x1x8x128xf32, #tpu.memory_space<hbm>>
          %dma_wait3A_397 = tpu.memref_squeeze %dma_wait3A_396 : memref<1x1x1x8x128xf32, #tpu.memory_space<hbm>> -> memref<8x128xf32, #tpu.memory_space<hbm>>
          tpu.wait_dma2 semaphore(%arg14 : memref<!tpu.dma_semaphore, #tpu.memory_space<semaphore_mem>>) src(%dma_wait3A_397 : memref<8x128xf32, #tpu.memory_space<hbm>>) dst(%dma_wait3A_393 : memref<8x128xf32, #tpu.memory_space<vmem>>)
          %dma_wait3A_398 = arith.constant 0 : i32
          %dma_wait3A_399 = arith.constant 0 : i32
          %dma_wait3A_400 = arith.constant 0 : i32
          %dma_wait3A_401 = arith.constant 24 : i32
          %dma_wait3A_402 = arith.constant 0 : i32
          %dma_wait3A_403 = tpu.memref_slice %arg10[%dma_wait3A_401, %dma_wait3A_402] : memref<32x129xf32, #tpu.memory_space<vmem>> -> memref<8x128xf32, #tpu.memory_space<vmem>>
          %dma_wait3A_404 = arith.constant 0 : i32
          %dma_wait3A_405 = arith.constant 0 : i32
          %dma_wait3A_406 = tpu.memref_slice %arg4[%dma_wait3A_398, %dma_wait3A_399, %dma_wait3A_400, %dma_wait3A_404, %dma_wait3A_405] : memref<200x4x32x8x128xf32, #tpu.memory_space<hbm>> -> memref<1x1x1x8x128xf32, #tpu.memory_space<hbm>>
          %dma_wait3A_407 = tpu.memref_squeeze %dma_wait3A_406 : memref<1x1x1x8x128xf32, #tpu.memory_space<hbm>> -> memref<8x128xf32, #tpu.memory_space<hbm>>
          %dma_wait3A_408 = arith.constant 24 : i32
          %dma_wait3A_409 = arith.constant 0 : i32
          %dma_wait3A_410 = tpu.memref_slice %arg10[%dma_wait3A_408, %dma_wait3A_409] : memref<32x129xf32, #tpu.memory_space<vmem>> -> memref<8x128xf32, #tpu.memory_space<vmem>>
          %dma_wait3A_411 = arith.constant 0 : i32
          %dma_wait3A_412 = arith.constant 0 : i32
          %dma_wait3A_413 = tpu.memref_slice %arg4[%dma_wait3A_398, %dma_wait3A_399, %dma_wait3A_400, %dma_wait3A_411, %dma_wait3A_412] : memref<200x4x32x8x128xf32, #tpu.memory_space<hbm>> -> memref<1x1x1x8x128xf32, #tpu.memory_space<hbm>>
          %dma_wait3A_414 = tpu.memref_squeeze %dma_wait3A_413 : memref<1x1x1x8x128xf32, #tpu.memory_space<hbm>> -> memref<8x128xf32, #tpu.memory_space<hbm>>
          tpu.wait_dma2 semaphore(%arg14 : memref<!tpu.dma_semaphore, #tpu.memory_space<semaphore_mem>>) src(%dma_wait3A_414 : memref<8x128xf32, #tpu.memory_space<hbm>>) dst(%dma_wait3A_410 : memref<8x128xf32, #tpu.memory_space<vmem>>)
        } else {
        }
        %mul3A_276 = arith.constant 128 : i32
        %mul3A_277 = arith.muli %add3A_267, %mul3A_276 : i32
        %scan3A_278 = arith.constant 0 : i32
        %scan3A_279 = arith.constant 0 : i32
        %scan3A_280 = arith.constant 32 : i32
        %scan3A_281 = arith.addi %scan3A_279, %scan3A_280 : i32
        %scan3A_282 = arith.constant 1 : i32
        scf.for %scan3A_347 = %scan3A_279 to %scan3A_281 step %scan3A_282  : i32 {
          %mul3A_348 = arith.constant 4 : i32
          %mul3A_349 = arith.muli %scan3A_347, %mul3A_348 : i32
          %add3A_350 = arith.constant 0 : i32
          %add3A_351 = arith.addi %mul3A_349, %add3A_350 : i32
          %add3A_352 = arith.addi %mul3A_277, %add3A_351 : i32
          %broadcast_in_dim3A = vector.broadcast %add3A_351 : i32 to vector<16xi32>
          %get3A = arith.index_cast %add3A_352 : i32 to index
          %get3A_353 = arith.constant 0 : index
          %get3A_354 = tpu.vector_load %arg7[%get3A, %get3A_353] {strides = array<i32>} : memref<1024x32xf32, #tpu.memory_space<vmem>>, vector<16xf32>,
          %get3A_355 = arith.index_cast %add3A_352 : i32 to index
          %get3A_356 = arith.constant 16 : index
          %get3A_357 = tpu.vector_load %arg7[%get3A_355, %get3A_356] {strides = array<i32>} : memref<1024x32xf32, #tpu.memory_space<vmem>>, vector<16xf32>,
          tpu.vector_store_idx %arg10[%iota3A, %broadcast_in_dim3A], %get3A_354 : memref<32x129xf32, #tpu.memory_space<vmem>>[vector<16xi32>, vector<16xi32>], vector<16xf32>,
          tpu.vector_store_idx %arg10[%add3A_3, %broadcast_in_dim3A], %get3A_357 : memref<32x129xf32, #tpu.memory_space<vmem>>[vector<16xi32>, vector<16xi32>], vector<16xf32>,
          %add3A_358 = arith.constant 1 : i32
          %add3A_359 = arith.addi %mul3A_349, %add3A_358 : i32
          %add3A_360 = arith.addi %mul3A_277, %add3A_359 : i32
          %broadcast_in_dim3A_361 = vector.broadcast %add3A_359 : i32 to vector<16xi32>
          %get3A_362 = arith.index_cast %add3A_360 : i32 to index
          %get3A_363 = arith.constant 0 : index
          %get3A_364 = tpu.vector_load %arg7[%get3A_362, %get3A_363] {strides = array<i32>} : memref<1024x32xf32, #tpu.memory_space<vmem>>, vector<16xf32>,
          %get3A_365 = arith.index_cast %add3A_360 : i32 to index
          %get3A_366 = arith.constant 16 : index
          %get3A_367 = tpu.vector_load %arg7[%get3A_365, %get3A_366] {strides = array<i32>} : memref<1024x32xf32, #tpu.memory_space<vmem>>, vector<16xf32>,
          tpu.vector_store_idx %arg10[%iota3A, %broadcast_in_dim3A_361], %get3A_364 : memref<32x129xf32, #tpu.memory_space<vmem>>[vector<16xi32>, vector<16xi32>], vector<16xf32>,
          tpu.vector_store_idx %arg10[%add3A_3, %broadcast_in_dim3A_361], %get3A_367 : memref<32x129xf32, #tpu.memory_space<vmem>>[vector<16xi32>, vector<16xi32>], vector<16xf32>,
          %add3A_368 = arith.constant 2 : i32
          %add3A_369 = arith.addi %mul3A_349, %add3A_368 : i32
          %add3A_370 = arith.addi %mul3A_277, %add3A_369 : i32
          %broadcast_in_dim3A_371 = vector.broadcast %add3A_369 : i32 to vector<16xi32>
          %get3A_372 = arith.index_cast %add3A_370 : i32 to index
          %get3A_373 = arith.constant 0 : index
          %get3A_374 = tpu.vector_load %arg7[%get3A_372, %get3A_373] {strides = array<i32>} : memref<1024x32xf32, #tpu.memory_space<vmem>>, vector<16xf32>,
          %get3A_375 = arith.index_cast %add3A_370 : i32 to index
          %get3A_376 = arith.constant 16 : index
          %get3A_377 = tpu.vector_load %arg7[%get3A_375, %get3A_376] {strides = array<i32>} : memref<1024x32xf32, #tpu.memory_space<vmem>>, vector<16xf32>,
          tpu.vector_store_idx %arg10[%iota3A, %broadcast_in_dim3A_371], %get3A_374 : memref<32x129xf32, #tpu.memory_space<vmem>>[vector<16xi32>, vector<16xi32>], vector<16xf32>,
          tpu.vector_store_idx %arg10[%add3A_3, %broadcast_in_dim3A_371], %get3A_377 : memref<32x129xf32, #tpu.memory_space<vmem>>[vector<16xi32>, vector<16xi32>], vector<16xf32>,
          %add3A_378 = arith.constant 3 : i32
          %add3A_379 = arith.addi %mul3A_349, %add3A_378 : i32
          %add3A_380 = arith.addi %mul3A_277, %add3A_379 : i32
          %broadcast_in_dim3A_381 = vector.broadcast %add3A_379 : i32 to vector<16xi32>
          %get3A_382 = arith.index_cast %add3A_380 : i32 to index
          %get3A_383 = arith.constant 0 : index
          %get3A_384 = tpu.vector_load %arg7[%get3A_382, %get3A_383] {strides = array<i32>} : memref<1024x32xf32, #tpu.memory_space<vmem>>, vector<16xf32>,
          %get3A_385 = arith.index_cast %add3A_380 : i32 to index
          %get3A_386 = arith.constant 16 : index
          %get3A_387 = tpu.vector_load %arg7[%get3A_385, %get3A_386] {strides = array<i32>} : memref<1024x32xf32, #tpu.memory_space<vmem>>, vector<16xf32>,
          tpu.vector_store_idx %arg10[%iota3A, %broadcast_in_dim3A_381], %get3A_384 : memref<32x129xf32, #tpu.memory_space<vmem>>[vector<16xi32>, vector<16xi32>], vector<16xf32>,
          tpu.vector_store_idx %arg10[%add3A_3, %broadcast_in_dim3A_381], %get3A_387 : memref<32x129xf32, #tpu.memory_space<vmem>>[vector<16xi32>, vector<16xi32>], vector<16xf32>,
        }
        %scan3A_283 = arith.constant 32 : i32
        %mul3A_284 = arith.constant 8 : i32
        %mul3A_285 = arith.muli %mul3A_157, %mul3A_284 : i32
        %add3A_286 = arith.addi %mul3A_285, %add3A_267 : i32
        %dma_start3A_287 = arith.constant 0 : i32
        %dma_start3A_288 = arith.constant 0 : i32
        %dma_start3A_289 = arith.constant 0 : i32
        %dma_start3A_290 = tpu.memref_slice %arg10[%dma_start3A_288, %dma_start3A_289] : memref<32x129xf32, #tpu.memory_space<vmem>> -> memref<8x128xf32, #tpu.memory_space<vmem>>
        %dma_start3A_291 = arith.constant 0 : i32
        %dma_start3A_292 = arith.constant 0 : i32
        %dma_start3A_293 = tpu.memref_slice %arg4[%add3A_286, %dma_start3A_287, %add3A, %dma_start3A_291, %dma_start3A_292] : memref<200x4x32x8x128xf32, #tpu.memory_space<hbm>> -> memref<1x1x1x8x128xf32, #tpu.memory_space<hbm>>
        %dma_start3A_294 = tpu.memref_squeeze %dma_start3A_293 : memref<1x1x1x8x128xf32, #tpu.memory_space<hbm>> -> memref<8x128xf32, #tpu.memory_space<hbm>>
        %dma_start3A_295 = arith.constant 0 : i32
        %dma_start3A_296 = arith.constant 0 : i32
        %dma_start3A_297 = tpu.memref_slice %arg4[%add3A_286, %dma_start3A_287, %add3A, %dma_start3A_295, %dma_start3A_296] : memref<200x4x32x8x128xf32, #tpu.memory_space<hbm>> -> memref<1x1x1x8x128xf32, #tpu.memory_space<hbm>>
        %dma_start3A_298 = tpu.memref_squeeze %dma_start3A_297 : memref<1x1x1x8x128xf32, #tpu.memory_space<hbm>> -> memref<8x128xf32, #tpu.memory_space<hbm>>
        %dma_start3A_299 = arith.constant 0 : i32
        %dma_start3A_300 = arith.constant 0 : i32
        %dma_start3A_301 = tpu.memref_slice %arg10[%dma_start3A_299, %dma_start3A_300] : memref<32x129xf32, #tpu.memory_space<vmem>> -> memref<8x128xf32, #tpu.memory_space<vmem>>
        tpu.enqueue_dma source(%dma_start3A_301 : memref<8x128xf32, #tpu.memory_space<vmem>>) target(%dma_start3A_298 : memref<8x128xf32, #tpu.memory_space<hbm>>) target_semaphore(%arg14 : memref<!tpu.dma_semaphore, #tpu.memory_space<semaphore_mem>>)
        %dma_start3A_302 = arith.constant 1 : i32
        %dma_start3A_303 = arith.constant 8 : i32
        %dma_start3A_304 = arith.constant 0 : i32
        %dma_start3A_305 = tpu.memref_slice %arg10[%dma_start3A_303, %dma_start3A_304] : memref<32x129xf32, #tpu.memory_space<vmem>> -> memref<8x128xf32, #tpu.memory_space<vmem>>
        %dma_start3A_306 = arith.constant 0 : i32
        %dma_start3A_307 = arith.constant 0 : i32
        %dma_start3A_308 = tpu.memref_slice %arg4[%add3A_286, %dma_start3A_302, %add3A, %dma_start3A_306, %dma_start3A_307] : memref<200x4x32x8x128xf32, #tpu.memory_space<hbm>> -> memref<1x1x1x8x128xf32, #tpu.memory_space<hbm>>
        %dma_start3A_309 = tpu.memref_squeeze %dma_start3A_308 : memref<1x1x1x8x128xf32, #tpu.memory_space<hbm>> -> memref<8x128xf32, #tpu.memory_space<hbm>>
        %dma_start3A_310 = arith.constant 0 : i32
        %dma_start3A_311 = arith.constant 0 : i32
        %dma_start3A_312 = tpu.memref_slice %arg4[%add3A_286, %dma_start3A_302, %add3A, %dma_start3A_310, %dma_start3A_311] : memref<200x4x32x8x128xf32, #tpu.memory_space<hbm>> -> memref<1x1x1x8x128xf32, #tpu.memory_space<hbm>>
        %dma_start3A_313 = tpu.memref_squeeze %dma_start3A_312 : memref<1x1x1x8x128xf32, #tpu.memory_space<hbm>> -> memref<8x128xf32, #tpu.memory_space<hbm>>
        %dma_start3A_314 = arith.constant 8 : i32
        %dma_start3A_315 = arith.constant 0 : i32
        %dma_start3A_316 = tpu.memref_slice %arg10[%dma_start3A_314, %dma_start3A_315] : memref<32x129xf32, #tpu.memory_space<vmem>> -> memref<8x128xf32, #tpu.memory_space<vmem>>
        tpu.enqueue_dma source(%dma_start3A_316 : memref<8x128xf32, #tpu.memory_space<vmem>>) target(%dma_start3A_313 : memref<8x128xf32, #tpu.memory_space<hbm>>) target_semaphore(%arg14 : memref<!tpu.dma_semaphore, #tpu.memory_space<semaphore_mem>>)
        %dma_start3A_317 = arith.constant 2 : i32
        %dma_start3A_318 = arith.constant 16 : i32
        %dma_start3A_319 = arith.constant 0 : i32
        %dma_start3A_320 = tpu.memref_slice %arg10[%dma_start3A_318, %dma_start3A_319] : memref<32x129xf32, #tpu.memory_space<vmem>> -> memref<8x128xf32, #tpu.memory_space<vmem>>
        %dma_start3A_321 = arith.constant 0 : i32
        %dma_start3A_322 = arith.constant 0 : i32
        %dma_start3A_323 = tpu.memref_slice %arg4[%add3A_286, %dma_start3A_317, %add3A, %dma_start3A_321, %dma_start3A_322] : memref<200x4x32x8x128xf32, #tpu.memory_space<hbm>> -> memref<1x1x1x8x128xf32, #tpu.memory_space<hbm>>
        %dma_start3A_324 = tpu.memref_squeeze %dma_start3A_323 : memref<1x1x1x8x128xf32, #tpu.memory_space<hbm>> -> memref<8x128xf32, #tpu.memory_space<hbm>>
        %dma_start3A_325 = arith.constant 0 : i32
        %dma_start3A_326 = arith.constant 0 : i32
        %dma_start3A_327 = tpu.memref_slice %arg4[%add3A_286, %dma_start3A_317, %add3A, %dma_start3A_325, %dma_start3A_326] : memref<200x4x32x8x128xf32, #tpu.memory_space<hbm>> -> memref<1x1x1x8x128xf32, #tpu.memory_space<hbm>>
        %dma_start3A_328 = tpu.memref_squeeze %dma_start3A_327 : memref<1x1x1x8x128xf32, #tpu.memory_space<hbm>> -> memref<8x128xf32, #tpu.memory_space<hbm>>
        %dma_start3A_329 = arith.constant 16 : i32
        %dma_start3A_330 = arith.constant 0 : i32
        %dma_start3A_331 = tpu.memref_slice %arg10[%dma_start3A_329, %dma_start3A_330] : memref<32x129xf32, #tpu.memory_space<vmem>> -> memref<8x128xf32, #tpu.memory_space<vmem>>
        tpu.enqueue_dma source(%dma_start3A_331 : memref<8x128xf32, #tpu.memory_space<vmem>>) target(%dma_start3A_328 : memref<8x128xf32, #tpu.memory_space<hbm>>) target_semaphore(%arg14 : memref<!tpu.dma_semaphore, #tpu.memory_space<semaphore_mem>>)
        %dma_start3A_332 = arith.constant 3 : i32
        %dma_start3A_333 = arith.constant 24 : i32
        %dma_start3A_334 = arith.constant 0 : i32
        %dma_start3A_335 = tpu.memref_slice %arg10[%dma_start3A_333, %dma_start3A_334] : memref<32x129xf32, #tpu.memory_space<vmem>> -> memref<8x128xf32, #tpu.memory_space<vmem>>
        %dma_start3A_336 = arith.constant 0 : i32
        %dma_start3A_337 = arith.constant 0 : i32
        %dma_start3A_338 = tpu.memref_slice %arg4[%add3A_286, %dma_start3A_332, %add3A, %dma_start3A_336, %dma_start3A_337] : memref<200x4x32x8x128xf32, #tpu.memory_space<hbm>> -> memref<1x1x1x8x128xf32, #tpu.memory_space<hbm>>
        %dma_start3A_339 = tpu.memref_squeeze %dma_start3A_338 : memref<1x1x1x8x128xf32, #tpu.memory_space<hbm>> -> memref<8x128xf32, #tpu.memory_space<hbm>>
        %dma_start3A_340 = arith.constant 0 : i32
        %dma_start3A_341 = arith.constant 0 : i32
        %dma_start3A_342 = tpu.memref_slice %arg4[%add3A_286, %dma_start3A_332, %add3A, %dma_start3A_340, %dma_start3A_341] : memref<200x4x32x8x128xf32, #tpu.memory_space<hbm>> -> memref<1x1x1x8x128xf32, #tpu.memory_space<hbm>>
        %dma_start3A_343 = tpu.memref_squeeze %dma_start3A_342 : memref<1x1x1x8x128xf32, #tpu.memory_space<hbm>> -> memref<8x128xf32, #tpu.memory_space<hbm>>
        %dma_start3A_344 = arith.constant 24 : i32
        %dma_start3A_345 = arith.constant 0 : i32
        %dma_start3A_346 = tpu.memref_slice %arg10[%dma_start3A_344, %dma_start3A_345] : memref<32x129xf32, #tpu.memory_space<vmem>> -> memref<8x128xf32, #tpu.memory_space<vmem>>
        tpu.enqueue_dma source(%dma_start3A_346 : memref<8x128xf32, #tpu.memory_space<vmem>>) target(%dma_start3A_343 : memref<8x128xf32, #tpu.memory_space<hbm>>) target_semaphore(%arg14 : memref<!tpu.dma_semaphore, #tpu.memory_space<semaphore_mem>>)
      }
      %scan3A_171 = arith.constant 4 : i32
      %add3A_172 = arith.constant 2 : i32
      %add3A_173 = arith.addi %mul3A_157, %add3A_172 : i32
      "tpu.region"() ({
        %run_scoped3A_188 = tpu.sem_alloc : memref<!tpu.dma_semaphore, #tpu.memory_space<semaphore_mem>>
        %dma_start3A_189 = arith.constant 0 : i32
        %dma_start3A_190 = tpu.memref_slice %arg3[%add3A_173, %add3A, %dma_start3A_189] : memref<25x32x1024xi32, #tpu.memory_space<hbm>> -> memref<1x1x1024xi32, #tpu.memory_space<hbm>>
        %dma_start3A_191 = tpu.memref_squeeze %dma_start3A_190 : memref<1x1x1024xi32, #tpu.memory_space<hbm>> -> memref<1024xi32, #tpu.memory_space<hbm>>
        %dma_start3A_192 = arith.constant 0 : i32
        %dma_start3A_193 = tpu.memref_slice %arg3[%add3A_173, %add3A, %dma_start3A_192] : memref<25x32x1024xi32, #tpu.memory_space<hbm>> -> memref<1x1x1024xi32, #tpu.memory_space<hbm>>
        %dma_start3A_194 = tpu.memref_squeeze %dma_start3A_193 : memref<1x1x1024xi32, #tpu.memory_space<hbm>> -> memref<1024xi32, #tpu.memory_space<hbm>>
        tpu.enqueue_dma source(%dma_start3A_194 : memref<1024xi32, #tpu.memory_space<hbm>>) target(%arg5 : memref<1024xi32, #tpu.memory_space<vmem>>) target_semaphore(%run_scoped3A_188 : memref<!tpu.dma_semaphore, #tpu.memory_space<semaphore_mem>>)
        %dma_wait3A_195 = arith.constant 0 : i32
        %dma_wait3A_196 = tpu.memref_slice %arg3[%add3A_173, %add3A, %dma_wait3A_195] : memref<25x32x1024xi32, #tpu.memory_space<hbm>> -> memref<1x1x1024xi32, #tpu.memory_space<hbm>>
        %dma_wait3A_197 = tpu.memref_squeeze %dma_wait3A_196 : memref<1x1x1024xi32, #tpu.memory_space<hbm>> -> memref<1024xi32, #tpu.memory_space<hbm>>
        %dma_wait3A_198 = arith.constant 0 : i32
        %dma_wait3A_199 = tpu.memref_slice %arg3[%add3A_173, %add3A, %dma_wait3A_198] : memref<25x32x1024xi32, #tpu.memory_space<hbm>> -> memref<1x1x1024xi32, #tpu.memory_space<hbm>>
        %dma_wait3A_200 = tpu.memref_squeeze %dma_wait3A_199 : memref<1x1x1024xi32, #tpu.memory_space<hbm>> -> memref<1024xi32, #tpu.memory_space<hbm>>
        tpu.wait_dma2 semaphore(%run_scoped3A_188 : memref<!tpu.dma_semaphore, #tpu.memory_space<semaphore_mem>>) src(%dma_wait3A_200 : memref<1024xi32, #tpu.memory_space<hbm>>) dst(%arg5 : memref<1024xi32, #tpu.memory_space<vmem>>)
        tpu.yield
      }) : () -> ()
      %dma_start3A_174 = arith.constant 0 : i32
      %dma_start3A_175 = arith.constant 0 : i32
      %dma_start3A_176 = tpu.memref_slice %arg2[%dma_start3A_174, %dma_start3A_175] : memref<1000000x32xf32, #tpu.memory_space<hbm>> -> memref<1000000x32xf32, #tpu.memory_space<hbm>>
      tpu.enqueue_indirect_dma source(%dma_start3A_176 : memref<1000000x32xf32, #tpu.memory_space<hbm>>) target(%arg7 : memref<1024x32xf32, #tpu.memory_space<vmem>>) offsets(%arg5 : memref<1024xi32, #tpu.memory_space<vmem>>) semaphore(%arg11 : memref<!tpu.dma_semaphore, #tpu.memory_space<semaphore_mem>>)
      %dma_wait3A_177 = arith.constant 0 : i32
      %dma_wait3A_178 = arith.constant 0 : i32
      %dma_wait3A_179 = tpu.memref_slice %arg2[%dma_wait3A_177, %dma_wait3A_178] : memref<1000000x32xf32, #tpu.memory_space<hbm>> -> memref<1000000x32xf32, #tpu.memory_space<hbm>>
      tpu.wait_indirect_dma semaphore(%arg12 : memref<!tpu.dma_semaphore, #tpu.memory_space<semaphore_mem>>) src(%dma_wait3A_179 : memref<1000000x32xf32, #tpu.memory_space<hbm>>) dst(%arg8 : memref<1024x32xf32, #tpu.memory_space<vmem>>)
      %add3A_180 = arith.constant 1 : i32
      %add3A_181 = arith.addi %mul3A_157, %add3A_180 : i32
      %scan3A_182 = arith.constant 0 : i32
      %scan3A_183 = arith.constant 0 : i32
      %scan3A_184 = arith.constant 4 : i32
      %scan3A_185 = arith.addi %scan3A_183, %scan3A_184 : i32
      %scan3A_186 = arith.constant 1 : i32
      scf.for %scan3A_188 = %scan3A_183 to %scan3A_185 step %scan3A_186  : i32 {
        %mul3A_189 = arith.constant 2 : i32
        %mul3A_190 = arith.muli %scan3A_188, %mul3A_189 : i32
        %dma_wait3A_191 = arith.constant 0 : i32
        %dma_wait3A_192 = arith.constant 0 : i32
        %dma_wait3A_193 = arith.constant 0 : i32
        %dma_wait3A_194 = arith.constant 0 : i32
        %dma_wait3A_195 = arith.constant 0 : i32
        %dma_wait3A_196 = tpu.memref_slice %arg9[%dma_wait3A_194, %dma_wait3A_195] : memref<32x129xf32, #tpu.memory_space<vmem>> -> memref<8x128xf32, #tpu.memory_space<vmem>>
        %dma_wait3A_197 = arith.constant 0 : i32
        %dma_wait3A_198 = arith.constant 0 : i32
        %dma_wait3A_199 = tpu.memref_slice %arg4[%dma_wait3A_191, %dma_wait3A_192, %dma_wait3A_193, %dma_wait3A_197, %dma_wait3A_198] : memref<200x4x32x8x128xf32, #tpu.memory_space<hbm>> -> memref<1x1x1x8x128xf32, #tpu.memory_space<hbm>>
        %dma_wait3A_200 = tpu.memref_squeeze %dma_wait3A_199 : memref<1x1x1x8x128xf32, #tpu.memory_space<hbm>> -> memref<8x128xf32, #tpu.memory_space<hbm>>
        %dma_wait3A_201 = arith.constant 0 : i32
        %dma_wait3A_202 = arith.constant 0 : i32
        %dma_wait3A_203 = tpu.memref_slice %arg9[%dma_wait3A_201, %dma_wait3A_202] : memref<32x129xf32, #tpu.memory_space<vmem>> -> memref<8x128xf32, #tpu.memory_space<vmem>>
        %dma_wait3A_204 = arith.constant 0 : i32
        %dma_wait3A_205 = arith.constant 0 : i32
        %dma_wait3A_206 = tpu.memref_slice %arg4[%dma_wait3A_191, %dma_wait3A_192, %dma_wait3A_193, %dma_wait3A_204, %dma_wait3A_205] : memref<200x4x32x8x128xf32, #tpu.memory_space<hbm>> -> memref<1x1x1x8x128xf32, #tpu.memory_space<hbm>>
        %dma_wait3A_207 = tpu.memref_squeeze %dma_wait3A_206 : memref<1x1x1x8x128xf32, #tpu.memory_space<hbm>> -> memref<8x128xf32, #tpu.memory_space<hbm>>
        tpu.wait_dma2 semaphore(%arg13 : memref<!tpu.dma_semaphore, #tpu.memory_space<semaphore_mem>>) src(%dma_wait3A_207 : memref<8x128xf32, #tpu.memory_space<hbm>>) dst(%dma_wait3A_203 : memref<8x128xf32, #tpu.memory_space<vmem>>)
        %dma_wait3A_208 = arith.constant 0 : i32
        %dma_wait3A_209 = arith.constant 0 : i32
        %dma_wait3A_210 = arith.constant 0 : i32
        %dma_wait3A_211 = arith.constant 8 : i32
        %dma_wait3A_212 = arith.constant 0 : i32
        %dma_wait3A_213 = tpu.memref_slice %arg9[%dma_wait3A_211, %dma_wait3A_212] : memref<32x129xf32, #tpu.memory_space<vmem>> -> memref<8x128xf32, #tpu.memory_space<vmem>>
        %dma_wait3A_214 = arith.constant 0 : i32
        %dma_wait3A_215 = arith.constant 0 : i32
        %dma_wait3A_216 = tpu.memref_slice %arg4[%dma_wait3A_208, %dma_wait3A_209, %dma_wait3A_210, %dma_wait3A_214, %dma_wait3A_215] : memref<200x4x32x8x128xf32, #tpu.memory_space<hbm>> -> memref<1x1x1x8x128xf32, #tpu.memory_space<hbm>>
        %dma_wait3A_217 = tpu.memref_squeeze %dma_wait3A_216 : memref<1x1x1x8x128xf32, #tpu.memory_space<hbm>> -> memref<8x128xf32, #tpu.memory_space<hbm>>
        %dma_wait3A_218 = arith.constant 8 : i32
        %dma_wait3A_219 = arith.constant 0 : i32
        %dma_wait3A_220 = tpu.memref_slice %arg9[%dma_wait3A_218, %dma_wait3A_219] : memref<32x129xf32, #tpu.memory_space<vmem>> -> memref<8x128xf32, #tpu.memory_space<vmem>>
        %dma_wait3A_221 = arith.constant 0 : i32
        %dma_wait3A_222 = arith.constant 0 : i32
        %dma_wait3A_223 = tpu.memref_slice %arg4[%dma_wait3A_208, %dma_wait3A_209, %dma_wait3A_210, %dma_wait3A_221, %dma_wait3A_222] : memref<200x4x32x8x128xf32, #tpu.memory_space<hbm>> -> memref<1x1x1x8x128xf32, #tpu.memory_space<hbm>>
        %dma_wait3A_224 = tpu.memref_squeeze %dma_wait3A_223 : memref<1x1x1x8x128xf32, #tpu.memory_space<hbm>> -> memref<8x128xf32, #tpu.memory_space<hbm>>
        tpu.wait_dma2 semaphore(%arg13 : memref<!tpu.dma_semaphore, #tpu.memory_space<semaphore_mem>>) src(%dma_wait3A_224 : memref<8x128xf32, #tpu.memory_space<hbm>>) dst(%dma_wait3A_220 : memref<8x128xf32, #tpu.memory_space<vmem>>)
        %dma_wait3A_225 = arith.constant 0 : i32
        %dma_wait3A_226 = arith.constant 0 : i32
        %dma_wait3A_227 = arith.constant 0 : i32
        %dma_wait3A_228 = arith.constant 16 : i32
        %dma_wait3A_229 = arith.constant 0 : i32
        %dma_wait3A_230 = tpu.memref_slice %arg9[%dma_wait3A_228, %dma_wait3A_229] : memref<32x129xf32, #tpu.memory_space<vmem>> -> memref<8x128xf32, #tpu.memory_space<vmem>>
        %dma_wait3A_231 = arith.constant 0 : i32
        %dma_wait3A_232 = arith.constant 0 : i32
        %dma_wait3A_233 = tpu.memref_slice %arg4[%dma_wait3A_225, %dma_wait3A_226, %dma_wait3A_227, %dma_wait3A_231, %dma_wait3A_232] : memref<200x4x32x8x128xf32, #tpu.memory_space<hbm>> -> memref<1x1x1x8x128xf32, #tpu.memory_space<hbm>>
        %dma_wait3A_234 = tpu.memref_squeeze %dma_wait3A_233 : memref<1x1x1x8x128xf32, #tpu.memory_space<hbm>> -> memref<8x128xf32, #tpu.memory_space<hbm>>
        %dma_wait3A_235 = arith.constant 16 : i32
        %dma_wait3A_236 = arith.constant 0 : i32
        %dma_wait3A_237 = tpu.memref_slice %arg9[%dma_wait3A_235, %dma_wait3A_236] : memref<32x129xf32, #tpu.memory_space<vmem>> -> memref<8x128xf32, #tpu.memory_space<vmem>>
        %dma_wait3A_238 = arith.constant 0 : i32
        %dma_wait3A_239 = arith.constant 0 : i32
        %dma_wait3A_240 = tpu.memref_slice %arg4[%dma_wait3A_225, %dma_wait3A_226, %dma_wait3A_227, %dma_wait3A_238, %dma_wait3A_239] : memref<200x4x32x8x128xf32, #tpu.memory_space<hbm>> -> memref<1x1x1x8x128xf32, #tpu.memory_space<hbm>>
        %dma_wait3A_241 = tpu.memref_squeeze %dma_wait3A_240 : memref<1x1x1x8x128xf32, #tpu.memory_space<hbm>> -> memref<8x128xf32, #tpu.memory_space<hbm>>
        tpu.wait_dma2 semaphore(%arg13 : memref<!tpu.dma_semaphore, #tpu.memory_space<semaphore_mem>>) src(%dma_wait3A_241 : memref<8x128xf32, #tpu.memory_space<hbm>>) dst(%dma_wait3A_237 : memref<8x128xf32, #tpu.memory_space<vmem>>)
        %dma_wait3A_242 = arith.constant 0 : i32
        %dma_wait3A_243 = arith.constant 0 : i32
        %dma_wait3A_244 = arith.constant 0 : i32
        %dma_wait3A_245 = arith.constant 24 : i32
        %dma_wait3A_246 = arith.constant 0 : i32
        %dma_wait3A_247 = tpu.memref_slice %arg9[%dma_wait3A_245, %dma_wait3A_246] : memref<32x129xf32, #tpu.memory_space<vmem>> -> memref<8x128xf32, #tpu.memory_space<vmem>>
        %dma_wait3A_248 = arith.constant 0 : i32
        %dma_wait3A_249 = arith.constant 0 : i32
        %dma_wait3A_250 = tpu.memref_slice %arg4[%dma_wait3A_242, %dma_wait3A_243, %dma_wait3A_244, %dma_wait3A_248, %dma_wait3A_249] : memref<200x4x32x8x128xf32, #tpu.memory_space<hbm>> -> memref<1x1x1x8x128xf32, #tpu.memory_space<hbm>>
        %dma_wait3A_251 = tpu.memref_squeeze %dma_wait3A_250 : memref<1x1x1x8x128xf32, #tpu.memory_space<hbm>> -> memref<8x128xf32, #tpu.memory_space<hbm>>
        %dma_wait3A_252 = arith.constant 24 : i32
        %dma_wait3A_253 = arith.constant 0 : i32
        %dma_wait3A_254 = tpu.memref_slice %arg9[%dma_wait3A_252, %dma_wait3A_253] : memref<32x129xf32, #tpu.memory_space<vmem>> -> memref<8x128xf32, #tpu.memory_space<vmem>>
        %dma_wait3A_255 = arith.constant 0 : i32
        %dma_wait3A_256 = arith.constant 0 : i32
        %dma_wait3A_257 = tpu.memref_slice %arg4[%dma_wait3A_242, %dma_wait3A_243, %dma_wait3A_244, %dma_wait3A_255, %dma_wait3A_256] : memref<200x4x32x8x128xf32, #tpu.memory_space<hbm>> -> memref<1x1x1x8x128xf32, #tpu.memory_space<hbm>>
        %dma_wait3A_258 = tpu.memref_squeeze %dma_wait3A_257 : memref<1x1x1x8x128xf32, #tpu.memory_space<hbm>> -> memref<8x128xf32, #tpu.memory_space<hbm>>
        tpu.wait_dma2 semaphore(%arg13 : memref<!tpu.dma_semaphore, #tpu.memory_space<semaphore_mem>>) src(%dma_wait3A_258 : memref<8x128xf32, #tpu.memory_space<hbm>>) dst(%dma_wait3A_254 : memref<8x128xf32, #tpu.memory_space<vmem>>)
        %mul3A_259 = arith.constant 128 : i32
        %mul3A_260 = arith.muli %mul3A_190, %mul3A_259 : i32
        %scan3A_261 = arith.constant 0 : i32
        %scan3A_262 = arith.constant 0 : i32
        %scan3A_263 = arith.constant 32 : i32
        %scan3A_264 = arith.addi %scan3A_262, %scan3A_263 : i32
        %scan3A_265 = arith.constant 1 : i32
        scf.for %scan3A_471 = %scan3A_262 to %scan3A_264 step %scan3A_265  : i32 {
          %mul3A_472 = arith.constant 4 : i32
          %mul3A_473 = arith.muli %scan3A_471, %mul3A_472 : i32
          %add3A_474 = arith.constant 0 : i32
          %add3A_475 = arith.addi %mul3A_473, %add3A_474 : i32
          %add3A_476 = arith.addi %mul3A_260, %add3A_475 : i32
          %broadcast_in_dim3A = vector.broadcast %add3A_475 : i32 to vector<16xi32>
          %get3A = arith.index_cast %add3A_476 : i32 to index
          %get3A_477 = arith.constant 0 : index
          %get3A_478 = tpu.vector_load %arg8[%get3A, %get3A_477] {strides = array<i32>} : memref<1024x32xf32, #tpu.memory_space<vmem>>, vector<16xf32>,
          %get3A_479 = arith.index_cast %add3A_476 : i32 to index
          %get3A_480 = arith.constant 16 : index
          %get3A_481 = tpu.vector_load %arg8[%get3A_479, %get3A_480] {strides = array<i32>} : memref<1024x32xf32, #tpu.memory_space<vmem>>, vector<16xf32>,
          tpu.vector_store_idx %arg9[%iota3A, %broadcast_in_dim3A], %get3A_478 : memref<32x129xf32, #tpu.memory_space<vmem>>[vector<16xi32>, vector<16xi32>], vector<16xf32>,
          tpu.vector_store_idx %arg9[%add3A_3, %broadcast_in_dim3A], %get3A_481 : memref<32x129xf32, #tpu.memory_space<vmem>>[vector<16xi32>, vector<16xi32>], vector<16xf32>,
          %add3A_482 = arith.constant 1 : i32
          %add3A_483 = arith.addi %mul3A_473, %add3A_482 : i32
          %add3A_484 = arith.addi %mul3A_260, %add3A_483 : i32
          %broadcast_in_dim3A_485 = vector.broadcast %add3A_483 : i32 to vector<16xi32>
          %get3A_486 = arith.index_cast %add3A_484 : i32 to index
          %get3A_487 = arith.constant 0 : index
          %get3A_488 = tpu.vector_load %arg8[%get3A_486, %get3A_487] {strides = array<i32>} : memref<1024x32xf32, #tpu.memory_space<vmem>>, vector<16xf32>,
          %get3A_489 = arith.index_cast %add3A_484 : i32 to index
          %get3A_490 = arith.constant 16 : index
          %get3A_491 = tpu.vector_load %arg8[%get3A_489, %get3A_490] {strides = array<i32>} : memref<1024x32xf32, #tpu.memory_space<vmem>>, vector<16xf32>,
          tpu.vector_store_idx %arg9[%iota3A, %broadcast_in_dim3A_485], %get3A_488 : memref<32x129xf32, #tpu.memory_space<vmem>>[vector<16xi32>, vector<16xi32>], vector<16xf32>,
          tpu.vector_store_idx %arg9[%add3A_3, %broadcast_in_dim3A_485], %get3A_491 : memref<32x129xf32, #tpu.memory_space<vmem>>[vector<16xi32>, vector<16xi32>], vector<16xf32>,
          %add3A_492 = arith.constant 2 : i32
          %add3A_493 = arith.addi %mul3A_473, %add3A_492 : i32
          %add3A_494 = arith.addi %mul3A_260, %add3A_493 : i32
          %broadcast_in_dim3A_495 = vector.broadcast %add3A_493 : i32 to vector<16xi32>
          %get3A_496 = arith.index_cast %add3A_494 : i32 to index
          %get3A_497 = arith.constant 0 : index
          %get3A_498 = tpu.vector_load %arg8[%get3A_496, %get3A_497] {strides = array<i32>} : memref<1024x32xf32, #tpu.memory_space<vmem>>, vector<16xf32>,
          %get3A_499 = arith.index_cast %add3A_494 : i32 to index
          %get3A_500 = arith.constant 16 : index
          %get3A_501 = tpu.vector_load %arg8[%get3A_499, %get3A_500] {strides = array<i32>} : memref<1024x32xf32, #tpu.memory_space<vmem>>, vector<16xf32>,
          tpu.vector_store_idx %arg9[%iota3A, %broadcast_in_dim3A_495], %get3A_498 : memref<32x129xf32, #tpu.memory_space<vmem>>[vector<16xi32>, vector<16xi32>], vector<16xf32>,
          tpu.vector_store_idx %arg9[%add3A_3, %broadcast_in_dim3A_495], %get3A_501 : memref<32x129xf32, #tpu.memory_space<vmem>>[vector<16xi32>, vector<16xi32>], vector<16xf32>,
          %add3A_502 = arith.constant 3 : i32
          %add3A_503 = arith.addi %mul3A_473, %add3A_502 : i32
          %add3A_504 = arith.addi %mul3A_260, %add3A_503 : i32
          %broadcast_in_dim3A_505 = vector.broadcast %add3A_503 : i32 to vector<16xi32>
          %get3A_506 = arith.index_cast %add3A_504 : i32 to index
          %get3A_507 = arith.constant 0 : index
          %get3A_508 = tpu.vector_load %arg8[%get3A_506, %get3A_507] {strides = array<i32>} : memref<1024x32xf32, #tpu.memory_space<vmem>>, vector<16xf32>,
          %get3A_509 = arith.index_cast %add3A_504 : i32 to index
          %get3A_510 = arith.constant 16 : index
          %get3A_511 = tpu.vector_load %arg8[%get3A_509, %get3A_510] {strides = array<i32>} : memref<1024x32xf32, #tpu.memory_space<vmem>>, vector<16xf32>,
          tpu.vector_store_idx %arg9[%iota3A, %broadcast_in_dim3A_505], %get3A_508 : memref<32x129xf32, #tpu.memory_space<vmem>>[vector<16xi32>, vector<16xi32>], vector<16xf32>,
          tpu.vector_store_idx %arg9[%add3A_3, %broadcast_in_dim3A_505], %get3A_511 : memref<32x129xf32, #tpu.memory_space<vmem>>[vector<16xi32>, vector<16xi32>], vector<16xf32>,
        }
        %scan3A_266 = arith.constant 32 : i32
        %mul3A_267 = arith.constant 8 : i32
        %mul3A_268 = arith.muli %add3A_181, %mul3A_267 : i32
        %add3A_269 = arith.addi %mul3A_268, %mul3A_190 : i32
        %dma_start3A_270 = arith.constant 0 : i32
        %dma_start3A_271 = arith.constant 0 : i32
        %dma_start3A_272 = arith.constant 0 : i32
        %dma_start3A_273 = tpu.memref_slice %arg9[%dma_start3A_271, %dma_start3A_272] : memref<32x129xf32, #tpu.memory_space<vmem>> -> memref<8x128xf32, #tpu.memory_space<vmem>>
        %dma_start3A_274 = arith.constant 0 : i32
        %dma_start3A_275 = arith.constant 0 : i32
        %dma_start3A_276 = tpu.memref_slice %arg4[%add3A_269, %dma_start3A_270, %add3A, %dma_start3A_274, %dma_start3A_275] : memref<200x4x32x8x128xf32, #tpu.memory_space<hbm>> -> memref<1x1x1x8x128xf32, #tpu.memory_space<hbm>>
        %dma_start3A_277 = tpu.memref_squeeze %dma_start3A_276 : memref<1x1x1x8x128xf32, #tpu.memory_space<hbm>> -> memref<8x128xf32, #tpu.memory_space<hbm>>
        %dma_start3A_278 = arith.constant 0 : i32
        %dma_start3A_279 = arith.constant 0 : i32
        %dma_start3A_280 = tpu.memref_slice %arg4[%add3A_269, %dma_start3A_270, %add3A, %dma_start3A_278, %dma_start3A_279] : memref<200x4x32x8x128xf32, #tpu.memory_space<hbm>> -> memref<1x1x1x8x128xf32, #tpu.memory_space<hbm>>
        %dma_start3A_281 = tpu.memref_squeeze %dma_start3A_280 : memref<1x1x1x8x128xf32, #tpu.memory_space<hbm>> -> memref<8x128xf32, #tpu.memory_space<hbm>>
        %dma_start3A_282 = arith.constant 0 : i32
        %dma_start3A_283 = arith.constant 0 : i32
        %dma_start3A_284 = tpu.memref_slice %arg9[%dma_start3A_282, %dma_start3A_283] : memref<32x129xf32, #tpu.memory_space<vmem>> -> memref<8x128xf32, #tpu.memory_space<vmem>>
        tpu.enqueue_dma source(%dma_start3A_284 : memref<8x128xf32, #tpu.memory_space<vmem>>) target(%dma_start3A_281 : memref<8x128xf32, #tpu.memory_space<hbm>>) target_semaphore(%arg13 : memref<!tpu.dma_semaphore, #tpu.memory_space<semaphore_mem>>)
        %dma_start3A_285 = arith.constant 1 : i32
        %dma_start3A_286 = arith.constant 8 : i32
        %dma_start3A_287 = arith.constant 0 : i32
        %dma_start3A_288 = tpu.memref_slice %arg9[%dma_start3A_286, %dma_start3A_287] : memref<32x129xf32, #tpu.memory_space<vmem>> -> memref<8x128xf32, #tpu.memory_space<vmem>>
        %dma_start3A_289 = arith.constant 0 : i32
        %dma_start3A_290 = arith.constant 0 : i32
        %dma_start3A_291 = tpu.memref_slice %arg4[%add3A_269, %dma_start3A_285, %add3A, %dma_start3A_289, %dma_start3A_290] : memref<200x4x32x8x128xf32, #tpu.memory_space<hbm>> -> memref<1x1x1x8x128xf32, #tpu.memory_space<hbm>>
        %dma_start3A_292 = tpu.memref_squeeze %dma_start3A_291 : memref<1x1x1x8x128xf32, #tpu.memory_space<hbm>> -> memref<8x128xf32, #tpu.memory_space<hbm>>
        %dma_start3A_293 = arith.constant 0 : i32
        %dma_start3A_294 = arith.constant 0 : i32
        %dma_start3A_295 = tpu.memref_slice %arg4[%add3A_269, %dma_start3A_285, %add3A, %dma_start3A_293, %dma_start3A_294] : memref<200x4x32x8x128xf32, #tpu.memory_space<hbm>> -> memref<1x1x1x8x128xf32, #tpu.memory_space<hbm>>
        %dma_start3A_296 = tpu.memref_squeeze %dma_start3A_295 : memref<1x1x1x8x128xf32, #tpu.memory_space<hbm>> -> memref<8x128xf32, #tpu.memory_space<hbm>>
        %dma_start3A_297 = arith.constant 8 : i32
        %dma_start3A_298 = arith.constant 0 : i32
        %dma_start3A_299 = tpu.memref_slice %arg9[%dma_start3A_297, %dma_start3A_298] : memref<32x129xf32, #tpu.memory_space<vmem>> -> memref<8x128xf32, #tpu.memory_space<vmem>>
        tpu.enqueue_dma source(%dma_start3A_299 : memref<8x128xf32, #tpu.memory_space<vmem>>) target(%dma_start3A_296 : memref<8x128xf32, #tpu.memory_space<hbm>>) target_semaphore(%arg13 : memref<!tpu.dma_semaphore, #tpu.memory_space<semaphore_mem>>)
        %dma_start3A_300 = arith.constant 2 : i32
        %dma_start3A_301 = arith.constant 16 : i32
        %dma_start3A_302 = arith.constant 0 : i32
        %dma_start3A_303 = tpu.memref_slice %arg9[%dma_start3A_301, %dma_start3A_302] : memref<32x129xf32, #tpu.memory_space<vmem>> -> memref<8x128xf32, #tpu.memory_space<vmem>>
        %dma_start3A_304 = arith.constant 0 : i32
        %dma_start3A_305 = arith.constant 0 : i32
        %dma_start3A_306 = tpu.memref_slice %arg4[%add3A_269, %dma_start3A_300, %add3A, %dma_start3A_304, %dma_start3A_305] : memref<200x4x32x8x128xf32, #tpu.memory_space<hbm>> -> memref<1x1x1x8x128xf32, #tpu.memory_space<hbm>>
        %dma_start3A_307 = tpu.memref_squeeze %dma_start3A_306 : memref<1x1x1x8x128xf32, #tpu.memory_space<hbm>> -> memref<8x128xf32, #tpu.memory_space<hbm>>
        %dma_start3A_308 = arith.constant 0 : i32
        %dma_start3A_309 = arith.constant 0 : i32
        %dma_start3A_310 = tpu.memref_slice %arg4[%add3A_269, %dma_start3A_300, %add3A, %dma_start3A_308, %dma_start3A_309] : memref<200x4x32x8x128xf32, #tpu.memory_space<hbm>> -> memref<1x1x1x8x128xf32, #tpu.memory_space<hbm>>
        %dma_start3A_311 = tpu.memref_squeeze %dma_start3A_310 : memref<1x1x1x8x128xf32, #tpu.memory_space<hbm>> -> memref<8x128xf32, #tpu.memory_space<hbm>>
        %dma_start3A_312 = arith.constant 16 : i32
        %dma_start3A_313 = arith.constant 0 : i32
        %dma_start3A_314 = tpu.memref_slice %arg9[%dma_start3A_312, %dma_start3A_313] : memref<32x129xf32, #tpu.memory_space<vmem>> -> memref<8x128xf32, #tpu.memory_space<vmem>>
        tpu.enqueue_dma source(%dma_start3A_314 : memref<8x128xf32, #tpu.memory_space<vmem>>) target(%dma_start3A_311 : memref<8x128xf32, #tpu.memory_space<hbm>>) target_semaphore(%arg13 : memref<!tpu.dma_semaphore, #tpu.memory_space<semaphore_mem>>)
        %dma_start3A_315 = arith.constant 3 : i32
        %dma_start3A_316 = arith.constant 24 : i32
        %dma_start3A_317 = arith.constant 0 : i32
        %dma_start3A_318 = tpu.memref_slice %arg9[%dma_start3A_316, %dma_start3A_317] : memref<32x129xf32, #tpu.memory_space<vmem>> -> memref<8x128xf32, #tpu.memory_space<vmem>>
        %dma_start3A_319 = arith.constant 0 : i32
        %dma_start3A_320 = arith.constant 0 : i32
        %dma_start3A_321 = tpu.memref_slice %arg4[%add3A_269, %dma_start3A_315, %add3A, %dma_start3A_319, %dma_start3A_320] : memref<200x4x32x8x128xf32, #tpu.memory_space<hbm>> -> memref<1x1x1x8x128xf32, #tpu.memory_space<hbm>>
        %dma_start3A_322 = tpu.memref_squeeze %dma_start3A_321 : memref<1x1x1x8x128xf32, #tpu.memory_space<hbm>> -> memref<8x128xf32, #tpu.memory_space<hbm>>
        %dma_start3A_323 = arith.constant 0 : i32
        %dma_start3A_324 = arith.constant 0 : i32
        %dma_start3A_325 = tpu.memref_slice %arg4[%add3A_269, %dma_start3A_315, %add3A, %dma_start3A_323, %dma_start3A_324] : memref<200x4x32x8x128xf32, #tpu.memory_space<hbm>> -> memref<1x1x1x8x128xf32, #tpu.memory_space<hbm>>
        %dma_start3A_326 = tpu.memref_squeeze %dma_start3A_325 : memref<1x1x1x8x128xf32, #tpu.memory_space<hbm>> -> memref<8x128xf32, #tpu.memory_space<hbm>>
        %dma_start3A_327 = arith.constant 24 : i32
        %dma_start3A_328 = arith.constant 0 : i32
        %dma_start3A_329 = tpu.memref_slice %arg9[%dma_start3A_327, %dma_start3A_328] : memref<32x129xf32, #tpu.memory_space<vmem>> -> memref<8x128xf32, #tpu.memory_space<vmem>>
        tpu.enqueue_dma source(%dma_start3A_329 : memref<8x128xf32, #tpu.memory_space<vmem>>) target(%dma_start3A_326 : memref<8x128xf32, #tpu.memory_space<hbm>>) target_semaphore(%arg13 : memref<!tpu.dma_semaphore, #tpu.memory_space<semaphore_mem>>)
        %add3A_330 = arith.constant 1 : i32
        %add3A_331 = arith.addi %mul3A_190, %add3A_330 : i32
        %dma_wait3A_332 = arith.constant 0 : i32
        %dma_wait3A_333 = arith.constant 0 : i32
        %dma_wait3A_334 = arith.constant 0 : i32
        %dma_wait3A_335 = arith.constant 0 : i32
        %dma_wait3A_336 = arith.constant 0 : i32
        %dma_wait3A_337 = tpu.memref_slice %arg10[%dma_wait3A_335, %dma_wait3A_336] : memref<32x129xf32, #tpu.memory_space<vmem>> -> memref<8x128xf32, #tpu.memory_space<vmem>>
        %dma_wait3A_338 = arith.constant 0 : i32
        %dma_wait3A_339 = arith.constant 0 : i32
        %dma_wait3A_340 = tpu.memref_slice %arg4[%dma_wait3A_332, %dma_wait3A_333, %dma_wait3A_334, %dma_wait3A_338, %dma_wait3A_339] : memref<200x4x32x8x128xf32, #tpu.memory_space<hbm>> -> memref<1x1x1x8x128xf32, #tpu.memory_space<hbm>>
        %dma_wait3A_341 = tpu.memref_squeeze %dma_wait3A_340 : memref<1x1x1x8x128xf32, #tpu.memory_space<hbm>> -> memref<8x128xf32, #tpu.memory_space<hbm>>
        %dma_wait3A_342 = arith.constant 0 : i32
        %dma_wait3A_343 = arith.constant 0 : i32
        %dma_wait3A_344 = tpu.memref_slice %arg10[%dma_wait3A_342, %dma_wait3A_343] : memref<32x129xf32, #tpu.memory_space<vmem>> -> memref<8x128xf32, #tpu.memory_space<vmem>>
        %dma_wait3A_345 = arith.constant 0 : i32
        %dma_wait3A_346 = arith.constant 0 : i32
        %dma_wait3A_347 = tpu.memref_slice %arg4[%dma_wait3A_332, %dma_wait3A_333, %dma_wait3A_334, %dma_wait3A_345, %dma_wait3A_346] : memref<200x4x32x8x128xf32, #tpu.memory_space<hbm>> -> memref<1x1x1x8x128xf32, #tpu.memory_space<hbm>>
        %dma_wait3A_348 = tpu.memref_squeeze %dma_wait3A_347 : memref<1x1x1x8x128xf32, #tpu.memory_space<hbm>> -> memref<8x128xf32, #tpu.memory_space<hbm>>
        tpu.wait_dma2 semaphore(%arg14 : memref<!tpu.dma_semaphore, #tpu.memory_space<semaphore_mem>>) src(%dma_wait3A_348 : memref<8x128xf32, #tpu.memory_space<hbm>>) dst(%dma_wait3A_344 : memref<8x128xf32, #tpu.memory_space<vmem>>)
        %dma_wait3A_349 = arith.constant 0 : i32
        %dma_wait3A_350 = arith.constant 0 : i32
        %dma_wait3A_351 = arith.constant 0 : i32
        %dma_wait3A_352 = arith.constant 8 : i32
        %dma_wait3A_353 = arith.constant 0 : i32
        %dma_wait3A_354 = tpu.memref_slice %arg10[%dma_wait3A_352, %dma_wait3A_353] : memref<32x129xf32, #tpu.memory_space<vmem>> -> memref<8x128xf32, #tpu.memory_space<vmem>>
        %dma_wait3A_355 = arith.constant 0 : i32
        %dma_wait3A_356 = arith.constant 0 : i32
        %dma_wait3A_357 = tpu.memref_slice %arg4[%dma_wait3A_349, %dma_wait3A_350, %dma_wait3A_351, %dma_wait3A_355, %dma_wait3A_356] : memref<200x4x32x8x128xf32, #tpu.memory_space<hbm>> -> memref<1x1x1x8x128xf32, #tpu.memory_space<hbm>>
        %dma_wait3A_358 = tpu.memref_squeeze %dma_wait3A_357 : memref<1x1x1x8x128xf32, #tpu.memory_space<hbm>> -> memref<8x128xf32, #tpu.memory_space<hbm>>
        %dma_wait3A_359 = arith.constant 8 : i32
        %dma_wait3A_360 = arith.constant 0 : i32
        %dma_wait3A_361 = tpu.memref_slice %arg10[%dma_wait3A_359, %dma_wait3A_360] : memref<32x129xf32, #tpu.memory_space<vmem>> -> memref<8x128xf32, #tpu.memory_space<vmem>>
        %dma_wait3A_362 = arith.constant 0 : i32
        %dma_wait3A_363 = arith.constant 0 : i32
        %dma_wait3A_364 = tpu.memref_slice %arg4[%dma_wait3A_349, %dma_wait3A_350, %dma_wait3A_351, %dma_wait3A_362, %dma_wait3A_363] : memref<200x4x32x8x128xf32, #tpu.memory_space<hbm>> -> memref<1x1x1x8x128xf32, #tpu.memory_space<hbm>>
        %dma_wait3A_365 = tpu.memref_squeeze %dma_wait3A_364 : memref<1x1x1x8x128xf32, #tpu.memory_space<hbm>> -> memref<8x128xf32, #tpu.memory_space<hbm>>
        tpu.wait_dma2 semaphore(%arg14 : memref<!tpu.dma_semaphore, #tpu.memory_space<semaphore_mem>>) src(%dma_wait3A_365 : memref<8x128xf32, #tpu.memory_space<hbm>>) dst(%dma_wait3A_361 : memref<8x128xf32, #tpu.memory_space<vmem>>)
        %dma_wait3A_366 = arith.constant 0 : i32
        %dma_wait3A_367 = arith.constant 0 : i32
        %dma_wait3A_368 = arith.constant 0 : i32
        %dma_wait3A_369 = arith.constant 16 : i32
        %dma_wait3A_370 = arith.constant 0 : i32
        %dma_wait3A_371 = tpu.memref_slice %arg10[%dma_wait3A_369, %dma_wait3A_370] : memref<32x129xf32, #tpu.memory_space<vmem>> -> memref<8x128xf32, #tpu.memory_space<vmem>>
        %dma_wait3A_372 = arith.constant 0 : i32
        %dma_wait3A_373 = arith.constant 0 : i32
        %dma_wait3A_374 = tpu.memref_slice %arg4[%dma_wait3A_366, %dma_wait3A_367, %dma_wait3A_368, %dma_wait3A_372, %dma_wait3A_373] : memref<200x4x32x8x128xf32, #tpu.memory_space<hbm>> -> memref<1x1x1x8x128xf32, #tpu.memory_space<hbm>>
        %dma_wait3A_375 = tpu.memref_squeeze %dma_wait3A_374 : memref<1x1x1x8x128xf32, #tpu.memory_space<hbm>> -> memref<8x128xf32, #tpu.memory_space<hbm>>
        %dma_wait3A_376 = arith.constant 16 : i32
        %dma_wait3A_377 = arith.constant 0 : i32
        %dma_wait3A_378 = tpu.memref_slice %arg10[%dma_wait3A_376, %dma_wait3A_377] : memref<32x129xf32, #tpu.memory_space<vmem>> -> memref<8x128xf32, #tpu.memory_space<vmem>>
        %dma_wait3A_379 = arith.constant 0 : i32
        %dma_wait3A_380 = arith.constant 0 : i32
        %dma_wait3A_381 = tpu.memref_slice %arg4[%dma_wait3A_366, %dma_wait3A_367, %dma_wait3A_368, %dma_wait3A_379, %dma_wait3A_380] : memref<200x4x32x8x128xf32, #tpu.memory_space<hbm>> -> memref<1x1x1x8x128xf32, #tpu.memory_space<hbm>>
        %dma_wait3A_382 = tpu.memref_squeeze %dma_wait3A_381 : memref<1x1x1x8x128xf32, #tpu.memory_space<hbm>> -> memref<8x128xf32, #tpu.memory_space<hbm>>
        tpu.wait_dma2 semaphore(%arg14 : memref<!tpu.dma_semaphore, #tpu.memory_space<semaphore_mem>>) src(%dma_wait3A_382 : memref<8x128xf32, #tpu.memory_space<hbm>>) dst(%dma_wait3A_378 : memref<8x128xf32, #tpu.memory_space<vmem>>)
        %dma_wait3A_383 = arith.constant 0 : i32
        %dma_wait3A_384 = arith.constant 0 : i32
        %dma_wait3A_385 = arith.constant 0 : i32
        %dma_wait3A_386 = arith.constant 24 : i32
        %dma_wait3A_387 = arith.constant 0 : i32
        %dma_wait3A_388 = tpu.memref_slice %arg10[%dma_wait3A_386, %dma_wait3A_387] : memref<32x129xf32, #tpu.memory_space<vmem>> -> memref<8x128xf32, #tpu.memory_space<vmem>>
        %dma_wait3A_389 = arith.constant 0 : i32
        %dma_wait3A_390 = arith.constant 0 : i32
        %dma_wait3A_391 = tpu.memref_slice %arg4[%dma_wait3A_383, %dma_wait3A_384, %dma_wait3A_385, %dma_wait3A_389, %dma_wait3A_390] : memref<200x4x32x8x128xf32, #tpu.memory_space<hbm>> -> memref<1x1x1x8x128xf32, #tpu.memory_space<hbm>>
        %dma_wait3A_392 = tpu.memref_squeeze %dma_wait3A_391 : memref<1x1x1x8x128xf32, #tpu.memory_space<hbm>> -> memref<8x128xf32, #tpu.memory_space<hbm>>
        %dma_wait3A_393 = arith.constant 24 : i32
        %dma_wait3A_394 = arith.constant 0 : i32
        %dma_wait3A_395 = tpu.memref_slice %arg10[%dma_wait3A_393, %dma_wait3A_394] : memref<32x129xf32, #tpu.memory_space<vmem>> -> memref<8x128xf32, #tpu.memory_space<vmem>>
        %dma_wait3A_396 = arith.constant 0 : i32
        %dma_wait3A_397 = arith.constant 0 : i32
        %dma_wait3A_398 = tpu.memref_slice %arg4[%dma_wait3A_383, %dma_wait3A_384, %dma_wait3A_385, %dma_wait3A_396, %dma_wait3A_397] : memref<200x4x32x8x128xf32, #tpu.memory_space<hbm>> -> memref<1x1x1x8x128xf32, #tpu.memory_space<hbm>>
        %dma_wait3A_399 = tpu.memref_squeeze %dma_wait3A_398 : memref<1x1x1x8x128xf32, #tpu.memory_space<hbm>> -> memref<8x128xf32, #tpu.memory_space<hbm>>
        tpu.wait_dma2 semaphore(%arg14 : memref<!tpu.dma_semaphore, #tpu.memory_space<semaphore_mem>>) src(%dma_wait3A_399 : memref<8x128xf32, #tpu.memory_space<hbm>>) dst(%dma_wait3A_395 : memref<8x128xf32, #tpu.memory_space<vmem>>)
        %mul3A_400 = arith.constant 128 : i32
        %mul3A_401 = arith.muli %add3A_331, %mul3A_400 : i32
        %scan3A_402 = arith.constant 0 : i32
        %scan3A_403 = arith.constant 0 : i32
        %scan3A_404 = arith.constant 32 : i32
        %scan3A_405 = arith.addi %scan3A_403, %scan3A_404 : i32
        %scan3A_406 = arith.constant 1 : i32
        scf.for %scan3A_471 = %scan3A_403 to %scan3A_405 step %scan3A_406  : i32 {
          %mul3A_472 = arith.constant 4 : i32
          %mul3A_473 = arith.muli %scan3A_471, %mul3A_472 : i32
          %add3A_474 = arith.constant 0 : i32
          %add3A_475 = arith.addi %mul3A_473, %add3A_474 : i32
          %add3A_476 = arith.addi %mul3A_401, %add3A_475 : i32
          %broadcast_in_dim3A = vector.broadcast %add3A_475 : i32 to vector<16xi32>
          %get3A = arith.index_cast %add3A_476 : i32 to index
          %get3A_477 = arith.constant 0 : index
          %get3A_478 = tpu.vector_load %arg8[%get3A, %get3A_477] {strides = array<i32>} : memref<1024x32xf32, #tpu.memory_space<vmem>>, vector<16xf32>,
          %get3A_479 = arith.index_cast %add3A_476 : i32 to index
          %get3A_480 = arith.constant 16 : index
          %get3A_481 = tpu.vector_load %arg8[%get3A_479, %get3A_480] {strides = array<i32>} : memref<1024x32xf32, #tpu.memory_space<vmem>>, vector<16xf32>,
          tpu.vector_store_idx %arg10[%iota3A, %broadcast_in_dim3A], %get3A_478 : memref<32x129xf32, #tpu.memory_space<vmem>>[vector<16xi32>, vector<16xi32>], vector<16xf32>,
          tpu.vector_store_idx %arg10[%add3A_3, %broadcast_in_dim3A], %get3A_481 : memref<32x129xf32, #tpu.memory_space<vmem>>[vector<16xi32>, vector<16xi32>], vector<16xf32>,
          %add3A_482 = arith.constant 1 : i32
          %add3A_483 = arith.addi %mul3A_473, %add3A_482 : i32
          %add3A_484 = arith.addi %mul3A_401, %add3A_483 : i32
          %broadcast_in_dim3A_485 = vector.broadcast %add3A_483 : i32 to vector<16xi32>
          %get3A_486 = arith.index_cast %add3A_484 : i32 to index
          %get3A_487 = arith.constant 0 : index
          %get3A_488 = tpu.vector_load %arg8[%get3A_486, %get3A_487] {strides = array<i32>} : memref<1024x32xf32, #tpu.memory_space<vmem>>, vector<16xf32>,
          %get3A_489 = arith.index_cast %add3A_484 : i32 to index
          %get3A_490 = arith.constant 16 : index
          %get3A_491 = tpu.vector_load %arg8[%get3A_489, %get3A_490] {strides = array<i32>} : memref<1024x32xf32, #tpu.memory_space<vmem>>, vector<16xf32>,
          tpu.vector_store_idx %arg10[%iota3A, %broadcast_in_dim3A_485], %get3A_488 : memref<32x129xf32, #tpu.memory_space<vmem>>[vector<16xi32>, vector<16xi32>], vector<16xf32>,
          tpu.vector_store_idx %arg10[%add3A_3, %broadcast_in_dim3A_485], %get3A_491 : memref<32x129xf32, #tpu.memory_space<vmem>>[vector<16xi32>, vector<16xi32>], vector<16xf32>,
          %add3A_492 = arith.constant 2 : i32
          %add3A_493 = arith.addi %mul3A_473, %add3A_492 : i32
          %add3A_494 = arith.addi %mul3A_401, %add3A_493 : i32
          %broadcast_in_dim3A_495 = vector.broadcast %add3A_493 : i32 to vector<16xi32>
          %get3A_496 = arith.index_cast %add3A_494 : i32 to index
          %get3A_497 = arith.constant 0 : index
          %get3A_498 = tpu.vector_load %arg8[%get3A_496, %get3A_497] {strides = array<i32>} : memref<1024x32xf32, #tpu.memory_space<vmem>>, vector<16xf32>,
          %get3A_499 = arith.index_cast %add3A_494 : i32 to index
          %get3A_500 = arith.constant 16 : index
          %get3A_501 = tpu.vector_load %arg8[%get3A_499, %get3A_500] {strides = array<i32>} : memref<1024x32xf32, #tpu.memory_space<vmem>>, vector<16xf32>,
          tpu.vector_store_idx %arg10[%iota3A, %broadcast_in_dim3A_495], %get3A_498 : memref<32x129xf32, #tpu.memory_space<vmem>>[vector<16xi32>, vector<16xi32>], vector<16xf32>,
          tpu.vector_store_idx %arg10[%add3A_3, %broadcast_in_dim3A_495], %get3A_501 : memref<32x129xf32, #tpu.memory_space<vmem>>[vector<16xi32>, vector<16xi32>], vector<16xf32>,
          %add3A_502 = arith.constant 3 : i32
          %add3A_503 = arith.addi %mul3A_473, %add3A_502 : i32
          %add3A_504 = arith.addi %mul3A_401, %add3A_503 : i32
          %broadcast_in_dim3A_505 = vector.broadcast %add3A_503 : i32 to vector<16xi32>
          %get3A_506 = arith.index_cast %add3A_504 : i32 to index
          %get3A_507 = arith.constant 0 : index
          %get3A_508 = tpu.vector_load %arg8[%get3A_506, %get3A_507] {strides = array<i32>} : memref<1024x32xf32, #tpu.memory_space<vmem>>, vector<16xf32>,
          %get3A_509 = arith.index_cast %add3A_504 : i32 to index
          %get3A_510 = arith.constant 16 : index
          %get3A_511 = tpu.vector_load %arg8[%get3A_509, %get3A_510] {strides = array<i32>} : memref<1024x32xf32, #tpu.memory_space<vmem>>, vector<16xf32>,
          tpu.vector_store_idx %arg10[%iota3A, %broadcast_in_dim3A_505], %get3A_508 : memref<32x129xf32, #tpu.memory_space<vmem>>[vector<16xi32>, vector<16xi32>], vector<16xf32>,
          tpu.vector_store_idx %arg10[%add3A_3, %broadcast_in_dim3A_505], %get3A_511 : memref<32x129xf32, #tpu.memory_space<vmem>>[vector<16xi32>, vector<16xi32>], vector<16xf32>,
        }
        %scan3A_407 = arith.constant 32 : i32
        %mul3A_408 = arith.constant 8 : i32
        %mul3A_409 = arith.muli %add3A_181, %mul3A_408 : i32
        %add3A_410 = arith.addi %mul3A_409, %add3A_331 : i32
        %dma_start3A_411 = arith.constant 0 : i32
        %dma_start3A_412 = arith.constant 0 : i32
        %dma_start3A_413 = arith.constant 0 : i32
        %dma_start3A_414 = tpu.memref_slice %arg10[%dma_start3A_412, %dma_start3A_413] : memref<32x129xf32, #tpu.memory_space<vmem>> -> memref<8x128xf32, #tpu.memory_space<vmem>>
        %dma_start3A_415 = arith.constant 0 : i32
        %dma_start3A_416 = arith.constant 0 : i32
        %dma_start3A_417 = tpu.memref_slice %arg4[%add3A_410, %dma_start3A_411, %add3A, %dma_start3A_415, %dma_start3A_416] : memref<200x4x32x8x128xf32, #tpu.memory_space<hbm>> -> memref<1x1x1x8x128xf32, #tpu.memory_space<hbm>>
        %dma_start3A_418 = tpu.memref_squeeze %dma_start3A_417 : memref<1x1x1x8x128xf32, #tpu.memory_space<hbm>> -> memref<8x128xf32, #tpu.memory_space<hbm>>
        %dma_start3A_419 = arith.constant 0 : i32
        %dma_start3A_420 = arith.constant 0 : i32
        %dma_start3A_421 = tpu.memref_slice %arg4[%add3A_410, %dma_start3A_411, %add3A, %dma_start3A_419, %dma_start3A_420] : memref<200x4x32x8x128xf32, #tpu.memory_space<hbm>> -> memref<1x1x1x8x128xf32, #tpu.memory_space<hbm>>
        %dma_start3A_422 = tpu.memref_squeeze %dma_start3A_421 : memref<1x1x1x8x128xf32, #tpu.memory_space<hbm>> -> memref<8x128xf32, #tpu.memory_space<hbm>>
        %dma_start3A_423 = arith.constant 0 : i32
        %dma_start3A_424 = arith.constant 0 : i32
        %dma_start3A_425 = tpu.memref_slice %arg10[%dma_start3A_423, %dma_start3A_424] : memref<32x129xf32, #tpu.memory_space<vmem>> -> memref<8x128xf32, #tpu.memory_space<vmem>>
        tpu.enqueue_dma source(%dma_start3A_425 : memref<8x128xf32, #tpu.memory_space<vmem>>) target(%dma_start3A_422 : memref<8x128xf32, #tpu.memory_space<hbm>>) target_semaphore(%arg14 : memref<!tpu.dma_semaphore, #tpu.memory_space<semaphore_mem>>)
        %dma_start3A_426 = arith.constant 1 : i32
        %dma_start3A_427 = arith.constant 8 : i32
        %dma_start3A_428 = arith.constant 0 : i32
        %dma_start3A_429 = tpu.memref_slice %arg10[%dma_start3A_427, %dma_start3A_428] : memref<32x129xf32, #tpu.memory_space<vmem>> -> memref<8x128xf32, #tpu.memory_space<vmem>>
        %dma_start3A_430 = arith.constant 0 : i32
        %dma_start3A_431 = arith.constant 0 : i32
        %dma_start3A_432 = tpu.memref_slice %arg4[%add3A_410, %dma_start3A_426, %add3A, %dma_start3A_430, %dma_start3A_431] : memref<200x4x32x8x128xf32, #tpu.memory_space<hbm>> -> memref<1x1x1x8x128xf32, #tpu.memory_space<hbm>>
        %dma_start3A_433 = tpu.memref_squeeze %dma_start3A_432 : memref<1x1x1x8x128xf32, #tpu.memory_space<hbm>> -> memref<8x128xf32, #tpu.memory_space<hbm>>
        %dma_start3A_434 = arith.constant 0 : i32
        %dma_start3A_435 = arith.constant 0 : i32
        %dma_start3A_436 = tpu.memref_slice %arg4[%add3A_410, %dma_start3A_426, %add3A, %dma_start3A_434, %dma_start3A_435] : memref<200x4x32x8x128xf32, #tpu.memory_space<hbm>> -> memref<1x1x1x8x128xf32, #tpu.memory_space<hbm>>
        %dma_start3A_437 = tpu.memref_squeeze %dma_start3A_436 : memref<1x1x1x8x128xf32, #tpu.memory_space<hbm>> -> memref<8x128xf32, #tpu.memory_space<hbm>>
        %dma_start3A_438 = arith.constant 8 : i32
        %dma_start3A_439 = arith.constant 0 : i32
        %dma_start3A_440 = tpu.memref_slice %arg10[%dma_start3A_438, %dma_start3A_439] : memref<32x129xf32, #tpu.memory_space<vmem>> -> memref<8x128xf32, #tpu.memory_space<vmem>>
        tpu.enqueue_dma source(%dma_start3A_440 : memref<8x128xf32, #tpu.memory_space<vmem>>) target(%dma_start3A_437 : memref<8x128xf32, #tpu.memory_space<hbm>>) target_semaphore(%arg14 : memref<!tpu.dma_semaphore, #tpu.memory_space<semaphore_mem>>)
        %dma_start3A_441 = arith.constant 2 : i32
        %dma_start3A_442 = arith.constant 16 : i32
        %dma_start3A_443 = arith.constant 0 : i32
        %dma_start3A_444 = tpu.memref_slice %arg10[%dma_start3A_442, %dma_start3A_443] : memref<32x129xf32, #tpu.memory_space<vmem>> -> memref<8x128xf32, #tpu.memory_space<vmem>>
        %dma_start3A_445 = arith.constant 0 : i32
        %dma_start3A_446 = arith.constant 0 : i32
        %dma_start3A_447 = tpu.memref_slice %arg4[%add3A_410, %dma_start3A_441, %add3A, %dma_start3A_445, %dma_start3A_446] : memref<200x4x32x8x128xf32, #tpu.memory_space<hbm>> -> memref<1x1x1x8x128xf32, #tpu.memory_space<hbm>>
        %dma_start3A_448 = tpu.memref_squeeze %dma_start3A_447 : memref<1x1x1x8x128xf32, #tpu.memory_space<hbm>> -> memref<8x128xf32, #tpu.memory_space<hbm>>
        %dma_start3A_449 = arith.constant 0 : i32
        %dma_start3A_450 = arith.constant 0 : i32
        %dma_start3A_451 = tpu.memref_slice %arg4[%add3A_410, %dma_start3A_441, %add3A, %dma_start3A_449, %dma_start3A_450] : memref<200x4x32x8x128xf32, #tpu.memory_space<hbm>> -> memref<1x1x1x8x128xf32, #tpu.memory_space<hbm>>
        %dma_start3A_452 = tpu.memref_squeeze %dma_start3A_451 : memref<1x1x1x8x128xf32, #tpu.memory_space<hbm>> -> memref<8x128xf32, #tpu.memory_space<hbm>>
        %dma_start3A_453 = arith.constant 16 : i32
        %dma_start3A_454 = arith.constant 0 : i32
        %dma_start3A_455 = tpu.memref_slice %arg10[%dma_start3A_453, %dma_start3A_454] : memref<32x129xf32, #tpu.memory_space<vmem>> -> memref<8x128xf32, #tpu.memory_space<vmem>>
        tpu.enqueue_dma source(%dma_start3A_455 : memref<8x128xf32, #tpu.memory_space<vmem>>) target(%dma_start3A_452 : memref<8x128xf32, #tpu.memory_space<hbm>>) target_semaphore(%arg14 : memref<!tpu.dma_semaphore, #tpu.memory_space<semaphore_mem>>)
        %dma_start3A_456 = arith.constant 3 : i32
        %dma_start3A_457 = arith.constant 24 : i32
        %dma_start3A_458 = arith.constant 0 : i32
        %dma_start3A_459 = tpu.memref_slice %arg10[%dma_start3A_457, %dma_start3A_458] : memref<32x129xf32, #tpu.memory_space<vmem>> -> memref<8x128xf32, #tpu.memory_space<vmem>>
        %dma_start3A_460 = arith.constant 0 : i32
        %dma_start3A_461 = arith.constant 0 : i32
        %dma_start3A_462 = tpu.memref_slice %arg4[%add3A_410, %dma_start3A_456, %add3A, %dma_start3A_460, %dma_start3A_461] : memref<200x4x32x8x128xf32, #tpu.memory_space<hbm>> -> memref<1x1x1x8x128xf32, #tpu.memory_space<hbm>>
        %dma_start3A_463 = tpu.memref_squeeze %dma_start3A_462 : memref<1x1x1x8x128xf32, #tpu.memory_space<hbm>> -> memref<8x128xf32, #tpu.memory_space<hbm>>
        %dma_start3A_464 = arith.constant 0 : i32
        %dma_start3A_465 = arith.constant 0 : i32
        %dma_start3A_466 = tpu.memref_slice %arg4[%add3A_410, %dma_start3A_456, %add3A, %dma_start3A_464, %dma_start3A_465] : memref<200x4x32x8x128xf32, #tpu.memory_space<hbm>> -> memref<1x1x1x8x128xf32, #tpu.memory_space<hbm>>
        %dma_start3A_467 = tpu.memref_squeeze %dma_start3A_466 : memref<1x1x1x8x128xf32, #tpu.memory_space<hbm>> -> memref<8x128xf32, #tpu.memory_space<hbm>>
        %dma_start3A_468 = arith.constant 24 : i32
        %dma_start3A_469 = arith.constant 0 : i32
        %dma_start3A_470 = tpu.memref_slice %arg10[%dma_start3A_468, %dma_start3A_469] : memref<32x129xf32, #tpu.memory_space<vmem>> -> memref<8x128xf32, #tpu.memory_space<vmem>>
        tpu.enqueue_dma source(%dma_start3A_470 : memref<8x128xf32, #tpu.memory_space<vmem>>) target(%dma_start3A_467 : memref<8x128xf32, #tpu.memory_space<hbm>>) target_semaphore(%arg14 : memref<!tpu.dma_semaphore, #tpu.memory_space<semaphore_mem>>)
      }
      %scan3A_187 = arith.constant 4 : i32
    }
    %scan3A_10 = arith.constant 12 : i32
    %dma_wait3A = arith.constant 0 : i32
    %dma_wait3A_11 = arith.constant 0 : i32
    %dma_wait3A_12 = tpu.memref_slice %arg2[%dma_wait3A, %dma_wait3A_11] : memref<1000000x32xf32, #tpu.memory_space<hbm>> -> memref<1000000x32xf32, #tpu.memory_space<hbm>>
    tpu.wait_indirect_dma semaphore(%arg11 : memref<!tpu.dma_semaphore, #tpu.memory_space<semaphore_mem>>) src(%dma_wait3A_12 : memref<1000000x32xf32, #tpu.memory_space<hbm>>) dst(%arg7 : memref<1024x32xf32, #tpu.memory_space<vmem>>)
    %scan3A_13 = arith.constant 0 : i32
    %scan3A_14 = arith.constant 0 : i32
    %scan3A_15 = arith.constant 4 : i32
    %scan3A_16 = arith.addi %scan3A_14, %scan3A_15 : i32
    %scan3A_17 = arith.constant 1 : i32
    scf.for %scan3A_155 = %scan3A_14 to %scan3A_16 step %scan3A_17  : i32 {
      %mul3A_156 = arith.constant 2 : i32
      %mul3A_157 = arith.muli %scan3A_155, %mul3A_156 : i32
      %dma_wait3A_158 = arith.constant 0 : i32
      %dma_wait3A_159 = arith.constant 0 : i32
      %dma_wait3A_160 = arith.constant 0 : i32
      %dma_wait3A_161 = arith.constant 0 : i32
      %dma_wait3A_162 = arith.constant 0 : i32
      %dma_wait3A_163 = tpu.memref_slice %arg9[%dma_wait3A_161, %dma_wait3A_162] : memref<32x129xf32, #tpu.memory_space<vmem>> -> memref<8x128xf32, #tpu.memory_space<vmem>>
      %dma_wait3A_164 = arith.constant 0 : i32
      %dma_wait3A_165 = arith.constant 0 : i32
      %dma_wait3A_166 = tpu.memref_slice %arg4[%dma_wait3A_158, %dma_wait3A_159, %dma_wait3A_160, %dma_wait3A_164, %dma_wait3A_165] : memref<200x4x32x8x128xf32, #tpu.memory_space<hbm>> -> memref<1x1x1x8x128xf32, #tpu.memory_space<hbm>>
      %dma_wait3A_167 = tpu.memref_squeeze %dma_wait3A_166 : memref<1x1x1x8x128xf32, #tpu.memory_space<hbm>> -> memref<8x128xf32, #tpu.memory_space<hbm>>
      %dma_wait3A_168 = arith.constant 0 : i32
      %dma_wait3A_169 = arith.constant 0 : i32
      %dma_wait3A_170 = tpu.memref_slice %arg9[%dma_wait3A_168, %dma_wait3A_169] : memref<32x129xf32, #tpu.memory_space<vmem>> -> memref<8x128xf32, #tpu.memory_space<vmem>>
      %dma_wait3A_171 = arith.constant 0 : i32
      %dma_wait3A_172 = arith.constant 0 : i32
      %dma_wait3A_173 = tpu.memref_slice %arg4[%dma_wait3A_158, %dma_wait3A_159, %dma_wait3A_160, %dma_wait3A_171, %dma_wait3A_172] : memref<200x4x32x8x128xf32, #tpu.memory_space<hbm>> -> memref<1x1x1x8x128xf32, #tpu.memory_space<hbm>>
      %dma_wait3A_174 = tpu.memref_squeeze %dma_wait3A_173 : memref<1x1x1x8x128xf32, #tpu.memory_space<hbm>> -> memref<8x128xf32, #tpu.memory_space<hbm>>
      tpu.wait_dma2 semaphore(%arg13 : memref<!tpu.dma_semaphore, #tpu.memory_space<semaphore_mem>>) src(%dma_wait3A_174 : memref<8x128xf32, #tpu.memory_space<hbm>>) dst(%dma_wait3A_170 : memref<8x128xf32, #tpu.memory_space<vmem>>)
      %dma_wait3A_175 = arith.constant 0 : i32
      %dma_wait3A_176 = arith.constant 0 : i32
      %dma_wait3A_177 = arith.constant 0 : i32
      %dma_wait3A_178 = arith.constant 8 : i32
      %dma_wait3A_179 = arith.constant 0 : i32
      %dma_wait3A_180 = tpu.memref_slice %arg9[%dma_wait3A_178, %dma_wait3A_179] : memref<32x129xf32, #tpu.memory_space<vmem>> -> memref<8x128xf32, #tpu.memory_space<vmem>>
      %dma_wait3A_181 = arith.constant 0 : i32
      %dma_wait3A_182 = arith.constant 0 : i32
      %dma_wait3A_183 = tpu.memref_slice %arg4[%dma_wait3A_175, %dma_wait3A_176, %dma_wait3A_177, %dma_wait3A_181, %dma_wait3A_182] : memref<200x4x32x8x128xf32, #tpu.memory_space<hbm>> -> memref<1x1x1x8x128xf32, #tpu.memory_space<hbm>>
      %dma_wait3A_184 = tpu.memref_squeeze %dma_wait3A_183 : memref<1x1x1x8x128xf32, #tpu.memory_space<hbm>> -> memref<8x128xf32, #tpu.memory_space<hbm>>
      %dma_wait3A_185 = arith.constant 8 : i32
      %dma_wait3A_186 = arith.constant 0 : i32
      %dma_wait3A_187 = tpu.memref_slice %arg9[%dma_wait3A_185, %dma_wait3A_186] : memref<32x129xf32, #tpu.memory_space<vmem>> -> memref<8x128xf32, #tpu.memory_space<vmem>>
      %dma_wait3A_188 = arith.constant 0 : i32
      %dma_wait3A_189 = arith.constant 0 : i32
      %dma_wait3A_190 = tpu.memref_slice %arg4[%dma_wait3A_175, %dma_wait3A_176, %dma_wait3A_177, %dma_wait3A_188, %dma_wait3A_189] : memref<200x4x32x8x128xf32, #tpu.memory_space<hbm>> -> memref<1x1x1x8x128xf32, #tpu.memory_space<hbm>>
      %dma_wait3A_191 = tpu.memref_squeeze %dma_wait3A_190 : memref<1x1x1x8x128xf32, #tpu.memory_space<hbm>> -> memref<8x128xf32, #tpu.memory_space<hbm>>
      tpu.wait_dma2 semaphore(%arg13 : memref<!tpu.dma_semaphore, #tpu.memory_space<semaphore_mem>>) src(%dma_wait3A_191 : memref<8x128xf32, #tpu.memory_space<hbm>>) dst(%dma_wait3A_187 : memref<8x128xf32, #tpu.memory_space<vmem>>)
      %dma_wait3A_192 = arith.constant 0 : i32
      %dma_wait3A_193 = arith.constant 0 : i32
      %dma_wait3A_194 = arith.constant 0 : i32
      %dma_wait3A_195 = arith.constant 16 : i32
      %dma_wait3A_196 = arith.constant 0 : i32
      %dma_wait3A_197 = tpu.memref_slice %arg9[%dma_wait3A_195, %dma_wait3A_196] : memref<32x129xf32, #tpu.memory_space<vmem>> -> memref<8x128xf32, #tpu.memory_space<vmem>>
      %dma_wait3A_198 = arith.constant 0 : i32
      %dma_wait3A_199 = arith.constant 0 : i32
      %dma_wait3A_200 = tpu.memref_slice %arg4[%dma_wait3A_192, %dma_wait3A_193, %dma_wait3A_194, %dma_wait3A_198, %dma_wait3A_199] : memref<200x4x32x8x128xf32, #tpu.memory_space<hbm>> -> memref<1x1x1x8x128xf32, #tpu.memory_space<hbm>>
      %dma_wait3A_201 = tpu.memref_squeeze %dma_wait3A_200 : memref<1x1x1x8x128xf32, #tpu.memory_space<hbm>> -> memref<8x128xf32, #tpu.memory_space<hbm>>
      %dma_wait3A_202 = arith.constant 16 : i32
      %dma_wait3A_203 = arith.constant 0 : i32
      %dma_wait3A_204 = tpu.memref_slice %arg9[%dma_wait3A_202, %dma_wait3A_203] : memref<32x129xf32, #tpu.memory_space<vmem>> -> memref<8x128xf32, #tpu.memory_space<vmem>>
      %dma_wait3A_205 = arith.constant 0 : i32
      %dma_wait3A_206 = arith.constant 0 : i32
      %dma_wait3A_207 = tpu.memref_slice %arg4[%dma_wait3A_192, %dma_wait3A_193, %dma_wait3A_194, %dma_wait3A_205, %dma_wait3A_206] : memref<200x4x32x8x128xf32, #tpu.memory_space<hbm>> -> memref<1x1x1x8x128xf32, #tpu.memory_space<hbm>>
      %dma_wait3A_208 = tpu.memref_squeeze %dma_wait3A_207 : memref<1x1x1x8x128xf32, #tpu.memory_space<hbm>> -> memref<8x128xf32, #tpu.memory_space<hbm>>
      tpu.wait_dma2 semaphore(%arg13 : memref<!tpu.dma_semaphore, #tpu.memory_space<semaphore_mem>>) src(%dma_wait3A_208 : memref<8x128xf32, #tpu.memory_space<hbm>>) dst(%dma_wait3A_204 : memref<8x128xf32, #tpu.memory_space<vmem>>)
      %dma_wait3A_209 = arith.constant 0 : i32
      %dma_wait3A_210 = arith.constant 0 : i32
      %dma_wait3A_211 = arith.constant 0 : i32
      %dma_wait3A_212 = arith.constant 24 : i32
      %dma_wait3A_213 = arith.constant 0 : i32
      %dma_wait3A_214 = tpu.memref_slice %arg9[%dma_wait3A_212, %dma_wait3A_213] : memref<32x129xf32, #tpu.memory_space<vmem>> -> memref<8x128xf32, #tpu.memory_space<vmem>>
      %dma_wait3A_215 = arith.constant 0 : i32
      %dma_wait3A_216 = arith.constant 0 : i32
      %dma_wait3A_217 = tpu.memref_slice %arg4[%dma_wait3A_209, %dma_wait3A_210, %dma_wait3A_211, %dma_wait3A_215, %dma_wait3A_216] : memref<200x4x32x8x128xf32, #tpu.memory_space<hbm>> -> memref<1x1x1x8x128xf32, #tpu.memory_space<hbm>>
      %dma_wait3A_218 = tpu.memref_squeeze %dma_wait3A_217 : memref<1x1x1x8x128xf32, #tpu.memory_space<hbm>> -> memref<8x128xf32, #tpu.memory_space<hbm>>
      %dma_wait3A_219 = arith.constant 24 : i32
      %dma_wait3A_220 = arith.constant 0 : i32
      %dma_wait3A_221 = tpu.memref_slice %arg9[%dma_wait3A_219, %dma_wait3A_220] : memref<32x129xf32, #tpu.memory_space<vmem>> -> memref<8x128xf32, #tpu.memory_space<vmem>>
      %dma_wait3A_222 = arith.constant 0 : i32
      %dma_wait3A_223 = arith.constant 0 : i32
      %dma_wait3A_224 = tpu.memref_slice %arg4[%dma_wait3A_209, %dma_wait3A_210, %dma_wait3A_211, %dma_wait3A_222, %dma_wait3A_223] : memref<200x4x32x8x128xf32, #tpu.memory_space<hbm>> -> memref<1x1x1x8x128xf32, #tpu.memory_space<hbm>>
      %dma_wait3A_225 = tpu.memref_squeeze %dma_wait3A_224 : memref<1x1x1x8x128xf32, #tpu.memory_space<hbm>> -> memref<8x128xf32, #tpu.memory_space<hbm>>
      tpu.wait_dma2 semaphore(%arg13 : memref<!tpu.dma_semaphore, #tpu.memory_space<semaphore_mem>>) src(%dma_wait3A_225 : memref<8x128xf32, #tpu.memory_space<hbm>>) dst(%dma_wait3A_221 : memref<8x128xf32, #tpu.memory_space<vmem>>)
      %mul3A_226 = arith.constant 128 : i32
      %mul3A_227 = arith.muli %mul3A_157, %mul3A_226 : i32
      %scan3A_228 = arith.constant 0 : i32
      %scan3A_229 = arith.constant 0 : i32
      %scan3A_230 = arith.constant 32 : i32
      %scan3A_231 = arith.addi %scan3A_229, %scan3A_230 : i32
      %scan3A_232 = arith.constant 1 : i32
      scf.for %scan3A_436 = %scan3A_229 to %scan3A_231 step %scan3A_232  : i32 {
        %mul3A_437 = arith.constant 4 : i32
        %mul3A_438 = arith.muli %scan3A_436, %mul3A_437 : i32
        %add3A_439 = arith.constant 0 : i32
        %add3A_440 = arith.addi %mul3A_438, %add3A_439 : i32
        %add3A_441 = arith.addi %mul3A_227, %add3A_440 : i32
        %broadcast_in_dim3A = vector.broadcast %add3A_440 : i32 to vector<16xi32>
        %get3A = arith.index_cast %add3A_441 : i32 to index
        %get3A_442 = arith.constant 0 : index
        %get3A_443 = tpu.vector_load %arg7[%get3A, %get3A_442] {strides = array<i32>} : memref<1024x32xf32, #tpu.memory_space<vmem>>, vector<16xf32>,
        %get3A_444 = arith.index_cast %add3A_441 : i32 to index
        %get3A_445 = arith.constant 16 : index
        %get3A_446 = tpu.vector_load %arg7[%get3A_444, %get3A_445] {strides = array<i32>} : memref<1024x32xf32, #tpu.memory_space<vmem>>, vector<16xf32>,
        tpu.vector_store_idx %arg9[%iota3A, %broadcast_in_dim3A], %get3A_443 : memref<32x129xf32, #tpu.memory_space<vmem>>[vector<16xi32>, vector<16xi32>], vector<16xf32>,
        tpu.vector_store_idx %arg9[%add3A_3, %broadcast_in_dim3A], %get3A_446 : memref<32x129xf32, #tpu.memory_space<vmem>>[vector<16xi32>, vector<16xi32>], vector<16xf32>,
        %add3A_447 = arith.constant 1 : i32
        %add3A_448 = arith.addi %mul3A_438, %add3A_447 : i32
        %add3A_449 = arith.addi %mul3A_227, %add3A_448 : i32
        %broadcast_in_dim3A_450 = vector.broadcast %add3A_448 : i32 to vector<16xi32>
        %get3A_451 = arith.index_cast %add3A_449 : i32 to index
        %get3A_452 = arith.constant 0 : index
        %get3A_453 = tpu.vector_load %arg7[%get3A_451, %get3A_452] {strides = array<i32>} : memref<1024x32xf32, #tpu.memory_space<vmem>>, vector<16xf32>,
        %get3A_454 = arith.index_cast %add3A_449 : i32 to index
        %get3A_455 = arith.constant 16 : index
        %get3A_456 = tpu.vector_load %arg7[%get3A_454, %get3A_455] {strides = array<i32>} : memref<1024x32xf32, #tpu.memory_space<vmem>>, vector<16xf32>,
        tpu.vector_store_idx %arg9[%iota3A, %broadcast_in_dim3A_450], %get3A_453 : memref<32x129xf32, #tpu.memory_space<vmem>>[vector<16xi32>, vector<16xi32>], vector<16xf32>,
        tpu.vector_store_idx %arg9[%add3A_3, %broadcast_in_dim3A_450], %get3A_456 : memref<32x129xf32, #tpu.memory_space<vmem>>[vector<16xi32>, vector<16xi32>], vector<16xf32>,
        %add3A_457 = arith.constant 2 : i32
        %add3A_458 = arith.addi %mul3A_438, %add3A_457 : i32
        %add3A_459 = arith.addi %mul3A_227, %add3A_458 : i32
        %broadcast_in_dim3A_460 = vector.broadcast %add3A_458 : i32 to vector<16xi32>
        %get3A_461 = arith.index_cast %add3A_459 : i32 to index
        %get3A_462 = arith.constant 0 : index
        %get3A_463 = tpu.vector_load %arg7[%get3A_461, %get3A_462] {strides = array<i32>} : memref<1024x32xf32, #tpu.memory_space<vmem>>, vector<16xf32>,
        %get3A_464 = arith.index_cast %add3A_459 : i32 to index
        %get3A_465 = arith.constant 16 : index
        %get3A_466 = tpu.vector_load %arg7[%get3A_464, %get3A_465] {strides = array<i32>} : memref<1024x32xf32, #tpu.memory_space<vmem>>, vector<16xf32>,
        tpu.vector_store_idx %arg9[%iota3A, %broadcast_in_dim3A_460], %get3A_463 : memref<32x129xf32, #tpu.memory_space<vmem>>[vector<16xi32>, vector<16xi32>], vector<16xf32>,
        tpu.vector_store_idx %arg9[%add3A_3, %broadcast_in_dim3A_460], %get3A_466 : memref<32x129xf32, #tpu.memory_space<vmem>>[vector<16xi32>, vector<16xi32>], vector<16xf32>,
        %add3A_467 = arith.constant 3 : i32
        %add3A_468 = arith.addi %mul3A_438, %add3A_467 : i32
        %add3A_469 = arith.addi %mul3A_227, %add3A_468 : i32
        %broadcast_in_dim3A_470 = vector.broadcast %add3A_468 : i32 to vector<16xi32>
        %get3A_471 = arith.index_cast %add3A_469 : i32 to index
        %get3A_472 = arith.constant 0 : index
        %get3A_473 = tpu.vector_load %arg7[%get3A_471, %get3A_472] {strides = array<i32>} : memref<1024x32xf32, #tpu.memory_space<vmem>>, vector<16xf32>,
        %get3A_474 = arith.index_cast %add3A_469 : i32 to index
        %get3A_475 = arith.constant 16 : index
        %get3A_476 = tpu.vector_load %arg7[%get3A_474, %get3A_475] {strides = array<i32>} : memref<1024x32xf32, #tpu.memory_space<vmem>>, vector<16xf32>,
        tpu.vector_store_idx %arg9[%iota3A, %broadcast_in_dim3A_470], %get3A_473 : memref<32x129xf32, #tpu.memory_space<vmem>>[vector<16xi32>, vector<16xi32>], vector<16xf32>,
        tpu.vector_store_idx %arg9[%add3A_3, %broadcast_in_dim3A_470], %get3A_476 : memref<32x129xf32, #tpu.memory_space<vmem>>[vector<16xi32>, vector<16xi32>], vector<16xf32>,
      }
      %scan3A_233 = arith.constant 32 : i32
      %add3A_234 = arith.constant 192 : i32
      %add3A_235 = arith.addi %add3A_234, %mul3A_157 : i32
      %dma_start3A_236 = arith.constant 0 : i32
      %dma_start3A_237 = arith.constant 0 : i32
      %dma_start3A_238 = arith.constant 0 : i32
      %dma_start3A_239 = tpu.memref_slice %arg9[%dma_start3A_237, %dma_start3A_238] : memref<32x129xf32, #tpu.memory_space<vmem>> -> memref<8x128xf32, #tpu.memory_space<vmem>>
      %dma_start3A_240 = arith.constant 0 : i32
      %dma_start3A_241 = arith.constant 0 : i32
      %dma_start3A_242 = tpu.memref_slice %arg4[%add3A_235, %dma_start3A_236, %add3A, %dma_start3A_240, %dma_start3A_241] : memref<200x4x32x8x128xf32, #tpu.memory_space<hbm>> -> memref<1x1x1x8x128xf32, #tpu.memory_space<hbm>>
      %dma_start3A_243 = tpu.memref_squeeze %dma_start3A_242 : memref<1x1x1x8x128xf32, #tpu.memory_space<hbm>> -> memref<8x128xf32, #tpu.memory_space<hbm>>
      %dma_start3A_244 = arith.constant 0 : i32
      %dma_start3A_245 = arith.constant 0 : i32
      %dma_start3A_246 = tpu.memref_slice %arg4[%add3A_235, %dma_start3A_236, %add3A, %dma_start3A_244, %dma_start3A_245] : memref<200x4x32x8x128xf32, #tpu.memory_space<hbm>> -> memref<1x1x1x8x128xf32, #tpu.memory_space<hbm>>
      %dma_start3A_247 = tpu.memref_squeeze %dma_start3A_246 : memref<1x1x1x8x128xf32, #tpu.memory_space<hbm>> -> memref<8x128xf32, #tpu.memory_space<hbm>>
      %dma_start3A_248 = arith.constant 0 : i32
      %dma_start3A_249 = arith.constant 0 : i32
      %dma_start3A_250 = tpu.memref_slice %arg9[%dma_start3A_248, %dma_start3A_249] : memref<32x129xf32, #tpu.memory_space<vmem>> -> memref<8x128xf32, #tpu.memory_space<vmem>>
      tpu.enqueue_dma source(%dma_start3A_250 : memref<8x128xf32, #tpu.memory_space<vmem>>) target(%dma_start3A_247 : memref<8x128xf32, #tpu.memory_space<hbm>>) target_semaphore(%arg13 : memref<!tpu.dma_semaphore, #tpu.memory_space<semaphore_mem>>)
      %dma_start3A_251 = arith.constant 1 : i32
      %dma_start3A_252 = arith.constant 8 : i32
      %dma_start3A_253 = arith.constant 0 : i32
      %dma_start3A_254 = tpu.memref_slice %arg9[%dma_start3A_252, %dma_start3A_253] : memref<32x129xf32, #tpu.memory_space<vmem>> -> memref<8x128xf32, #tpu.memory_space<vmem>>
      %dma_start3A_255 = arith.constant 0 : i32
      %dma_start3A_256 = arith.constant 0 : i32
      %dma_start3A_257 = tpu.memref_slice %arg4[%add3A_235, %dma_start3A_251, %add3A, %dma_start3A_255, %dma_start3A_256] : memref<200x4x32x8x128xf32, #tpu.memory_space<hbm>> -> memref<1x1x1x8x128xf32, #tpu.memory_space<hbm>>
      %dma_start3A_258 = tpu.memref_squeeze %dma_start3A_257 : memref<1x1x1x8x128xf32, #tpu.memory_space<hbm>> -> memref<8x128xf32, #tpu.memory_space<hbm>>
      %dma_start3A_259 = arith.constant 0 : i32
      %dma_start3A_260 = arith.constant 0 : i32
      %dma_start3A_261 = tpu.memref_slice %arg4[%add3A_235, %dma_start3A_251, %add3A, %dma_start3A_259, %dma_start3A_260] : memref<200x4x32x8x128xf32, #tpu.memory_space<hbm>> -> memref<1x1x1x8x128xf32, #tpu.memory_space<hbm>>
      %dma_start3A_262 = tpu.memref_squeeze %dma_start3A_261 : memref<1x1x1x8x128xf32, #tpu.memory_space<hbm>> -> memref<8x128xf32, #tpu.memory_space<hbm>>
      %dma_start3A_263 = arith.constant 8 : i32
      %dma_start3A_264 = arith.constant 0 : i32
      %dma_start3A_265 = tpu.memref_slice %arg9[%dma_start3A_263, %dma_start3A_264] : memref<32x129xf32, #tpu.memory_space<vmem>> -> memref<8x128xf32, #tpu.memory_space<vmem>>
      tpu.enqueue_dma source(%dma_start3A_265 : memref<8x128xf32, #tpu.memory_space<vmem>>) target(%dma_start3A_262 : memref<8x128xf32, #tpu.memory_space<hbm>>) target_semaphore(%arg13 : memref<!tpu.dma_semaphore, #tpu.memory_space<semaphore_mem>>)
      %dma_start3A_266 = arith.constant 2 : i32
      %dma_start3A_267 = arith.constant 16 : i32
      %dma_start3A_268 = arith.constant 0 : i32
      %dma_start3A_269 = tpu.memref_slice %arg9[%dma_start3A_267, %dma_start3A_268] : memref<32x129xf32, #tpu.memory_space<vmem>> -> memref<8x128xf32, #tpu.memory_space<vmem>>
      %dma_start3A_270 = arith.constant 0 : i32
      %dma_start3A_271 = arith.constant 0 : i32
      %dma_start3A_272 = tpu.memref_slice %arg4[%add3A_235, %dma_start3A_266, %add3A, %dma_start3A_270, %dma_start3A_271] : memref<200x4x32x8x128xf32, #tpu.memory_space<hbm>> -> memref<1x1x1x8x128xf32, #tpu.memory_space<hbm>>
      %dma_start3A_273 = tpu.memref_squeeze %dma_start3A_272 : memref<1x1x1x8x128xf32, #tpu.memory_space<hbm>> -> memref<8x128xf32, #tpu.memory_space<hbm>>
      %dma_start3A_274 = arith.constant 0 : i32
      %dma_start3A_275 = arith.constant 0 : i32
      %dma_start3A_276 = tpu.memref_slice %arg4[%add3A_235, %dma_start3A_266, %add3A, %dma_start3A_274, %dma_start3A_275] : memref<200x4x32x8x128xf32, #tpu.memory_space<hbm>> -> memref<1x1x1x8x128xf32, #tpu.memory_space<hbm>>
      %dma_start3A_277 = tpu.memref_squeeze %dma_start3A_276 : memref<1x1x1x8x128xf32, #tpu.memory_space<hbm>> -> memref<8x128xf32, #tpu.memory_space<hbm>>
      %dma_start3A_278 = arith.constant 16 : i32
      %dma_start3A_279 = arith.constant 0 : i32
      %dma_start3A_280 = tpu.memref_slice %arg9[%dma_start3A_278, %dma_start3A_279] : memref<32x129xf32, #tpu.memory_space<vmem>> -> memref<8x128xf32, #tpu.memory_space<vmem>>
      tpu.enqueue_dma source(%dma_start3A_280 : memref<8x128xf32, #tpu.memory_space<vmem>>) target(%dma_start3A_277 : memref<8x128xf32, #tpu.memory_space<hbm>>) target_semaphore(%arg13 : memref<!tpu.dma_semaphore, #tpu.memory_space<semaphore_mem>>)
      %dma_start3A_281 = arith.constant 3 : i32
      %dma_start3A_282 = arith.constant 24 : i32
      %dma_start3A_283 = arith.constant 0 : i32
      %dma_start3A_284 = tpu.memref_slice %arg9[%dma_start3A_282, %dma_start3A_283] : memref<32x129xf32, #tpu.memory_space<vmem>> -> memref<8x128xf32, #tpu.memory_space<vmem>>
      %dma_start3A_285 = arith.constant 0 : i32
      %dma_start3A_286 = arith.constant 0 : i32
      %dma_start3A_287 = tpu.memref_slice %arg4[%add3A_235, %dma_start3A_281, %add3A, %dma_start3A_285, %dma_start3A_286] : memref<200x4x32x8x128xf32, #tpu.memory_space<hbm>> -> memref<1x1x1x8x128xf32, #tpu.memory_space<hbm>>
      %dma_start3A_288 = tpu.memref_squeeze %dma_start3A_287 : memref<1x1x1x8x128xf32, #tpu.memory_space<hbm>> -> memref<8x128xf32, #tpu.memory_space<hbm>>
      %dma_start3A_289 = arith.constant 0 : i32
      %dma_start3A_290 = arith.constant 0 : i32
      %dma_start3A_291 = tpu.memref_slice %arg4[%add3A_235, %dma_start3A_281, %add3A, %dma_start3A_289, %dma_start3A_290] : memref<200x4x32x8x128xf32, #tpu.memory_space<hbm>> -> memref<1x1x1x8x128xf32, #tpu.memory_space<hbm>>
      %dma_start3A_292 = tpu.memref_squeeze %dma_start3A_291 : memref<1x1x1x8x128xf32, #tpu.memory_space<hbm>> -> memref<8x128xf32, #tpu.memory_space<hbm>>
      %dma_start3A_293 = arith.constant 24 : i32
      %dma_start3A_294 = arith.constant 0 : i32
      %dma_start3A_295 = tpu.memref_slice %arg9[%dma_start3A_293, %dma_start3A_294] : memref<32x129xf32, #tpu.memory_space<vmem>> -> memref<8x128xf32, #tpu.memory_space<vmem>>
      tpu.enqueue_dma source(%dma_start3A_295 : memref<8x128xf32, #tpu.memory_space<vmem>>) target(%dma_start3A_292 : memref<8x128xf32, #tpu.memory_space<hbm>>) target_semaphore(%arg13 : memref<!tpu.dma_semaphore, #tpu.memory_space<semaphore_mem>>)
      %add3A_296 = arith.constant 1 : i32
      %add3A_297 = arith.addi %mul3A_157, %add3A_296 : i32
      %dma_wait3A_298 = arith.constant 0 : i32
      %dma_wait3A_299 = arith.constant 0 : i32
      %dma_wait3A_300 = arith.constant 0 : i32
      %dma_wait3A_301 = arith.constant 0 : i32
      %dma_wait3A_302 = arith.constant 0 : i32
      %dma_wait3A_303 = tpu.memref_slice %arg10[%dma_wait3A_301, %dma_wait3A_302] : memref<32x129xf32, #tpu.memory_space<vmem>> -> memref<8x128xf32, #tpu.memory_space<vmem>>
      %dma_wait3A_304 = arith.constant 0 : i32
      %dma_wait3A_305 = arith.constant 0 : i32
      %dma_wait3A_306 = tpu.memref_slice %arg4[%dma_wait3A_298, %dma_wait3A_299, %dma_wait3A_300, %dma_wait3A_304, %dma_wait3A_305] : memref<200x4x32x8x128xf32, #tpu.memory_space<hbm>> -> memref<1x1x1x8x128xf32, #tpu.memory_space<hbm>>
      %dma_wait3A_307 = tpu.memref_squeeze %dma_wait3A_306 : memref<1x1x1x8x128xf32, #tpu.memory_space<hbm>> -> memref<8x128xf32, #tpu.memory_space<hbm>>
      %dma_wait3A_308 = arith.constant 0 : i32
      %dma_wait3A_309 = arith.constant 0 : i32
      %dma_wait3A_310 = tpu.memref_slice %arg10[%dma_wait3A_308, %dma_wait3A_309] : memref<32x129xf32, #tpu.memory_space<vmem>> -> memref<8x128xf32, #tpu.memory_space<vmem>>
      %dma_wait3A_311 = arith.constant 0 : i32
      %dma_wait3A_312 = arith.constant 0 : i32
      %dma_wait3A_313 = tpu.memref_slice %arg4[%dma_wait3A_298, %dma_wait3A_299, %dma_wait3A_300, %dma_wait3A_311, %dma_wait3A_312] : memref<200x4x32x8x128xf32, #tpu.memory_space<hbm>> -> memref<1x1x1x8x128xf32, #tpu.memory_space<hbm>>
      %dma_wait3A_314 = tpu.memref_squeeze %dma_wait3A_313 : memref<1x1x1x8x128xf32, #tpu.memory_space<hbm>> -> memref<8x128xf32, #tpu.memory_space<hbm>>
      tpu.wait_dma2 semaphore(%arg14 : memref<!tpu.dma_semaphore, #tpu.memory_space<semaphore_mem>>) src(%dma_wait3A_314 : memref<8x128xf32, #tpu.memory_space<hbm>>) dst(%dma_wait3A_310 : memref<8x128xf32, #tpu.memory_space<vmem>>)
      %dma_wait3A_315 = arith.constant 0 : i32
      %dma_wait3A_316 = arith.constant 0 : i32
      %dma_wait3A_317 = arith.constant 0 : i32
      %dma_wait3A_318 = arith.constant 8 : i32
      %dma_wait3A_319 = arith.constant 0 : i32
      %dma_wait3A_320 = tpu.memref_slice %arg10[%dma_wait3A_318, %dma_wait3A_319] : memref<32x129xf32, #tpu.memory_space<vmem>> -> memref<8x128xf32, #tpu.memory_space<vmem>>
      %dma_wait3A_321 = arith.constant 0 : i32
      %dma_wait3A_322 = arith.constant 0 : i32
      %dma_wait3A_323 = tpu.memref_slice %arg4[%dma_wait3A_315, %dma_wait3A_316, %dma_wait3A_317, %dma_wait3A_321, %dma_wait3A_322] : memref<200x4x32x8x128xf32, #tpu.memory_space<hbm>> -> memref<1x1x1x8x128xf32, #tpu.memory_space<hbm>>
      %dma_wait3A_324 = tpu.memref_squeeze %dma_wait3A_323 : memref<1x1x1x8x128xf32, #tpu.memory_space<hbm>> -> memref<8x128xf32, #tpu.memory_space<hbm>>
      %dma_wait3A_325 = arith.constant 8 : i32
      %dma_wait3A_326 = arith.constant 0 : i32
      %dma_wait3A_327 = tpu.memref_slice %arg10[%dma_wait3A_325, %dma_wait3A_326] : memref<32x129xf32, #tpu.memory_space<vmem>> -> memref<8x128xf32, #tpu.memory_space<vmem>>
      %dma_wait3A_328 = arith.constant 0 : i32
      %dma_wait3A_329 = arith.constant 0 : i32
      %dma_wait3A_330 = tpu.memref_slice %arg4[%dma_wait3A_315, %dma_wait3A_316, %dma_wait3A_317, %dma_wait3A_328, %dma_wait3A_329] : memref<200x4x32x8x128xf32, #tpu.memory_space<hbm>> -> memref<1x1x1x8x128xf32, #tpu.memory_space<hbm>>
      %dma_wait3A_331 = tpu.memref_squeeze %dma_wait3A_330 : memref<1x1x1x8x128xf32, #tpu.memory_space<hbm>> -> memref<8x128xf32, #tpu.memory_space<hbm>>
      tpu.wait_dma2 semaphore(%arg14 : memref<!tpu.dma_semaphore, #tpu.memory_space<semaphore_mem>>) src(%dma_wait3A_331 : memref<8x128xf32, #tpu.memory_space<hbm>>) dst(%dma_wait3A_327 : memref<8x128xf32, #tpu.memory_space<vmem>>)
      %dma_wait3A_332 = arith.constant 0 : i32
      %dma_wait3A_333 = arith.constant 0 : i32
      %dma_wait3A_334 = arith.constant 0 : i32
      %dma_wait3A_335 = arith.constant 16 : i32
      %dma_wait3A_336 = arith.constant 0 : i32
      %dma_wait3A_337 = tpu.memref_slice %arg10[%dma_wait3A_335, %dma_wait3A_336] : memref<32x129xf32, #tpu.memory_space<vmem>> -> memref<8x128xf32, #tpu.memory_space<vmem>>
      %dma_wait3A_338 = arith.constant 0 : i32
      %dma_wait3A_339 = arith.constant 0 : i32
      %dma_wait3A_340 = tpu.memref_slice %arg4[%dma_wait3A_332, %dma_wait3A_333, %dma_wait3A_334, %dma_wait3A_338, %dma_wait3A_339] : memref<200x4x32x8x128xf32, #tpu.memory_space<hbm>> -> memref<1x1x1x8x128xf32, #tpu.memory_space<hbm>>
      %dma_wait3A_341 = tpu.memref_squeeze %dma_wait3A_340 : memref<1x1x1x8x128xf32, #tpu.memory_space<hbm>> -> memref<8x128xf32, #tpu.memory_space<hbm>>
      %dma_wait3A_342 = arith.constant 16 : i32
      %dma_wait3A_343 = arith.constant 0 : i32
      %dma_wait3A_344 = tpu.memref_slice %arg10[%dma_wait3A_342, %dma_wait3A_343] : memref<32x129xf32, #tpu.memory_space<vmem>> -> memref<8x128xf32, #tpu.memory_space<vmem>>
      %dma_wait3A_345 = arith.constant 0 : i32
      %dma_wait3A_346 = arith.constant 0 : i32
      %dma_wait3A_347 = tpu.memref_slice %arg4[%dma_wait3A_332, %dma_wait3A_333, %dma_wait3A_334, %dma_wait3A_345, %dma_wait3A_346] : memref<200x4x32x8x128xf32, #tpu.memory_space<hbm>> -> memref<1x1x1x8x128xf32, #tpu.memory_space<hbm>>
      %dma_wait3A_348 = tpu.memref_squeeze %dma_wait3A_347 : memref<1x1x1x8x128xf32, #tpu.memory_space<hbm>> -> memref<8x128xf32, #tpu.memory_space<hbm>>
      tpu.wait_dma2 semaphore(%arg14 : memref<!tpu.dma_semaphore, #tpu.memory_space<semaphore_mem>>) src(%dma_wait3A_348 : memref<8x128xf32, #tpu.memory_space<hbm>>) dst(%dma_wait3A_344 : memref<8x128xf32, #tpu.memory_space<vmem>>)
      %dma_wait3A_349 = arith.constant 0 : i32
      %dma_wait3A_350 = arith.constant 0 : i32
      %dma_wait3A_351 = arith.constant 0 : i32
      %dma_wait3A_352 = arith.constant 24 : i32
      %dma_wait3A_353 = arith.constant 0 : i32
      %dma_wait3A_354 = tpu.memref_slice %arg10[%dma_wait3A_352, %dma_wait3A_353] : memref<32x129xf32, #tpu.memory_space<vmem>> -> memref<8x128xf32, #tpu.memory_space<vmem>>
      %dma_wait3A_355 = arith.constant 0 : i32
      %dma_wait3A_356 = arith.constant 0 : i32
      %dma_wait3A_357 = tpu.memref_slice %arg4[%dma_wait3A_349, %dma_wait3A_350, %dma_wait3A_351, %dma_wait3A_355, %dma_wait3A_356] : memref<200x4x32x8x128xf32, #tpu.memory_space<hbm>> -> memref<1x1x1x8x128xf32, #tpu.memory_space<hbm>>
      %dma_wait3A_358 = tpu.memref_squeeze %dma_wait3A_357 : memref<1x1x1x8x128xf32, #tpu.memory_space<hbm>> -> memref<8x128xf32, #tpu.memory_space<hbm>>
      %dma_wait3A_359 = arith.constant 24 : i32
      %dma_wait3A_360 = arith.constant 0 : i32
      %dma_wait3A_361 = tpu.memref_slice %arg10[%dma_wait3A_359, %dma_wait3A_360] : memref<32x129xf32, #tpu.memory_space<vmem>> -> memref<8x128xf32, #tpu.memory_space<vmem>>
      %dma_wait3A_362 = arith.constant 0 : i32
      %dma_wait3A_363 = arith.constant 0 : i32
      %dma_wait3A_364 = tpu.memref_slice %arg4[%dma_wait3A_349, %dma_wait3A_350, %dma_wait3A_351, %dma_wait3A_362, %dma_wait3A_363] : memref<200x4x32x8x128xf32, #tpu.memory_space<hbm>> -> memref<1x1x1x8x128xf32, #tpu.memory_space<hbm>>
      %dma_wait3A_365 = tpu.memref_squeeze %dma_wait3A_364 : memref<1x1x1x8x128xf32, #tpu.memory_space<hbm>> -> memref<8x128xf32, #tpu.memory_space<hbm>>
      tpu.wait_dma2 semaphore(%arg14 : memref<!tpu.dma_semaphore, #tpu.memory_space<semaphore_mem>>) src(%dma_wait3A_365 : memref<8x128xf32, #tpu.memory_space<hbm>>) dst(%dma_wait3A_361 : memref<8x128xf32, #tpu.memory_space<vmem>>)
      %mul3A_366 = arith.constant 128 : i32
      %mul3A_367 = arith.muli %add3A_297, %mul3A_366 : i32
      %scan3A_368 = arith.constant 0 : i32
      %scan3A_369 = arith.constant 0 : i32
      %scan3A_370 = arith.constant 32 : i32
      %scan3A_371 = arith.addi %scan3A_369, %scan3A_370 : i32
      %scan3A_372 = arith.constant 1 : i32
      scf.for %scan3A_436 = %scan3A_369 to %scan3A_371 step %scan3A_372  : i32 {
        %mul3A_437 = arith.constant 4 : i32
        %mul3A_438 = arith.muli %scan3A_436, %mul3A_437 : i32
        %add3A_439 = arith.constant 0 : i32
        %add3A_440 = arith.addi %mul3A_438, %add3A_439 : i32
        %add3A_441 = arith.addi %mul3A_367, %add3A_440 : i32
        %broadcast_in_dim3A = vector.broadcast %add3A_440 : i32 to vector<16xi32>
        %get3A = arith.index_cast %add3A_441 : i32 to index
        %get3A_442 = arith.constant 0 : index
        %get3A_443 = tpu.vector_load %arg7[%get3A, %get3A_442] {strides = array<i32>} : memref<1024x32xf32, #tpu.memory_space<vmem>>, vector<16xf32>,
        %get3A_444 = arith.index_cast %add3A_441 : i32 to index
        %get3A_445 = arith.constant 16 : index
        %get3A_446 = tpu.vector_load %arg7[%get3A_444, %get3A_445] {strides = array<i32>} : memref<1024x32xf32, #tpu.memory_space<vmem>>, vector<16xf32>,
        tpu.vector_store_idx %arg10[%iota3A, %broadcast_in_dim3A], %get3A_443 : memref<32x129xf32, #tpu.memory_space<vmem>>[vector<16xi32>, vector<16xi32>], vector<16xf32>,
        tpu.vector_store_idx %arg10[%add3A_3, %broadcast_in_dim3A], %get3A_446 : memref<32x129xf32, #tpu.memory_space<vmem>>[vector<16xi32>, vector<16xi32>], vector<16xf32>,
        %add3A_447 = arith.constant 1 : i32
        %add3A_448 = arith.addi %mul3A_438, %add3A_447 : i32
        %add3A_449 = arith.addi %mul3A_367, %add3A_448 : i32
        %broadcast_in_dim3A_450 = vector.broadcast %add3A_448 : i32 to vector<16xi32>
        %get3A_451 = arith.index_cast %add3A_449 : i32 to index
        %get3A_452 = arith.constant 0 : index
        %get3A_453 = tpu.vector_load %arg7[%get3A_451, %get3A_452] {strides = array<i32>} : memref<1024x32xf32, #tpu.memory_space<vmem>>, vector<16xf32>,
        %get3A_454 = arith.index_cast %add3A_449 : i32 to index
        %get3A_455 = arith.constant 16 : index
        %get3A_456 = tpu.vector_load %arg7[%get3A_454, %get3A_455] {strides = array<i32>} : memref<1024x32xf32, #tpu.memory_space<vmem>>, vector<16xf32>,
        tpu.vector_store_idx %arg10[%iota3A, %broadcast_in_dim3A_450], %get3A_453 : memref<32x129xf32, #tpu.memory_space<vmem>>[vector<16xi32>, vector<16xi32>], vector<16xf32>,
        tpu.vector_store_idx %arg10[%add3A_3, %broadcast_in_dim3A_450], %get3A_456 : memref<32x129xf32, #tpu.memory_space<vmem>>[vector<16xi32>, vector<16xi32>], vector<16xf32>,
        %add3A_457 = arith.constant 2 : i32
        %add3A_458 = arith.addi %mul3A_438, %add3A_457 : i32
        %add3A_459 = arith.addi %mul3A_367, %add3A_458 : i32
        %broadcast_in_dim3A_460 = vector.broadcast %add3A_458 : i32 to vector<16xi32>
        %get3A_461 = arith.index_cast %add3A_459 : i32 to index
        %get3A_462 = arith.constant 0 : index
        %get3A_463 = tpu.vector_load %arg7[%get3A_461, %get3A_462] {strides = array<i32>} : memref<1024x32xf32, #tpu.memory_space<vmem>>, vector<16xf32>,
        %get3A_464 = arith.index_cast %add3A_459 : i32 to index
        %get3A_465 = arith.constant 16 : index
        %get3A_466 = tpu.vector_load %arg7[%get3A_464, %get3A_465] {strides = array<i32>} : memref<1024x32xf32, #tpu.memory_space<vmem>>, vector<16xf32>,
        tpu.vector_store_idx %arg10[%iota3A, %broadcast_in_dim3A_460], %get3A_463 : memref<32x129xf32, #tpu.memory_space<vmem>>[vector<16xi32>, vector<16xi32>], vector<16xf32>,
        tpu.vector_store_idx %arg10[%add3A_3, %broadcast_in_dim3A_460], %get3A_466 : memref<32x129xf32, #tpu.memory_space<vmem>>[vector<16xi32>, vector<16xi32>], vector<16xf32>,
        %add3A_467 = arith.constant 3 : i32
        %add3A_468 = arith.addi %mul3A_438, %add3A_467 : i32
        %add3A_469 = arith.addi %mul3A_367, %add3A_468 : i32
        %broadcast_in_dim3A_470 = vector.broadcast %add3A_468 : i32 to vector<16xi32>
        %get3A_471 = arith.index_cast %add3A_469 : i32 to index
        %get3A_472 = arith.constant 0 : index
        %get3A_473 = tpu.vector_load %arg7[%get3A_471, %get3A_472] {strides = array<i32>} : memref<1024x32xf32, #tpu.memory_space<vmem>>, vector<16xf32>,
        %get3A_474 = arith.index_cast %add3A_469 : i32 to index
        %get3A_475 = arith.constant 16 : index
        %get3A_476 = tpu.vector_load %arg7[%get3A_474, %get3A_475] {strides = array<i32>} : memref<1024x32xf32, #tpu.memory_space<vmem>>, vector<16xf32>,
        tpu.vector_store_idx %arg10[%iota3A, %broadcast_in_dim3A_470], %get3A_473 : memref<32x129xf32, #tpu.memory_space<vmem>>[vector<16xi32>, vector<16xi32>], vector<16xf32>,
        tpu.vector_store_idx %arg10[%add3A_3, %broadcast_in_dim3A_470], %get3A_476 : memref<32x129xf32, #tpu.memory_space<vmem>>[vector<16xi32>, vector<16xi32>], vector<16xf32>,
      }
      %scan3A_373 = arith.constant 32 : i32
      %add3A_374 = arith.constant 192 : i32
      %add3A_375 = arith.addi %add3A_374, %add3A_297 : i32
      %dma_start3A_376 = arith.constant 0 : i32
      %dma_start3A_377 = arith.constant 0 : i32
      %dma_start3A_378 = arith.constant 0 : i32
      %dma_start3A_379 = tpu.memref_slice %arg10[%dma_start3A_377, %dma_start3A_378] : memref<32x129xf32, #tpu.memory_space<vmem>> -> memref<8x128xf32, #tpu.memory_space<vmem>>
      %dma_start3A_380 = arith.constant 0 : i32
      %dma_start3A_381 = arith.constant 0 : i32
      %dma_start3A_382 = tpu.memref_slice %arg4[%add3A_375, %dma_start3A_376, %add3A, %dma_start3A_380, %dma_start3A_381] : memref<200x4x32x8x128xf32, #tpu.memory_space<hbm>> -> memref<1x1x1x8x128xf32, #tpu.memory_space<hbm>>
      %dma_start3A_383 = tpu.memref_squeeze %dma_start3A_382 : memref<1x1x1x8x128xf32, #tpu.memory_space<hbm>> -> memref<8x128xf32, #tpu.memory_space<hbm>>
      %dma_start3A_384 = arith.constant 0 : i32
      %dma_start3A_385 = arith.constant 0 : i32
      %dma_start3A_386 = tpu.memref_slice %arg4[%add3A_375, %dma_start3A_376, %add3A, %dma_start3A_384, %dma_start3A_385] : memref<200x4x32x8x128xf32, #tpu.memory_space<hbm>> -> memref<1x1x1x8x128xf32, #tpu.memory_space<hbm>>
      %dma_start3A_387 = tpu.memref_squeeze %dma_start3A_386 : memref<1x1x1x8x128xf32, #tpu.memory_space<hbm>> -> memref<8x128xf32, #tpu.memory_space<hbm>>
      %dma_start3A_388 = arith.constant 0 : i32
      %dma_start3A_389 = arith.constant 0 : i32
      %dma_start3A_390 = tpu.memref_slice %arg10[%dma_start3A_388, %dma_start3A_389] : memref<32x129xf32, #tpu.memory_space<vmem>> -> memref<8x128xf32, #tpu.memory_space<vmem>>
      tpu.enqueue_dma source(%dma_start3A_390 : memref<8x128xf32, #tpu.memory_space<vmem>>) target(%dma_start3A_387 : memref<8x128xf32, #tpu.memory_space<hbm>>) target_semaphore(%arg14 : memref<!tpu.dma_semaphore, #tpu.memory_space<semaphore_mem>>)
      %dma_start3A_391 = arith.constant 1 : i32
      %dma_start3A_392 = arith.constant 8 : i32
      %dma_start3A_393 = arith.constant 0 : i32
      %dma_start3A_394 = tpu.memref_slice %arg10[%dma_start3A_392, %dma_start3A_393] : memref<32x129xf32, #tpu.memory_space<vmem>> -> memref<8x128xf32, #tpu.memory_space<vmem>>
      %dma_start3A_395 = arith.constant 0 : i32
      %dma_start3A_396 = arith.constant 0 : i32
      %dma_start3A_397 = tpu.memref_slice %arg4[%add3A_375, %dma_start3A_391, %add3A, %dma_start3A_395, %dma_start3A_396] : memref<200x4x32x8x128xf32, #tpu.memory_space<hbm>> -> memref<1x1x1x8x128xf32, #tpu.memory_space<hbm>>
      %dma_start3A_398 = tpu.memref_squeeze %dma_start3A_397 : memref<1x1x1x8x128xf32, #tpu.memory_space<hbm>> -> memref<8x128xf32, #tpu.memory_space<hbm>>
      %dma_start3A_399 = arith.constant 0 : i32
      %dma_start3A_400 = arith.constant 0 : i32
      %dma_start3A_401 = tpu.memref_slice %arg4[%add3A_375, %dma_start3A_391, %add3A, %dma_start3A_399, %dma_start3A_400] : memref<200x4x32x8x128xf32, #tpu.memory_space<hbm>> -> memref<1x1x1x8x128xf32, #tpu.memory_space<hbm>>
      %dma_start3A_402 = tpu.memref_squeeze %dma_start3A_401 : memref<1x1x1x8x128xf32, #tpu.memory_space<hbm>> -> memref<8x128xf32, #tpu.memory_space<hbm>>
      %dma_start3A_403 = arith.constant 8 : i32
      %dma_start3A_404 = arith.constant 0 : i32
      %dma_start3A_405 = tpu.memref_slice %arg10[%dma_start3A_403, %dma_start3A_404] : memref<32x129xf32, #tpu.memory_space<vmem>> -> memref<8x128xf32, #tpu.memory_space<vmem>>
      tpu.enqueue_dma source(%dma_start3A_405 : memref<8x128xf32, #tpu.memory_space<vmem>>) target(%dma_start3A_402 : memref<8x128xf32, #tpu.memory_space<hbm>>) target_semaphore(%arg14 : memref<!tpu.dma_semaphore, #tpu.memory_space<semaphore_mem>>)
      %dma_start3A_406 = arith.constant 2 : i32
      %dma_start3A_407 = arith.constant 16 : i32
      %dma_start3A_408 = arith.constant 0 : i32
      %dma_start3A_409 = tpu.memref_slice %arg10[%dma_start3A_407, %dma_start3A_408] : memref<32x129xf32, #tpu.memory_space<vmem>> -> memref<8x128xf32, #tpu.memory_space<vmem>>
      %dma_start3A_410 = arith.constant 0 : i32
      %dma_start3A_411 = arith.constant 0 : i32
      %dma_start3A_412 = tpu.memref_slice %arg4[%add3A_375, %dma_start3A_406, %add3A, %dma_start3A_410, %dma_start3A_411] : memref<200x4x32x8x128xf32, #tpu.memory_space<hbm>> -> memref<1x1x1x8x128xf32, #tpu.memory_space<hbm>>
      %dma_start3A_413 = tpu.memref_squeeze %dma_start3A_412 : memref<1x1x1x8x128xf32, #tpu.memory_space<hbm>> -> memref<8x128xf32, #tpu.memory_space<hbm>>
      %dma_start3A_414 = arith.constant 0 : i32
      %dma_start3A_415 = arith.constant 0 : i32
      %dma_start3A_416 = tpu.memref_slice %arg4[%add3A_375, %dma_start3A_406, %add3A, %dma_start3A_414, %dma_start3A_415] : memref<200x4x32x8x128xf32, #tpu.memory_space<hbm>> -> memref<1x1x1x8x128xf32, #tpu.memory_space<hbm>>
      %dma_start3A_417 = tpu.memref_squeeze %dma_start3A_416 : memref<1x1x1x8x128xf32, #tpu.memory_space<hbm>> -> memref<8x128xf32, #tpu.memory_space<hbm>>
      %dma_start3A_418 = arith.constant 16 : i32
      %dma_start3A_419 = arith.constant 0 : i32
      %dma_start3A_420 = tpu.memref_slice %arg10[%dma_start3A_418, %dma_start3A_419] : memref<32x129xf32, #tpu.memory_space<vmem>> -> memref<8x128xf32, #tpu.memory_space<vmem>>
      tpu.enqueue_dma source(%dma_start3A_420 : memref<8x128xf32, #tpu.memory_space<vmem>>) target(%dma_start3A_417 : memref<8x128xf32, #tpu.memory_space<hbm>>) target_semaphore(%arg14 : memref<!tpu.dma_semaphore, #tpu.memory_space<semaphore_mem>>)
      %dma_start3A_421 = arith.constant 3 : i32
      %dma_start3A_422 = arith.constant 24 : i32
      %dma_start3A_423 = arith.constant 0 : i32
      %dma_start3A_424 = tpu.memref_slice %arg10[%dma_start3A_422, %dma_start3A_423] : memref<32x129xf32, #tpu.memory_space<vmem>> -> memref<8x128xf32, #tpu.memory_space<vmem>>
      %dma_start3A_425 = arith.constant 0 : i32
      %dma_start3A_426 = arith.constant 0 : i32
      %dma_start3A_427 = tpu.memref_slice %arg4[%add3A_375, %dma_start3A_421, %add3A, %dma_start3A_425, %dma_start3A_426] : memref<200x4x32x8x128xf32, #tpu.memory_space<hbm>> -> memref<1x1x1x8x128xf32, #tpu.memory_space<hbm>>
      %dma_start3A_428 = tpu.memref_squeeze %dma_start3A_427 : memref<1x1x1x8x128xf32, #tpu.memory_space<hbm>> -> memref<8x128xf32, #tpu.memory_space<hbm>>
      %dma_start3A_429 = arith.constant 0 : i32
      %dma_start3A_430 = arith.constant 0 : i32
      %dma_start3A_431 = tpu.memref_slice %arg4[%add3A_375, %dma_start3A_421, %add3A, %dma_start3A_429, %dma_start3A_430] : memref<200x4x32x8x128xf32, #tpu.memory_space<hbm>> -> memref<1x1x1x8x128xf32, #tpu.memory_space<hbm>>
      %dma_start3A_432 = tpu.memref_squeeze %dma_start3A_431 : memref<1x1x1x8x128xf32, #tpu.memory_space<hbm>> -> memref<8x128xf32, #tpu.memory_space<hbm>>
      %dma_start3A_433 = arith.constant 24 : i32
      %dma_start3A_434 = arith.constant 0 : i32
      %dma_start3A_435 = tpu.memref_slice %arg10[%dma_start3A_433, %dma_start3A_434] : memref<32x129xf32, #tpu.memory_space<vmem>> -> memref<8x128xf32, #tpu.memory_space<vmem>>
      tpu.enqueue_dma source(%dma_start3A_435 : memref<8x128xf32, #tpu.memory_space<vmem>>) target(%dma_start3A_432 : memref<8x128xf32, #tpu.memory_space<hbm>>) target_semaphore(%arg14 : memref<!tpu.dma_semaphore, #tpu.memory_space<semaphore_mem>>)
    }
    %scan3A_18 = arith.constant 4 : i32
    %dma_wait3A_19 = arith.constant 0 : i32
    %dma_wait3A_20 = arith.constant 0 : i32
    %dma_wait3A_21 = arith.constant 0 : i32
    %dma_wait3A_22 = arith.constant 0 : i32
    %dma_wait3A_23 = arith.constant 0 : i32
    %dma_wait3A_24 = tpu.memref_slice %arg9[%dma_wait3A_22, %dma_wait3A_23] : memref<32x129xf32, #tpu.memory_space<vmem>> -> memref<8x128xf32, #tpu.memory_space<vmem>>
    %dma_wait3A_25 = arith.constant 0 : i32
    %dma_wait3A_26 = arith.constant 0 : i32
    %dma_wait3A_27 = tpu.memref_slice %arg4[%dma_wait3A_19, %dma_wait3A_20, %dma_wait3A_21, %dma_wait3A_25, %dma_wait3A_26] : memref<200x4x32x8x128xf32, #tpu.memory_space<hbm>> -> memref<1x1x1x8x128xf32, #tpu.memory_space<hbm>>
    %dma_wait3A_28 = tpu.memref_squeeze %dma_wait3A_27 : memref<1x1x1x8x128xf32, #tpu.memory_space<hbm>> -> memref<8x128xf32, #tpu.memory_space<hbm>>
    %dma_wait3A_29 = arith.constant 0 : i32
    %dma_wait3A_30 = arith.constant 0 : i32
    %dma_wait3A_31 = tpu.memref_slice %arg9[%dma_wait3A_29, %dma_wait3A_30] : memref<32x129xf32, #tpu.memory_space<vmem>> -> memref<8x128xf32, #tpu.memory_space<vmem>>
    %dma_wait3A_32 = arith.constant 0 : i32
    %dma_wait3A_33 = arith.constant 0 : i32
    %dma_wait3A_34 = tpu.memref_slice %arg4[%dma_wait3A_19, %dma_wait3A_20, %dma_wait3A_21, %dma_wait3A_32, %dma_wait3A_33] : memref<200x4x32x8x128xf32, #tpu.memory_space<hbm>> -> memref<1x1x1x8x128xf32, #tpu.memory_space<hbm>>
    %dma_wait3A_35 = tpu.memref_squeeze %dma_wait3A_34 : memref<1x1x1x8x128xf32, #tpu.memory_space<hbm>> -> memref<8x128xf32, #tpu.memory_space<hbm>>
    tpu.wait_dma2 semaphore(%arg13 : memref<!tpu.dma_semaphore, #tpu.memory_space<semaphore_mem>>) src(%dma_wait3A_35 : memref<8x128xf32, #tpu.memory_space<hbm>>) dst(%dma_wait3A_31 : memref<8x128xf32, #tpu.memory_space<vmem>>)
    %dma_wait3A_36 = arith.constant 0 : i32
    %dma_wait3A_37 = arith.constant 0 : i32
    %dma_wait3A_38 = arith.constant 0 : i32
    %dma_wait3A_39 = arith.constant 8 : i32
    %dma_wait3A_40 = arith.constant 0 : i32
    %dma_wait3A_41 = tpu.memref_slice %arg9[%dma_wait3A_39, %dma_wait3A_40] : memref<32x129xf32, #tpu.memory_space<vmem>> -> memref<8x128xf32, #tpu.memory_space<vmem>>
    %dma_wait3A_42 = arith.constant 0 : i32
    %dma_wait3A_43 = arith.constant 0 : i32
    %dma_wait3A_44 = tpu.memref_slice %arg4[%dma_wait3A_36, %dma_wait3A_37, %dma_wait3A_38, %dma_wait3A_42, %dma_wait3A_43] : memref<200x4x32x8x128xf32, #tpu.memory_space<hbm>> -> memref<1x1x1x8x128xf32, #tpu.memory_space<hbm>>
    %dma_wait3A_45 = tpu.memref_squeeze %dma_wait3A_44 : memref<1x1x1x8x128xf32, #tpu.memory_space<hbm>> -> memref<8x128xf32, #tpu.memory_space<hbm>>
    %dma_wait3A_46 = arith.constant 8 : i32
    %dma_wait3A_47 = arith.constant 0 : i32
    %dma_wait3A_48 = tpu.memref_slice %arg9[%dma_wait3A_46, %dma_wait3A_47] : memref<32x129xf32, #tpu.memory_space<vmem>> -> memref<8x128xf32, #tpu.memory_space<vmem>>
    %dma_wait3A_49 = arith.constant 0 : i32
    %dma_wait3A_50 = arith.constant 0 : i32
    %dma_wait3A_51 = tpu.memref_slice %arg4[%dma_wait3A_36, %dma_wait3A_37, %dma_wait3A_38, %dma_wait3A_49, %dma_wait3A_50] : memref<200x4x32x8x128xf32, #tpu.memory_space<hbm>> -> memref<1x1x1x8x128xf32, #tpu.memory_space<hbm>>
    %dma_wait3A_52 = tpu.memref_squeeze %dma_wait3A_51 : memref<1x1x1x8x128xf32, #tpu.memory_space<hbm>> -> memref<8x128xf32, #tpu.memory_space<hbm>>
    tpu.wait_dma2 semaphore(%arg13 : memref<!tpu.dma_semaphore, #tpu.memory_space<semaphore_mem>>) src(%dma_wait3A_52 : memref<8x128xf32, #tpu.memory_space<hbm>>) dst(%dma_wait3A_48 : memref<8x128xf32, #tpu.memory_space<vmem>>)
    %dma_wait3A_53 = arith.constant 0 : i32
    %dma_wait3A_54 = arith.constant 0 : i32
    %dma_wait3A_55 = arith.constant 0 : i32
    %dma_wait3A_56 = arith.constant 16 : i32
    %dma_wait3A_57 = arith.constant 0 : i32
    %dma_wait3A_58 = tpu.memref_slice %arg9[%dma_wait3A_56, %dma_wait3A_57] : memref<32x129xf32, #tpu.memory_space<vmem>> -> memref<8x128xf32, #tpu.memory_space<vmem>>
    %dma_wait3A_59 = arith.constant 0 : i32
    %dma_wait3A_60 = arith.constant 0 : i32
    %dma_wait3A_61 = tpu.memref_slice %arg4[%dma_wait3A_53, %dma_wait3A_54, %dma_wait3A_55, %dma_wait3A_59, %dma_wait3A_60] : memref<200x4x32x8x128xf32, #tpu.memory_space<hbm>> -> memref<1x1x1x8x128xf32, #tpu.memory_space<hbm>>
    %dma_wait3A_62 = tpu.memref_squeeze %dma_wait3A_61 : memref<1x1x1x8x128xf32, #tpu.memory_space<hbm>> -> memref<8x128xf32, #tpu.memory_space<hbm>>
    %dma_wait3A_63 = arith.constant 16 : i32
    %dma_wait3A_64 = arith.constant 0 : i32
    %dma_wait3A_65 = tpu.memref_slice %arg9[%dma_wait3A_63, %dma_wait3A_64] : memref<32x129xf32, #tpu.memory_space<vmem>> -> memref<8x128xf32, #tpu.memory_space<vmem>>
    %dma_wait3A_66 = arith.constant 0 : i32
    %dma_wait3A_67 = arith.constant 0 : i32
    %dma_wait3A_68 = tpu.memref_slice %arg4[%dma_wait3A_53, %dma_wait3A_54, %dma_wait3A_55, %dma_wait3A_66, %dma_wait3A_67] : memref<200x4x32x8x128xf32, #tpu.memory_space<hbm>> -> memref<1x1x1x8x128xf32, #tpu.memory_space<hbm>>
    %dma_wait3A_69 = tpu.memref_squeeze %dma_wait3A_68 : memref<1x1x1x8x128xf32, #tpu.memory_space<hbm>> -> memref<8x128xf32, #tpu.memory_space<hbm>>
    tpu.wait_dma2 semaphore(%arg13 : memref<!tpu.dma_semaphore, #tpu.memory_space<semaphore_mem>>) src(%dma_wait3A_69 : memref<8x128xf32, #tpu.memory_space<hbm>>) dst(%dma_wait3A_65 : memref<8x128xf32, #tpu.memory_space<vmem>>)
    %dma_wait3A_70 = arith.constant 0 : i32
    %dma_wait3A_71 = arith.constant 0 : i32
    %dma_wait3A_72 = arith.constant 0 : i32
    %dma_wait3A_73 = arith.constant 24 : i32
    %dma_wait3A_74 = arith.constant 0 : i32
    %dma_wait3A_75 = tpu.memref_slice %arg9[%dma_wait3A_73, %dma_wait3A_74] : memref<32x129xf32, #tpu.memory_space<vmem>> -> memref<8x128xf32, #tpu.memory_space<vmem>>
    %dma_wait3A_76 = arith.constant 0 : i32
    %dma_wait3A_77 = arith.constant 0 : i32
    %dma_wait3A_78 = tpu.memref_slice %arg4[%dma_wait3A_70, %dma_wait3A_71, %dma_wait3A_72, %dma_wait3A_76, %dma_wait3A_77] : memref<200x4x32x8x128xf32, #tpu.memory_space<hbm>> -> memref<1x1x1x8x128xf32, #tpu.memory_space<hbm>>
    %dma_wait3A_79 = tpu.memref_squeeze %dma_wait3A_78 : memref<1x1x1x8x128xf32, #tpu.memory_space<hbm>> -> memref<8x128xf32, #tpu.memory_space<hbm>>
    %dma_wait3A_80 = arith.constant 24 : i32
    %dma_wait3A_81 = arith.constant 0 : i32
    %dma_wait3A_82 = tpu.memref_slice %arg9[%dma_wait3A_80, %dma_wait3A_81] : memref<32x129xf32, #tpu.memory_space<vmem>> -> memref<8x128xf32, #tpu.memory_space<vmem>>
    %dma_wait3A_83 = arith.constant 0 : i32
    %dma_wait3A_84 = arith.constant 0 : i32
    %dma_wait3A_85 = tpu.memref_slice %arg4[%dma_wait3A_70, %dma_wait3A_71, %dma_wait3A_72, %dma_wait3A_83, %dma_wait3A_84] : memref<200x4x32x8x128xf32, #tpu.memory_space<hbm>> -> memref<1x1x1x8x128xf32, #tpu.memory_space<hbm>>
    %dma_wait3A_86 = tpu.memref_squeeze %dma_wait3A_85 : memref<1x1x1x8x128xf32, #tpu.memory_space<hbm>> -> memref<8x128xf32, #tpu.memory_space<hbm>>
    tpu.wait_dma2 semaphore(%arg13 : memref<!tpu.dma_semaphore, #tpu.memory_space<semaphore_mem>>) src(%dma_wait3A_86 : memref<8x128xf32, #tpu.memory_space<hbm>>) dst(%dma_wait3A_82 : memref<8x128xf32, #tpu.memory_space<vmem>>)
    %dma_wait3A_87 = arith.constant 0 : i32
    %dma_wait3A_88 = arith.constant 0 : i32
    %dma_wait3A_89 = arith.constant 0 : i32
    %dma_wait3A_90 = arith.constant 0 : i32
    %dma_wait3A_91 = arith.constant 0 : i32
    %dma_wait3A_92 = tpu.memref_slice %arg10[%dma_wait3A_90, %dma_wait3A_91] : memref<32x129xf32, #tpu.memory_space<vmem>> -> memref<8x128xf32, #tpu.memory_space<vmem>>
    %dma_wait3A_93 = arith.constant 0 : i32
    %dma_wait3A_94 = arith.constant 0 : i32
    %dma_wait3A_95 = tpu.memref_slice %arg4[%dma_wait3A_87, %dma_wait3A_88, %dma_wait3A_89, %dma_wait3A_93, %dma_wait3A_94] : memref<200x4x32x8x128xf32, #tpu.memory_space<hbm>> -> memref<1x1x1x8x128xf32, #tpu.memory_space<hbm>>
    %dma_wait3A_96 = tpu.memref_squeeze %dma_wait3A_95 : memref<1x1x1x8x128xf32, #tpu.memory_space<hbm>> -> memref<8x128xf32, #tpu.memory_space<hbm>>
    %dma_wait3A_97 = arith.constant 0 : i32
    %dma_wait3A_98 = arith.constant 0 : i32
    %dma_wait3A_99 = tpu.memref_slice %arg10[%dma_wait3A_97, %dma_wait3A_98] : memref<32x129xf32, #tpu.memory_space<vmem>> -> memref<8x128xf32, #tpu.memory_space<vmem>>
    %dma_wait3A_100 = arith.constant 0 : i32
    %dma_wait3A_101 = arith.constant 0 : i32
    %dma_wait3A_102 = tpu.memref_slice %arg4[%dma_wait3A_87, %dma_wait3A_88, %dma_wait3A_89, %dma_wait3A_100, %dma_wait3A_101] : memref<200x4x32x8x128xf32, #tpu.memory_space<hbm>> -> memref<1x1x1x8x128xf32, #tpu.memory_space<hbm>>
    %dma_wait3A_103 = tpu.memref_squeeze %dma_wait3A_102 : memref<1x1x1x8x128xf32, #tpu.memory_space<hbm>> -> memref<8x128xf32, #tpu.memory_space<hbm>>
    tpu.wait_dma2 semaphore(%arg14 : memref<!tpu.dma_semaphore, #tpu.memory_space<semaphore_mem>>) src(%dma_wait3A_103 : memref<8x128xf32, #tpu.memory_space<hbm>>) dst(%dma_wait3A_99 : memref<8x128xf32, #tpu.memory_space<vmem>>)
    %dma_wait3A_104 = arith.constant 0 : i32
    %dma_wait3A_105 = arith.constant 0 : i32
    %dma_wait3A_106 = arith.constant 0 : i32
    %dma_wait3A_107 = arith.constant 8 : i32
    %dma_wait3A_108 = arith.constant 0 : i32
    %dma_wait3A_109 = tpu.memref_slice %arg10[%dma_wait3A_107, %dma_wait3A_108] : memref<32x129xf32, #tpu.memory_space<vmem>> -> memref<8x128xf32, #tpu.memory_space<vmem>>
    %dma_wait3A_110 = arith.constant 0 : i32
    %dma_wait3A_111 = arith.constant 0 : i32
    %dma_wait3A_112 = tpu.memref_slice %arg4[%dma_wait3A_104, %dma_wait3A_105, %dma_wait3A_106, %dma_wait3A_110, %dma_wait3A_111] : memref<200x4x32x8x128xf32, #tpu.memory_space<hbm>> -> memref<1x1x1x8x128xf32, #tpu.memory_space<hbm>>
    %dma_wait3A_113 = tpu.memref_squeeze %dma_wait3A_112 : memref<1x1x1x8x128xf32, #tpu.memory_space<hbm>> -> memref<8x128xf32, #tpu.memory_space<hbm>>
    %dma_wait3A_114 = arith.constant 8 : i32
    %dma_wait3A_115 = arith.constant 0 : i32
    %dma_wait3A_116 = tpu.memref_slice %arg10[%dma_wait3A_114, %dma_wait3A_115] : memref<32x129xf32, #tpu.memory_space<vmem>> -> memref<8x128xf32, #tpu.memory_space<vmem>>
    %dma_wait3A_117 = arith.constant 0 : i32
    %dma_wait3A_118 = arith.constant 0 : i32
    %dma_wait3A_119 = tpu.memref_slice %arg4[%dma_wait3A_104, %dma_wait3A_105, %dma_wait3A_106, %dma_wait3A_117, %dma_wait3A_118] : memref<200x4x32x8x128xf32, #tpu.memory_space<hbm>> -> memref<1x1x1x8x128xf32, #tpu.memory_space<hbm>>
    %dma_wait3A_120 = tpu.memref_squeeze %dma_wait3A_119 : memref<1x1x1x8x128xf32, #tpu.memory_space<hbm>> -> memref<8x128xf32, #tpu.memory_space<hbm>>
    tpu.wait_dma2 semaphore(%arg14 : memref<!tpu.dma_semaphore, #tpu.memory_space<semaphore_mem>>) src(%dma_wait3A_120 : memref<8x128xf32, #tpu.memory_space<hbm>>) dst(%dma_wait3A_116 : memref<8x128xf32, #tpu.memory_space<vmem>>)
    %dma_wait3A_121 = arith.constant 0 : i32
    %dma_wait3A_122 = arith.constant 0 : i32
    %dma_wait3A_123 = arith.constant 0 : i32
    %dma_wait3A_124 = arith.constant 16 : i32
    %dma_wait3A_125 = arith.constant 0 : i32
    %dma_wait3A_126 = tpu.memref_slice %arg10[%dma_wait3A_124, %dma_wait3A_125] : memref<32x129xf32, #tpu.memory_space<vmem>> -> memref<8x128xf32, #tpu.memory_space<vmem>>
    %dma_wait3A_127 = arith.constant 0 : i32
    %dma_wait3A_128 = arith.constant 0 : i32
    %dma_wait3A_129 = tpu.memref_slice %arg4[%dma_wait3A_121, %dma_wait3A_122, %dma_wait3A_123, %dma_wait3A_127, %dma_wait3A_128] : memref<200x4x32x8x128xf32, #tpu.memory_space<hbm>> -> memref<1x1x1x8x128xf32, #tpu.memory_space<hbm>>
    %dma_wait3A_130 = tpu.memref_squeeze %dma_wait3A_129 : memref<1x1x1x8x128xf32, #tpu.memory_space<hbm>> -> memref<8x128xf32, #tpu.memory_space<hbm>>
    %dma_wait3A_131 = arith.constant 16 : i32
    %dma_wait3A_132 = arith.constant 0 : i32
    %dma_wait3A_133 = tpu.memref_slice %arg10[%dma_wait3A_131, %dma_wait3A_132] : memref<32x129xf32, #tpu.memory_space<vmem>> -> memref<8x128xf32, #tpu.memory_space<vmem>>
    %dma_wait3A_134 = arith.constant 0 : i32
    %dma_wait3A_135 = arith.constant 0 : i32
    %dma_wait3A_136 = tpu.memref_slice %arg4[%dma_wait3A_121, %dma_wait3A_122, %dma_wait3A_123, %dma_wait3A_134, %dma_wait3A_135] : memref<200x4x32x8x128xf32, #tpu.memory_space<hbm>> -> memref<1x1x1x8x128xf32, #tpu.memory_space<hbm>>
    %dma_wait3A_137 = tpu.memref_squeeze %dma_wait3A_136 : memref<1x1x1x8x128xf32, #tpu.memory_space<hbm>> -> memref<8x128xf32, #tpu.memory_space<hbm>>
    tpu.wait_dma2 semaphore(%arg14 : memref<!tpu.dma_semaphore, #tpu.memory_space<semaphore_mem>>) src(%dma_wait3A_137 : memref<8x128xf32, #tpu.memory_space<hbm>>) dst(%dma_wait3A_133 : memref<8x128xf32, #tpu.memory_space<vmem>>)
    %dma_wait3A_138 = arith.constant 0 : i32
    %dma_wait3A_139 = arith.constant 0 : i32
    %dma_wait3A_140 = arith.constant 0 : i32
    %dma_wait3A_141 = arith.constant 24 : i32
    %dma_wait3A_142 = arith.constant 0 : i32
    %dma_wait3A_143 = tpu.memref_slice %arg10[%dma_wait3A_141, %dma_wait3A_142] : memref<32x129xf32, #tpu.memory_space<vmem>> -> memref<8x128xf32, #tpu.memory_space<vmem>>
    %dma_wait3A_144 = arith.constant 0 : i32
    %dma_wait3A_145 = arith.constant 0 : i32
    %dma_wait3A_146 = tpu.memref_slice %arg4[%dma_wait3A_138, %dma_wait3A_139, %dma_wait3A_140, %dma_wait3A_144, %dma_wait3A_145] : memref<200x4x32x8x128xf32, #tpu.memory_space<hbm>> -> memref<1x1x1x8x128xf32, #tpu.memory_space<hbm>>
    %dma_wait3A_147 = tpu.memref_squeeze %dma_wait3A_146 : memref<1x1x1x8x128xf32, #tpu.memory_space<hbm>> -> memref<8x128xf32, #tpu.memory_space<hbm>>
    %dma_wait3A_148 = arith.constant 24 : i32
    %dma_wait3A_149 = arith.constant 0 : i32
    %dma_wait3A_150 = tpu.memref_slice %arg10[%dma_wait3A_148, %dma_wait3A_149] : memref<32x129xf32, #tpu.memory_space<vmem>> -> memref<8x128xf32, #tpu.memory_space<vmem>>
    %dma_wait3A_151 = arith.constant 0 : i32
    %dma_wait3A_152 = arith.constant 0 : i32
    %dma_wait3A_153 = tpu.memref_slice %arg4[%dma_wait3A_138, %dma_wait3A_139, %dma_wait3A_140, %dma_wait3A_151, %dma_wait3A_152] : memref<200x4x32x8x128xf32, #tpu.memory_space<hbm>> -> memref<1x1x1x8x128xf32, #tpu.memory_space<hbm>>
    %dma_wait3A_154 = tpu.memref_squeeze %dma_wait3A_153 : memref<1x1x1x8x128xf32, #tpu.memory_space<hbm>> -> memref<8x128xf32, #tpu.memory_space<hbm>>
    tpu.wait_dma2 semaphore(%arg14 : memref<!tpu.dma_semaphore, #tpu.memory_space<semaphore_mem>>) src(%dma_wait3A_154 : memref<8x128xf32, #tpu.memory_space<hbm>>) dst(%dma_wait3A_150 : memref<8x128xf32, #tpu.memory_space<vmem>>)
    return
  }
}

</mosaic_0001>

<sc_bundles>
// kernel: kernel.3.cloned.1.call-start
scs
__scs_entry_jumppad:
0x0: {  	(pc) =	sbr.rel $0x88, $3  }
0x1: {  	(tag) =	ssettag $0x0;
	lr =	simm.s32 $0x1  }
0x2: {  	[smem:$0x3F9F] =	sst lr;
	_ =	strace $0xD0000000  }
0x3: {  	_ = 	snop  }
0x4: {  	_ = 	snop  }
0x5: {  	_ = 	snop  }
0x6: {  	_ = 	snop  }
0x7: {  	_ = 	snop  }
__scs_overlays_trampoline_lowered:
0x8: {  	[smem:$0x3FAE] =	sst s0  }
0x9: {  	[smem:$0x3FAF] =	sst s1  }
0xa: {  	[smem:$0x3FB0] =	sst s2  }
0xb: {  	[smem:$0x3FB1] =	sst s3  }
0xc: {  	[smem:$0x3FB2] =	sst s4  }
0xd: {  	[smem:$0x3FB3] =	sst s5  }
0xe: {  	[smem:$0x3FB4] =	sst s6  }
0xf: {  	[smem:$0x3FB5] =	sst s7  }
0x10: {  	[smem:$0x3FB6] =	sst s8  }
0x11: {  	[smem:$0x3FB7] =	sst s9;
	s0 =	simm.s32 @!p0 $0x0  }
0x12: {  	s1 =	sld [smem:$0x3F9D];
	s0 =	simm.s32 @p0 $0x1  }
0x13: {  	[smem:$0x3FB8] =	sst s0;
	s0 =	simm.s32 @!p1 $0x0  }
0x14: {  	s2 =	sld [smem:$0x3F9C];
	s0 =	simm.s32 @p1 $0x1  }
0x15: {  	[smem:$0x3FB9] =	sst s0;
	s0 =	simm.s32 @!p2 $0x0  }
0x16: {  	s3 =	sld [smem:$0x3FDB];
	s0 =	simm.s32 @p2 $0x1  }
0x17: {  	s4 =	simm.s32 $0x1BF5;
	[smem:$0x3FBB] =	sst s0  }
0x18: {  	s0 =	sld [smem:$0x3F9E];
	_ =	swait.ge [sflag:s4], $0x0  }
0x19: {  	s7 =	sld [smem:$0x3F9F]  }
0x1a: {  	s8 =	sadd.s32 $0xFFFFE003, lr  }
0x1b: {  	s9 =	sadd.s32 $0xFFFFFEF7, lr;
	s5 =	simm.s32 $0xFFFFFFFF;
	p2 =	slt.u32 s8, $0xFFFFF086  }
0x1c: {  	p1 =	slt.u32 s9, $0xF7A;
	s5 =	simm.s32 @!p2 $0x0  }
0x1d: {  	s5 =	simm.s32 @p1 $0x1;
	p0 =	seq.s32 s7, s2  }
0x1e: {  	s7 =	smul.u32 @!p0 $0xF7A, s2;
	p2 =	seq.s32 @!p0 s5, $0x0  }
0x1f: {  	s9 =	smul.u32 $0xF7A, s1;
	s8 =	simm.s32 @!p0 $0x1BF5;
	p2 =	por !p2, p0  }
0x20: {  	[sflag:s8] =	ssyncset.s32 @!p0 $0xFFFFF086;
	s6 =	sadd.s32 @!p0 s3, s7;
	s7 =	simm.s32 @!p0 $0x108  }
0x21: {  	s3 =	sadd.s32 s3, s9;
	s6 =	sadd.s32 @!p0 $0x88, s6;
	s7 =	simm.s32 @p2 $0x1082  }
0x22: {  	[simem:s7], [sflag:s8] =	dma.local @!p0 [hbm:s6], $0xF7A  }
0x23: {  	s9 =	sor.u32 $0xD0000000, s2;
	s6 =	simm.s32 $0x108;
	_ =	swait.ge @!p0 [sflag:s8], $0x0  }
0x24: {  	s3 =	sadd.s32 $0x88, s3;
	s6 =	simm.s32 @!p1 $0x1082;
	[sflag:s4] =	ssyncset.s32 $0xFFFFF086  }
0x25: {  	[simem:s6], [sflag:s4] =	dma.local [hbm:s3], $0xF7A  }
0x26: {  	[smem:$0x3F9F] =	sst s1;
	(tag) =	ssettag s2;
	_ =	strace s9  }
0x27: {  	s1 =	sld [smem:$0x3FAF]  }
0x28: {  	s2 =	sld [smem:$0x3FB0]  }
0x29: {  	s4 =	sld [smem:$0x3FB2]  }
0x2a: {  	p0 =	seq.s32 s5, $0x0;
	s5 =	sld [smem:$0x3FB3]  }
0x2b: {  	s6 =	sld [smem:$0x3FB4]  }
0x2c: {  	s7 =	sld [smem:$0x3FB5]  }
0x2d: {  	s3 =	simm.s32 $0x108;
	s8 =	sld [smem:$0x3FB6]  }
0x2e: {  	s3 =	simm.s32 @!p0 $0x1082;
	s9 =	sld [smem:$0x3FB7]  }
0x2f: {  	lr =	sadd.s32 s0, s3;
	s0 =	sld [smem:$0x3FAE]  }
0x30: {  	s3 =	sld [smem:$0x3FB1]  }
0x31: {  	[smem:$0x3FBA] =	sst s10  }
0x32: {  	s10 =	sld [smem:$0x3FB8];
	_ =	sdelay $0x3  }
0x33: {  	p0 =	seq.s32 s10, $0x1;
	s10 =	sld [smem:$0x3FBA];
	_ =	sdelay $0x3  }
0x34: {  	[smem:$0x3FBA] =	sst s10  }
0x35: {  	s10 =	sld [smem:$0x3FB9];
	_ =	sdelay $0x3  }
0x36: {  	p1 =	seq.s32 s10, $0x1;
	s10 =	sld [smem:$0x3FBA];
	_ =	sdelay $0x3  }
0x37: {  	[smem:$0x3FBA] =	sst s10  }
0x38: {  	s10 =	sld [smem:$0x3FBB]  }
0x39: {  	_ = 	snop;
	(pc) =	sbr.ind lr, $3  }
0x3a: {  	_ = 	snop  }
0x3b: {  	_ = 	snop  }
0x3c: {  	p2 =	seq.s32 s10, $0x1;
	s10 =	sld [smem:$0x3FBA]  }
0x3d: {  	_ =	shalt  }
0x3e: {  	_ =	shalt  }
0x3f: {  	_ =	shalt  }
0x40: {  	_ =	shalt  }
0x41: {  	_ =	shalt  }
0x42: {  	_ =	shalt  }
0x43: {  	_ =	shalt  }
0x44: {  	_ =	shalt  }
0x45: {  	_ =	shalt  }
0x46: {  	_ =	shalt  }
0x47: {  	_ =	shalt  }
0x48: {  	_ =	shalt  }
0x49: {  	_ =	shalt  }
0x4a: {  	_ =	shalt  }
0x4b: {  	_ =	shalt  }
0x4c: {  	_ =	shalt  }
0x4d: {  	_ =	shalt  }
0x4e: {  	_ =	shalt  }
0x4f: {  	_ =	shalt  }
0x50: {  	_ =	shalt  }
0x51: {  	_ =	shalt  }
0x52: {  	_ =	shalt  }
0x53: {  	_ =	shalt  }
0x54: {  	_ =	shalt  }
0x55: {  	_ =	shalt  }
0x56: {  	_ =	shalt  }
0x57: {  	_ =	shalt  }
0x58: {  	_ =	shalt  }
0x59: {  	_ =	shalt  }
0x5a: {  	_ =	shalt  }
0x5b: {  	_ =	shalt  }
0x5c: {  	_ =	shalt  }
0x5d: {  	_ =	shalt  }
0x5e: {  	_ =	shalt  }
0x5f: {  	_ =	shalt  }
0x60: {  	_ =	shalt  }
0x61: {  	_ =	shalt  }
0x62: {  	_ =	shalt  }
0x63: {  	_ =	shalt  }
0x64: {  	_ =	shalt  }
0x65: {  	_ =	shalt  }
0x66: {  	_ =	shalt  }
0x67: {  	_ =	shalt  }
0x68: {  	_ =	shalt  }
0x69: {  	_ =	shalt  }
0x6a: {  	_ =	shalt  }
0x6b: {  	_ =	shalt  }
0x6c: {  	_ =	shalt  }
0x6d: {  	_ =	shalt  }
0x6e: {  	_ =	shalt  }
0x6f: {  	_ =	shalt  }
0x70: {  	_ =	shalt  }
0x71: {  	_ =	shalt  }
0x72: {  	_ =	shalt  }
0x73: {  	_ =	shalt  }
0x74: {  	_ =	shalt  }
0x75: {  	_ =	shalt  }
0x76: {  	_ =	shalt  }
0x77: {  	_ =	shalt  }
0x78: {  	_ =	shalt  }
0x79: {  	_ =	shalt  }
0x7a: {  	_ =	shalt  }
0x7b: {  	_ =	shalt  }
0x7c: {  	_ =	shalt  }
0x7d: {  	_ =	shalt  }
0x7e: {  	_ =	shalt  }
0x7f: {  	_ =	shalt  }
0x80: {  	_ =	shalt  }
0x81: {  	_ =	shalt  }
0x82: {  	_ =	shalt  }
0x83: {  	_ =	shalt  }
0x84: {  	_ =	shalt  }
0x85: {  	_ =	shalt  }
0x86: {  	_ =	shalt  }
0x87: {  	_ =	shalt  }
.Lfunc_end0:
.L_simem_size_0:
called_computation_lowered:
.L_overlay_start_0:
0x88: {  	s2 =	sld [smem:$0x3FD9]  }
0x89: {  	s3 =	sld [smem:$0x3FFE];
	_ =	sdelay $0x1  }
0x8a: {  	s1 =	srdreg.scid  }
0x8b: {  	s0 =	sand.u32 $0x1, s1  }
0x8c: {  	s17 =	sshll.u32 s0, $0xA;
	s2 =	sadd.s32 s3, s2  }
0x8d: {  	s2 =	sadd.s32 s2, s17  }
0x8e: {  	[smem:$0x3FC6] =	sst s2  }
0x8f: {  	_ = 	snop  }
0x90: {  	s2 =	sld [smem:$0x3FC9]  }
0x91: {  	s18 =	sld [smem:$0x3FD0];
	(tm) =	ssettm $0x1  }
0x92: {  	s4 =	sld [smem:$0x3FFB];
	_ =	sdelay $0x3  }
0x93: {  	_ =	strace s4  }
0x94: {  	s4 =	sld [smem:$0x3FFC];
	_ =	sdelay $0x3  }
0x95: {  	_ =	strace s4  }
0x96: {  	s4 =	sld [smem:$0x3FFD];
	_ =	sdelay $0x3  }
0x97: {  	_ =	strace s4  }
0x98: {  	_ =	strace $0x8FFFFFFF  }
0x99: {  	s19 =	sld [smem:$0x3FDB];
	_ =	sdelay $0x1  }
0x9a: {  	s5 =	simm.s32 $_scs_section_size  }
0x9b: {  	s6 =	simm.s32 $_size__tile_overlayer_lowered;
	s7 =	simm.s32 $_tile_overlayer_lowered  }
0x9c: {  	s22 =	simm.s32 $0x1BFF;
	s21 =	sshll.u32 s7, $0x1;
	s4 =	sadd.s32 s5, s19  }
0x9d: {  	s8 =	simm.s32 $0x0;
	s20 =	sshll.u32 s6, $0x1;
	s6 =	sadd.s32 s21, s4  }
0x9e: {  	[timem:s8], [sflag:s22] =	dma.local [hbm:s6], s20  }
0x9f: {  	_ =	swait.ge [sflag:s22], s20  }
0xa0: {  	s5 =	ssub.s32 $0x0, s20;
	[sflag:s22] =	ssyncset.done $0x0  }
0xa1: {  	[sflag:s22] =	ssyncadd.s32 s5;
	_ =	sdelay $0x1  }
0xa2: {  	s23 =	simm.s32 $0x1B8B  }
0xa3: {  	_ =	swait.ge [sflag:s23], $0x1  }
0xa4: {  	[sflag:s23] =	ssyncset.done $0x0  }
0xa5: {  	s25 =	simm.s32 $0x1B8E;
	s24 =	sld [smem:$0x3FFE];
	[sflag:s23] =	ssyncadd.s32 $0xFFFFFFFF  }
0xa6: {  	s26 =	simm.s32 $execute0_lowered;
	[smem:$0x3FD2] =	sst s25  }
0xa7: {  	s6 =	sshll.u32 s26, $0x1;
	_ =	strace $0x80000046;
	[dreg:$0x1] =	wrdreg $0xFFFFFFFF  }
0xa8: {  	s28 =	simm.s32 $_size_execute0_lowered;
	s4 =	sadd.s32 s4, s6;
	[dreg:$0x0] =	wrdreg $0x0  }
0xa9: {  	s6 =	sshll.u32 s28, $0x1;
	[dreg:$0x2] =	wrdreg s4  }
0xaa: {  	[dreg:$0x3] =	wrdreg s6  }
0xab: {  	[dreg:$0x4] =	wrdreg $0xC0  }
0xac: {  	_ =	task [dreg:s8], $0x5FFFF  }
0xad: {  	[dreg:$0x1] =	wrdreg $0xFFFFFFFF  }
0xae: {  	[dreg:$0x0] =	wrdreg $0x60  }
0xaf: {  	[dreg:$0x2] =	wrdreg s24  }
0xb0: {  	[dreg:$0x3] =	wrdreg s2  }
0xb1: {  	[dreg:$0x4] =	wrdreg s18  }
0xb2: {  	[dreg:$0x5] =	wrdreg $0x9  }
0xb3: {  	_ =	task.clear_ibuf [dreg:s8], $0x6FFFF;
	_ =	strace $0x90000046  }
0xb4: {  	s29 =	simm.s32 $0x9;
	_ =	strace $0x80000048  }
0xb5: {  	_ =	swait.ge [sflag:s29], $0x1  }
0xb6: {  	[sflag:s29] =	ssyncadd.s32 $0xFFFFFFFF  }
0xb7: {  	_ =	strace $0x90000048  }
0xb8: {  	_ =	sfence  }
0xb9: {  	s30 =	sld [smem:$0x0];
	_ =	sdelay $0x2  }
0xba: {  	s31 =	sshll.u32 s1, $0xD;
	s1 =	sshrl.u32 s1, $0x2  }
0xbb: {  	s3 =	sand.u32 $0x4000, s31;
	s1 =	sadd.s32 s1, s30  }
0xbc: {  	s0 =	sor.u32 s3, s0;
	s1 =	sshll.u32 s1, $0x11  }
0xbd: {  	s0 =	sor.u32 s1, s0  }
0xbe: {  	s0 =	sadd.s32 $0x8F2B, s0  }
0xbf: {  	[sflag:s0] =	ssyncadd.remote.s32 $0x1  }
0xc0: {  	_ =	sfence.sel $0xFFFF  }
0xc1: {  	[dreg:$0x0] =	wrdreg $0xFFFFFFFF;
	(pc) =	sbr.abs _section_cstart, $3  }
0xc2: {  	[dreg:$0x1] =	wrdreg $0xFFFFFFFF  }
0xc3: {  	_ =	task.clear_ibuf [dreg:s8], $0x2FFFF;
	_ =	strace $0x9FFFFFFF  }
0xc4: {  	(tm) =	ssettm $0x7FFFFFFF  }
0xc5: {  	_ =	shalt  }
tec
execute0_lowered:
.L_overlay_start_1:
0x0: {  	(tag) =	ssettag $0x1  }
0x1: {  	s0 =	rddreg [dreg:$0x0]  }
0x2: {  	s7 =	rddreg [dreg:$0x1]  }
0x3: {  	s2 =	rddreg [dreg:$0x2]  }
0x4: {  	s4 =	simm.s32 $0x0;
	s1 =	srdreg.scid;
	s5 =	stileid.u32  }
0x5: {  	s20 =	simm.s32 $0x11900;
	s8 =	simm.s32 $0x12758;
	s12 =	simm.s32 $0x127E0  }
0x6: {  	s13 =	simm.s32 $0x12868;
	s14 =	simm.s32 $0x128F0;
	s15 =	simm.s32 $0x12978  }
0x7: {  	s16 =	simm.s32 $0x3;
	s17 =	simm.s32 $0x4;
	[smem:$0x7FF] =	sst s4  }
0x8: {  	s1 =	sand.u32 $0x1, s1;
	s5 =	sshll.u32 s5, $0xB;
	s0 =	sadd.s32 $0xF42800, s0  }
0x9: {  	s23 =	sadd.s32 $0x302000, s2;
	_ =	strace $0x80000047;
	[dreg:$0x4] =	wrdreg s0  }
0xa: {  	s9 =	sadd.s32 $0x1000, s2;
	s24 =	sadd.s32 $0x303000, s2;
	[dreg:$0x9] =	wrdreg s23  }
0xb: {  	s10 =	sadd.s32 $0x2000, s2;
	s25 =	sadd.s32 $0x304000, s2;
	[dreg:$0xa] =	wrdreg s24  }
0xc: {  	s11 =	sadd.s32 $0x3000, s2;
	s26 =	sadd.s32 $0x305000, s2;
	[dreg:$0xb] =	wrdreg s25  }
0xd: {  	s30 =	sadd.s32 $0x300000, s2;
	s28 =	sadd.s32 $0x306000, s2;
	[dreg:$0xc] =	wrdreg s26  }
0xe: {  	s31 =	sadd.s32 $0x301000, s2;
	s29 =	sadd.s32 $0x307000, s2;
	[dreg:$0xd] =	wrdreg s28  }
0xf: {  	s3 =	ssub.s32 $0x2, s1;
	s1 =	sshll.u32 s1, $0xA;
	[dreg:$0xe] =	wrdreg s29  }
0x10: {  	s26 =	simm.s32 $0x10800;
	s24 =	simm.s32 $0x125C0;
	[dreg:$0x7] =	wrdreg s30  }
0x11: {  	s23 =	simm.s32 $0x12648;
	[dreg:$0x8] =	wrdreg s31;
	s5 =	sor.u32 s1, s5  }
0x12: {  	v0 =	vlaneseq.u32;
	s6 =	sshrl.u32 s3, $0x1;
	s1 =	sshrl.u32 s5, $0x3;
	s22 =	sor.u32 $0x10000, s5  }
0x13: {  	v0 =	vmul.u32 $0x88, v0;
	s21 =	ssub.s32 s3, s6;
	s1 =	sadd.s32 s7, s1;
	[dreg:$0x6] =	wrdreg s22  }
0x14: {  	s3 =	simm.s32 $0x0;
	s0 =	smax.u32 s21, $0x1;
	[dreg:$0x5] =	wrdreg s1  }
0x15: {  	v1 =	vadd.s32 $0x880, v0;
	s7 =	simm.s32 $0x12538;
	[dreg:$0xf] =	wrdreg s0;
	s1 =	simm.s32 $0x126D0  }
.LBB2_1:
0x16: {  	[dreg:$0x10] =	wrdreg s3  }
0x17: {  	s0 =	rddreg [dreg:$0x5];
	s29 =	simm.s32 $0x5  }
0x18: {  	[tilespmem:s4], [sflag:$0x5] =	stream.linear.gather [hbm4b:s0+s4], $0x400, $0x38;
	[tilespmem:$0x12A00] =	vst v63  }
0x19: {  	_ =	swait.ge [sflag:s29], $0x400  }
0x1a: {  	s31 =	simm.s32 $0x400;
	s6 =	simm.s32 $0x800;
	[sflag:s29] =	ssyncset.done $0x0  }
0x1b: {  	s18 =	simm.s32 $0x0;
	s30 =	rddreg [dreg:$0x4];
	[sflag:s29] =	ssyncadd.s32 $0xFFFFFC00  }
0x1c: {  	[tilespmem:s6], [sflag:$0x1] =	stream.indirect.gather [hbm4b:s30+s31], $0x20, s4, s31, $0xb8;
	[tilespmem:$0x12A00] =	vst v63  }
.LBB2_2:
0x1d: {  	s0 =	sshllo.u32 s18, $0x1  }
0x1e: {  	s6 =	sshll.u32 s0, $0xF  }
0x1f: {  	s22 =	rddreg [dreg:$0x1];
	s6 =	sor.u32 s5, s6  }
0x20: {  	s19 =	simm.s32 $0x0;
	s3 =	simm.s32 $0x400;
	s6 =	sshrl.u32 s6, $0x3  }
0x21: {  	s25 =	simm.s32 $0x5;
	[dreg:$0x11] =	wrdreg s0;
	s6 =	sadd.s32 s22, s6  }
0x22: {  	[tilespmem:s3], [sflag:$0x5] =	stream.linear.gather [hbm4b:s6+s19], $0x400, $0x38;
	[tilespmem:$0x12A00] =	vst v63  }
0x23: {  	_ =	swait.ge [sflag:s25], $0x400  }
0x24: {  	s29 =	simm.s32 $0x8800;
	[sflag:s25] =	ssyncset.done $0x0  }
0x25: {  	s30 =	simm.s32 $0x1;
	s28 =	rddreg [dreg:$0x4];
	[sflag:s25] =	ssyncadd.s32 $0xFFFFFC00  }
0x26: {  	[tilespmem:s29], [sflag:$0x2] =	stream.indirect.gather [hbm4b:s28+s3], $0x20, s3, s3, $0xb8;
	[tilespmem:$0x12A00] =	vst v63  }
0x27: {  	_ =	swait.ge [sflag:s30], $0x8000  }
0x28: {  	s31 =	simm.s32 $0x840;
	s21 =	simm.s32 $0x0;
	[sflag:s30] =	ssyncset.done $0x0  }
0x29: {  	s22 =	sshll.u32 s18, $0x4;
	s6 =	simm.s32 $0x1870;
	[sflag:s30] =	ssyncadd.s32 $0xFFFF8000  }
.LBB2_3:
0x2a: {  	s25 =	sor.u32 s18, s21  }
0x2b: {  	p0 =	seq.s32 s25, $0x0  }
0x2c: {  	s25 =	simm.s32 @!p0 $0x3  }
0x2d: {  	_ =	swait.ge @!p0 [sflag:s25], $0x400  }
0x2e: {  	[sflag:s25] =	ssyncset.done @!p0 $0x0  }
0x2f: {  	[sflag:s25] =	ssyncadd.s32 @!p0 $0xFFFFFC00  }
0x30: {  	_ =	swait.ge @!p0 [sflag:s25], $0x400  }
0x31: {  	[sflag:s25] =	ssyncset.done @!p0 $0x0  }
0x32: {  	[sflag:s25] =	ssyncadd.s32 @!p0 $0xFFFFFC00  }
0x33: {  	_ =	swait.ge @!p0 [sflag:s25], $0x400  }
0x34: {  	[sflag:s25] =	ssyncset.done @!p0 $0x0  }
0x35: {  	[sflag:s25] =	ssyncadd.s32 @!p0 $0xFFFFFC00  }
0x36: {  	_ =	swait.ge @!p0 [sflag:s25], $0x400  }
0x37: {  	v2 =	vmov s19;
	[sflag:s25] =	ssyncset.done @!p0 $0x0  }
0x38: {  	v2 =	vand.u32 $0x7C, v2;
	[sflag:s25] =	ssyncadd.s32 @!p0 $0xFFFFFC00  }
0x39: {  	v4 =	vadd.s32 v0, v2;
	v3 =	vld [tilespmem:s31+$0xFFFFFFC0]  }
0x3a: {  	v2 =	vadd.s32 v1, v2;
	v5 =	vld [tilespmem:s31+$0xFFFFFFD0];
	_ =	sdelay $0x2  }
0x3b: {  	s3 =	simm.s32 $0x1  }
0x3c: {  	[tilespmem:v4+s26+$0x0] =	vst.idx.msk $0xffff, v3;
	v3 =	vmov s3  }
0x3d: {  	[tilespmem:v2+s26+$0x0] =	vst.idx.msk $0xffff, v5;
	v2 =	vand.u32 $0x7D, v3  }
0x3e: {  	v3 =	vld [tilespmem:s31+$0xFFFFFFE0];
	v4 =	vadd.s32 v0, v2  }
0x3f: {  	v5 =	vld [tilespmem:s31+$0xFFFFFFF0];
	v2 =	vadd.s32 v1, v2;
	_ =	sdelay $0x2  }
0x40: {  	s0 =	simm.s32 $0x2  }
0x41: {  	[tilespmem:v4+s26+$0x0] =	vst.idx.msk $0xffff, v3;
	v3 =	vmov s0  }
0x42: {  	[tilespmem:v2+s26+$0x0] =	vst.idx.msk $0xffff, v5;
	v2 =	vand.u32 $0x7E, v3  }
0x43: {  	v3 =	vld [tilespmem:s31+$0x0];
	v4 =	vadd.s32 v0, v2  }
0x44: {  	v5 =	vld [tilespmem:s31+$0x10];
	v2 =	vadd.s32 v1, v2;
	_ =	sdelay $0x2  }
0x45: {  	s3 =	simm.s32 $0x3  }
0x46: {  	[tilespmem:v4+s26+$0x0] =	vst.idx.msk $0xffff, v3;
	v3 =	vmov s3  }
0x47: {  	[tilespmem:v2+s26+$0x0] =	vst.idx.msk $0xffff, v5;
	v3 =	vand.u32 $0x7F, v3  }
0x48: {  	v5 =	vld [tilespmem:s31+$0x20];
	v6 =	vadd.s32 v0, v3;
	_ =	sdelay $0x1  }
0x49: {  	v2 =	vld [tilespmem:s31+$0x30];
	v3 =	vadd.s32 v1, v3;
	_ =	sdelay $0x1  }
0x4a: {  	s29 =	simm.s32 $0x4  }
0x4b: {  	s28 =	sshll.u32 s21, $0x1;
	s30 =	simm.s32 $0x8;
	s25 =	smov.u32 s31;
	v4 =	vmov s29;
	[tilespmem:v6+s26+$0x0] =	vst.idx.msk $0xffff, v5  }
.LBB2_4:
0x4c: {  	p1 =	sne.s32 s30, $0x7C  }
0x4d: {  	v4 =	vand.u32 $0x7C, v4;
	[tilespmem:v3+s26+$0x0] =	vst.idx.msk $0xffff, v2;
	s25 =	sadd.s32 $0x80, s25;
	s0 =	smov.u32 s30;
	s30 =	sadd.s32 $0x4, s30  }
0x4e: {  	v2 =	vld [tilespmem:s25+$0xFFFFFFC0];
	v3 =	vadd.s32 v0, v4  }
0x4f: {  	v4 =	vadd.s32 v1, v4;
	v5 =	vld [tilespmem:s25+$0xFFFFFFD0];
	_ =	sdelay $0x2  }
0x50: {  	s3 =	sadd.s32 $0x1, s29  }
0x51: {  	[tilespmem:v3+s26+$0x0] =	vst.idx.msk $0xffff, v2;
	v2 =	vmov s3  }
0x52: {  	[tilespmem:v4+s26+$0x0] =	vst.idx.msk $0xffff, v5;
	v2 =	vand.u32 $0x7D, v2  }
0x53: {  	v3 =	vld [tilespmem:s25+$0xFFFFFFE0];
	v4 =	vadd.s32 v0, v2  }
0x54: {  	v2 =	vadd.s32 v1, v2;
	v5 =	vld [tilespmem:s25+$0xFFFFFFF0];
	_ =	sdelay $0x2  }
0x55: {  	s3 =	sadd.s32 $0x2, s29  }
0x56: {  	[tilespmem:v4+s26+$0x0] =	vst.idx.msk $0xffff, v3;
	v3 =	vmov s3  }
0x57: {  	[tilespmem:v2+s26+$0x0] =	vst.idx.msk $0xffff, v5;
	v2 =	vand.u32 $0x7E, v3  }
0x58: {  	v3 =	vld [tilespmem:s25+$0x0];
	v4 =	vadd.s32 v0, v2  }
0x59: {  	v2 =	vadd.s32 v1, v2;
	v5 =	vld [tilespmem:s25+$0x10];
	_ =	sdelay $0x2  }
0x5a: {  	s3 =	sadd.s32 $0x3, s29;
	s29 =	smov.u32 s0  }
0x5b: {  	[tilespmem:v4+s26+$0x0] =	vst.idx.msk $0xffff, v3;
	v3 =	vmov s3  }
0x5c: {  	[tilespmem:v2+s26+$0x0] =	vst.idx.msk $0xffff, v5;
	v3 =	vand.u32 $0x7F, v3  }
0x5d: {  	v5 =	vld [tilespmem:s25+$0x20];
	v6 =	vadd.s32 v0, v3  }
.Ltmp0:
0x5e: {  	v3 =	vadd.s32 v1, v3;
	v2 =	vld [tilespmem:s25+$0x30];
	(pc) =	sbr.rel @p1 .LBB2_4-.Ltmp0, $2  }
0x5f: {  	_ =	sdelay $0x2  }
0x60: {  	v4 =	vmov s29;
	[tilespmem:v6+s26+$0x0] =	vst.idx.msk $0xffff, v5  }
0x61: {  	_ =	sdelay $0x3  }
0x62: {  	v4 =	vand.u32 $0x7C, v4;
	[tilespmem:v3+s26+$0x0] =	vst.idx.msk $0xffff, v2;
	s0 =	sadd.s32 $0x80, s25  }
0x63: {  	v2 =	vld [tilespmem:s0+$0xFFFFFFC0];
	v3 =	vadd.s32 v0, v4  }
0x64: {  	v5 =	vld [tilespmem:s0+$0xFFFFFFD0];
	v4 =	vadd.s32 v1, v4;
	_ =	sdelay $0x2  }
0x65: {  	s3 =	sadd.s32 $0x1, s29  }
0x66: {  	[tilespmem:v3+s26+$0x0] =	vst.idx.msk $0xffff, v2;
	v2 =	vmov s3  }
0x67: {  	[tilespmem:v4+s26+$0x0] =	vst.idx.msk $0xffff, v5;
	v2 =	vand.u32 $0x7D, v2  }
0x68: {  	v3 =	vld [tilespmem:s0+$0xFFFFFFE0];
	v4 =	vadd.s32 v0, v2  }
0x69: {  	v5 =	vld [tilespmem:s0+$0xFFFFFFF0];
	v2 =	vadd.s32 v1, v2;
	_ =	sdelay $0x2  }
0x6a: {  	s25 =	sadd.s32 $0x2, s29  }
0x6b: {  	[tilespmem:v4+s26+$0x0] =	vst.idx.msk $0xffff, v3;
	v3 =	vmov s25  }
0x6c: {  	[tilespmem:v2+s26+$0x0] =	vst.idx.msk $0xffff, v5;
	v2 =	vand.u32 $0x7E, v3  }
0x6d: {  	v3 =	vld [tilespmem:s0+$0x0];
	v4 =	vadd.s32 v0, v2  }
0x6e: {  	v5 =	vld [tilespmem:s0+$0x10];
	v2 =	vadd.s32 v1, v2;
	_ =	sdelay $0x2  }
0x6f: {  	s25 =	sadd.s32 $0x3, s29  }
0x70: {  	[tilespmem:v4+s26+$0x0] =	vst.idx.msk $0xffff, v3;
	v3 =	vmov s25  }
0x71: {  	[tilespmem:v2+s26+$0x0] =	vst.idx.msk $0xffff, v5;
	v2 =	vand.u32 $0x7F, v3  }
0x72: {  	v3 =	vld [tilespmem:s0+$0x20];
	v4 =	vadd.s32 v0, v2  }
0x73: {  	v5 =	vld [tilespmem:s0+$0x30];
	v2 =	vadd.s32 v1, v2  }
0x74: {  	s3 =	sadd.s32 s22, s28  }
0x75: {  	s0 =	sshll.u32 s3, $0x11  }
0x76: {  	s0 =	sor.u32 s5, s0  }
0x77: {  	s0 =	sshrl.u32 s0, $0x3;
	[tilespmem:v4+s26+$0x0] =	vst.idx.msk $0xffff, v3  }
0x78: {  	s3 =	sadd.s32 s2, s0;
	[tilespmem:v2+s26+$0x0] =	vst.idx.msk $0xffff, v5  }
0x79: {  	[hbm4b:s3+s4] =	stream.linear.scatter [tilespmem:s26], [sflag:$0x3], $0x80, $0x38;
	[tilespmem:$0x12A00] =	vst v63  }
0x7a: {  	s29 =	simm.s32 $0x10888;
	s25 =	sadd.s32 $0x10, s3  }
0x7b: {  	[hbm4b:s25+s4] =	stream.linear.scatter [tilespmem:s29], [sflag:$0x3], $0x80, $0x38;
	[tilespmem:$0x12A00] =	vst v63  }
0x7c: {  	s25 =	sadd.s32 $0x20, s3;
	s29 =	simm.s32 $0x10910  }
0x7d: {  	[hbm4b:s25+s4] =	stream.linear.scatter [tilespmem:s29], [sflag:$0x3], $0x80, $0x38;
	[tilespmem:$0x12A00] =	vst v63  }
0x7e: {  	s25 =	sadd.s32 $0x30, s3;
	s29 =	simm.s32 $0x10998  }
0x7f: {  	[hbm4b:s25+s4] =	stream.linear.scatter [tilespmem:s29], [sflag:$0x3], $0x80, $0x38;
	[tilespmem:$0x12A00] =	vst v63  }
0x80: {  	s25 =	sadd.s32 $0x40, s3;
	s29 =	simm.s32 $0x10A20  }
0x81: {  	[hbm4b:s25+s4] =	stream.linear.scatter [tilespmem:s29], [sflag:$0x3], $0x80, $0x38;
	[tilespmem:$0x12A00] =	vst v63  }
0x82: {  	s25 =	sadd.s32 $0x50, s3;
	s29 =	simm.s32 $0x10AA8  }
0x83: {  	[hbm4b:s25+s4] =	stream.linear.scatter [tilespmem:s29], [sflag:$0x3], $0x80, $0x38;
	[tilespmem:$0x12A00] =	vst v63  }
0x84: {  	s25 =	sadd.s32 $0x60, s3;
	s29 =	simm.s32 $0x10B30  }
0x85: {  	[hbm4b:s25+s4] =	stream.linear.scatter [tilespmem:s29], [sflag:$0x3], $0x80, $0x38;
	[tilespmem:$0x12A00] =	vst v63  }
0x86: {  	s3 =	sadd.s32 $0x70, s3;
	s25 =	simm.s32 $0x10BB8  }
0x87: {  	[hbm4b:s3+s4] =	stream.linear.scatter [tilespmem:s25], [sflag:$0x3], $0x80, $0x38;
	[tilespmem:$0x12A00] =	vst v63  }
0x88: {  	s3 =	sadd.s32 s0, s9;
	s25 =	simm.s32 $0x10C40  }
0x89: {  	[hbm4b:s3+s4] =	stream.linear.scatter [tilespmem:s25], [sflag:$0x3], $0x80, $0x38;
	[tilespmem:$0x12A00] =	vst v63  }
0x8a: {  	s29 =	simm.s32 $0x10CC8;
	s25 =	sadd.s32 $0x10, s3  }
0x8b: {  	[hbm4b:s25+s4] =	stream.linear.scatter [tilespmem:s29], [sflag:$0x3], $0x80, $0x38;
	[tilespmem:$0x12A00] =	vst v63  }
0x8c: {  	s25 =	sadd.s32 $0x20, s3;
	s29 =	simm.s32 $0x10D50  }
0x8d: {  	[hbm4b:s25+s4] =	stream.linear.scatter [tilespmem:s29], [sflag:$0x3], $0x80, $0x38;
	[tilespmem:$0x12A00] =	vst v63  }
0x8e: {  	s25 =	sadd.s32 $0x30, s3;
	s29 =	simm.s32 $0x10DD8  }
0x8f: {  	[hbm4b:s25+s4] =	stream.linear.scatter [tilespmem:s29], [sflag:$0x3], $0x80, $0x38;
	[tilespmem:$0x12A00] =	vst v63  }
0x90: {  	s25 =	sadd.s32 $0x40, s3;
	s29 =	simm.s32 $0x10E60  }
0x91: {  	[hbm4b:s25+s4] =	stream.linear.scatter [tilespmem:s29], [sflag:$0x3], $0x80, $0x38;
	[tilespmem:$0x12A00] =	vst v63  }
0x92: {  	s25 =	sadd.s32 $0x50, s3;
	s29 =	simm.s32 $0x10EE8  }
0x93: {  	[hbm4b:s25+s4] =	stream.linear.scatter [tilespmem:s29], [sflag:$0x3], $0x80, $0x38;
	[tilespmem:$0x12A00] =	vst v63  }
0x94: {  	s25 =	sadd.s32 $0x60, s3;
	s29 =	simm.s32 $0x10F70  }
0x95: {  	[hbm4b:s25+s4] =	stream.linear.scatter [tilespmem:s29], [sflag:$0x3], $0x80, $0x38;
	[tilespmem:$0x12A00] =	vst v63  }
0x96: {  	s3 =	sadd.s32 $0x70, s3;
	s25 =	simm.s32 $0x10FF8  }
0x97: {  	[hbm4b:s3+s4] =	stream.linear.scatter [tilespmem:s25], [sflag:$0x3], $0x80, $0x38;
	[tilespmem:$0x12A00] =	vst v63  }
0x98: {  	s3 =	sadd.s32 s0, s10;
	s25 =	simm.s32 $0x11080  }
0x99: {  	[hbm4b:s3+s4] =	stream.linear.scatter [tilespmem:s25], [sflag:$0x3], $0x80, $0x38;
	[tilespmem:$0x12A00] =	vst v63  }
0x9a: {  	s29 =	simm.s32 $0x11108;
	s25 =	sadd.s32 $0x10, s3  }
0x9b: {  	[hbm4b:s25+s4] =	stream.linear.scatter [tilespmem:s29], [sflag:$0x3], $0x80, $0x38;
	[tilespmem:$0x12A00] =	vst v63  }
0x9c: {  	s25 =	sadd.s32 $0x20, s3;
	s29 =	simm.s32 $0x11190  }
0x9d: {  	[hbm4b:s25+s4] =	stream.linear.scatter [tilespmem:s29], [sflag:$0x3], $0x80, $0x38;
	[tilespmem:$0x12A00] =	vst v63  }
0x9e: {  	s25 =	sadd.s32 $0x30, s3;
	s29 =	simm.s32 $0x11218  }
0x9f: {  	[hbm4b:s25+s4] =	stream.linear.scatter [tilespmem:s29], [sflag:$0x3], $0x80, $0x38;
	[tilespmem:$0x12A00] =	vst v63  }
0xa0: {  	s25 =	sadd.s32 $0x40, s3;
	s29 =	simm.s32 $0x112A0  }
0xa1: {  	[hbm4b:s25+s4] =	stream.linear.scatter [tilespmem:s29], [sflag:$0x3], $0x80, $0x38;
	[tilespmem:$0x12A00] =	vst v63  }
0xa2: {  	s25 =	sadd.s32 $0x50, s3;
	s29 =	simm.s32 $0x11328  }
0xa3: {  	[hbm4b:s25+s4] =	stream.linear.scatter [tilespmem:s29], [sflag:$0x3], $0x80, $0x38;
	[tilespmem:$0x12A00] =	vst v63  }
0xa4: {  	s25 =	sadd.s32 $0x60, s3;
	s29 =	simm.s32 $0x113B0  }
0xa5: {  	[hbm4b:s25+s4] =	stream.linear.scatter [tilespmem:s29], [sflag:$0x3], $0x80, $0x38;
	[tilespmem:$0x12A00] =	vst v63  }
0xa6: {  	s3 =	sadd.s32 $0x70, s3;
	s25 =	simm.s32 $0x11438  }
0xa7: {  	[hbm4b:s3+s4] =	stream.linear.scatter [tilespmem:s25], [sflag:$0x3], $0x80, $0x38;
	[tilespmem:$0x12A00] =	vst v63  }
0xa8: {  	s0 =	sadd.s32 s0, s11;
	s25 =	simm.s32 $0x114C0  }
0xa9: {  	[hbm4b:s0+s4] =	stream.linear.scatter [tilespmem:s25], [sflag:$0x3], $0x80, $0x38;
	[tilespmem:$0x12A00] =	vst v63  }
0xaa: {  	s3 =	sadd.s32 $0x10, s0;
	s25 =	simm.s32 $0x11548  }
0xab: {  	[hbm4b:s3+s4] =	stream.linear.scatter [tilespmem:s25], [sflag:$0x3], $0x80, $0x38;
	[tilespmem:$0x12A00] =	vst v63  }
0xac: {  	s3 =	sadd.s32 $0x20, s0;
	s25 =	simm.s32 $0x115D0  }
0xad: {  	[hbm4b:s3+s4] =	stream.linear.scatter [tilespmem:s25], [sflag:$0x3], $0x80, $0x38;
	[tilespmem:$0x12A00] =	vst v63  }
0xae: {  	s3 =	sadd.s32 $0x30, s0;
	s25 =	simm.s32 $0x11658  }
0xaf: {  	[hbm4b:s3+s4] =	stream.linear.scatter [tilespmem:s25], [sflag:$0x3], $0x80, $0x38;
	[tilespmem:$0x12A00] =	vst v63  }
0xb0: {  	s3 =	sadd.s32 $0x40, s0;
	s25 =	simm.s32 $0x116E0  }
0xb1: {  	[hbm4b:s3+s4] =	stream.linear.scatter [tilespmem:s25], [sflag:$0x3], $0x80, $0x38;
	[tilespmem:$0x12A00] =	vst v63  }
0xb2: {  	s3 =	sadd.s32 $0x50, s0;
	s25 =	simm.s32 $0x11768  }
0xb3: {  	[hbm4b:s3+s4] =	stream.linear.scatter [tilespmem:s25], [sflag:$0x3], $0x80, $0x38;
	[tilespmem:$0x12A00] =	vst v63  }
0xb4: {  	s3 =	sadd.s32 $0x60, s0;
	s25 =	simm.s32 $0x117F0  }
0xb5: {  	[hbm4b:s3+s4] =	stream.linear.scatter [tilespmem:s25], [sflag:$0x3], $0x80, $0x38;
	[tilespmem:$0x12A00] =	vst v63  }
0xb6: {  	s0 =	sadd.s32 $0x70, s0;
	s25 =	simm.s32 $0x11878  }
0xb7: {  	[hbm4b:s0+s4] =	stream.linear.scatter [tilespmem:s25], [sflag:$0x3], $0x80, $0x38;
	[tilespmem:$0x12A00] =	vst v63  }
0xb8: {  	s0 =	simm.s32 @!p0 $0x4  }
0xb9: {  	_ =	swait.ge @!p0 [sflag:s0], $0x400  }
0xba: {  	[sflag:s0] =	ssyncset.done @!p0 $0x0  }
0xbb: {  	[sflag:s0] =	ssyncadd.s32 @!p0 $0xFFFFFC00  }
0xbc: {  	_ =	swait.ge @!p0 [sflag:s0], $0x400  }
0xbd: {  	[sflag:s0] =	ssyncset.done @!p0 $0x0  }
0xbe: {  	[sflag:s0] =	ssyncadd.s32 @!p0 $0xFFFFFC00  }
0xbf: {  	_ =	swait.ge @!p0 [sflag:s0], $0x400  }
0xc0: {  	[sflag:s0] =	ssyncset.done @!p0 $0x0  }
0xc1: {  	[sflag:s0] =	ssyncadd.s32 @!p0 $0xFFFFFC00  }
0xc2: {  	s25 =	simm.s32 $0x0;
	_ =	swait.ge @!p0 [sflag:s0], $0x400  }
0xc3: {  	v2 =	vmov s25;
	[sflag:s0] =	ssyncset.done @!p0 $0x0  }
0xc4: {  	v2 =	vand.u32 $0x7C, v2;
	[sflag:s0] =	ssyncadd.s32 @!p0 $0xFFFFFC00  }
0xc5: {  	v4 =	vadd.s32 v0, v2;
	v3 =	vld [tilespmem:s6+$0xFFFFFF90]  }
0xc6: {  	v2 =	vadd.s32 v1, v2;
	v5 =	vld [tilespmem:s6+$0xFFFFFFA0];
	_ =	sdelay $0x2  }
0xc7: {  	s25 =	simm.s32 $0x1  }
0xc8: {  	[tilespmem:v4+s20+$0x0] =	vst.idx.msk $0xffff, v3;
	v3 =	vmov s25  }
0xc9: {  	[tilespmem:v2+s20+$0x0] =	vst.idx.msk $0xffff, v5;
	v2 =	vand.u32 $0x7D, v3  }
0xca: {  	v3 =	vld [tilespmem:s6+$0xFFFFFFB0];
	v4 =	vadd.s32 v0, v2  }
0xcb: {  	v5 =	vld [tilespmem:s6+$0xFFFFFFC0];
	v2 =	vadd.s32 v1, v2;
	_ =	sdelay $0x2  }
0xcc: {  	s3 =	simm.s32 $0x2  }
0xcd: {  	[tilespmem:v4+s20+$0x0] =	vst.idx.msk $0xffff, v3;
	v3 =	vmov s3  }
0xce: {  	[tilespmem:v2+s20+$0x0] =	vst.idx.msk $0xffff, v5;
	v2 =	vand.u32 $0x7E, v3  }
0xcf: {  	v3 =	vld [tilespmem:s6+$0xFFFFFFD0];
	v4 =	vadd.s32 v0, v2  }
0xd0: {  	v5 =	vld [tilespmem:s6+$0xFFFFFFE0];
	v2 =	vadd.s32 v1, v2;
	_ =	sdelay $0x2  }
0xd1: {  	s25 =	simm.s32 $0x3  }
0xd2: {  	[tilespmem:v4+s20+$0x0] =	vst.idx.msk $0xffff, v3;
	v3 =	vmov s25  }
0xd3: {  	[tilespmem:v2+s20+$0x0] =	vst.idx.msk $0xffff, v5;
	v3 =	vand.u32 $0x7F, v3  }
0xd4: {  	v5 =	vld [tilespmem:s6+$0xFFFFFFF0];
	v6 =	vadd.s32 v0, v3;
	_ =	sdelay $0x1  }
0xd5: {  	v2 =	vld [tilespmem:s6+$0x0];
	v3 =	vadd.s32 v1, v3;
	_ =	sdelay $0x1  }
0xd6: {  	s29 =	simm.s32 $0x4  }
0xd7: {  	s30 =	simm.s32 $0x8;
	s28 =	sor.u32 $0x1, s28;
	v4 =	vmov s29;
	s25 =	smov.u32 s6;
	[tilespmem:v6+s20+$0x0] =	vst.idx.msk $0xffff, v5  }
.LBB2_6:
0xd8: {  	p0 =	sne.s32 s30, $0x7C  }
0xd9: {  	v4 =	vand.u32 $0x7C, v4;
	[tilespmem:v3+s20+$0x0] =	vst.idx.msk $0xffff, v2;
	s25 =	sadd.s32 $0x80, s25;
	s0 =	smov.u32 s30;
	s30 =	sadd.s32 $0x4, s30  }
0xda: {  	v2 =	vld [tilespmem:s25+$0xFFFFFF90];
	v3 =	vadd.s32 v0, v4  }
0xdb: {  	v4 =	vadd.s32 v1, v4;
	v5 =	vld [tilespmem:s25+$0xFFFFFFA0];
	_ =	sdelay $0x2  }
0xdc: {  	s3 =	sadd.s32 $0x1, s29  }
0xdd: {  	[tilespmem:v3+s20+$0x0] =	vst.idx.msk $0xffff, v2;
	v2 =	vmov s3  }
0xde: {  	[tilespmem:v4+s20+$0x0] =	vst.idx.msk $0xffff, v5;
	v2 =	vand.u32 $0x7D, v2  }
0xdf: {  	v3 =	vld [tilespmem:s25+$0xFFFFFFB0];
	v4 =	vadd.s32 v0, v2  }
0xe0: {  	v2 =	vadd.s32 v1, v2;
	v5 =	vld [tilespmem:s25+$0xFFFFFFC0];
	_ =	sdelay $0x2  }
0xe1: {  	s3 =	sadd.s32 $0x2, s29  }
0xe2: {  	[tilespmem:v4+s20+$0x0] =	vst.idx.msk $0xffff, v3;
	v3 =	vmov s3  }
0xe3: {  	[tilespmem:v2+s20+$0x0] =	vst.idx.msk $0xffff, v5;
	v2 =	vand.u32 $0x7E, v3  }
0xe4: {  	v3 =	vld [tilespmem:s25+$0xFFFFFFD0];
	v4 =	vadd.s32 v0, v2  }
0xe5: {  	v2 =	vadd.s32 v1, v2;
	v5 =	vld [tilespmem:s25+$0xFFFFFFE0];
	_ =	sdelay $0x2  }
0xe6: {  	s3 =	sadd.s32 $0x3, s29;
	s29 =	smov.u32 s0  }
0xe7: {  	[tilespmem:v4+s20+$0x0] =	vst.idx.msk $0xffff, v3;
	v3 =	vmov s3  }
0xe8: {  	[tilespmem:v2+s20+$0x0] =	vst.idx.msk $0xffff, v5;
	v3 =	vand.u32 $0x7F, v3  }
0xe9: {  	v5 =	vld [tilespmem:s25+$0xFFFFFFF0];
	v6 =	vadd.s32 v0, v3  }
.Ltmp1:
0xea: {  	v3 =	vadd.s32 v1, v3;
	v2 =	vld [tilespmem:s25+$0x0];
	(pc) =	sbr.rel @p0 .LBB2_6-.Ltmp1, $2  }
0xeb: {  	_ =	sdelay $0x2  }
0xec: {  	v4 =	vmov s29;
	[tilespmem:v6+s20+$0x0] =	vst.idx.msk $0xffff, v5  }
0xed: {  	_ =	sdelay $0x3  }
0xee: {  	v4 =	vand.u32 $0x7C, v4;
	[tilespmem:v3+s20+$0x0] =	vst.idx.msk $0xffff, v2;
	s0 =	sadd.s32 $0x80, s25  }
0xef: {  	v2 =	vld [tilespmem:s0+$0xFFFFFF90];
	v3 =	vadd.s32 v0, v4  }
0xf0: {  	v5 =	vld [tilespmem:s0+$0xFFFFFFA0];
	v4 =	vadd.s32 v1, v4;
	_ =	sdelay $0x2  }
0xf1: {  	s3 =	sadd.s32 $0x1, s29  }
0xf2: {  	[tilespmem:v3+s20+$0x0] =	vst.idx.msk $0xffff, v2;
	v2 =	vmov s3  }
0xf3: {  	[tilespmem:v4+s20+$0x0] =	vst.idx.msk $0xffff, v5;
	v2 =	vand.u32 $0x7D, v2  }
0xf4: {  	v3 =	vld [tilespmem:s0+$0xFFFFFFB0];
	v61 =	vadd.s32 v0, v2  }
0xf5: {  	v5 =	vld [tilespmem:s0+$0xFFFFFFC0];
	v2 =	vadd.s32 v1, v2;
	_ =	sdelay $0x2  }
0xf6: {  	s30 =	sadd.s32 $0x2, s29  }
0xf7: {  	v6 =	vmov s30;
	[tilespmem:v61+s20+$0x0] =	vst.idx.msk $0xffff, v3  }
0xf8: {  	[tilespmem:v2+s20+$0x0] =	vst.idx.msk $0xffff, v5;
	v2 =	vand.u32 $0x7E, v6  }
0xf9: {  	v3 =	vld [tilespmem:s0+$0xFFFFFFD0];
	v62 =	vadd.s32 v0, v2  }
0xfa: {  	v5 =	vld [tilespmem:s0+$0xFFFFFFE0];
	v2 =	vadd.s32 v1, v2;
	_ =	sdelay $0x2  }
0xfb: {  	s25 =	sadd.s32 $0x3, s29  }
0xfc: {  	[tilespmem:v62+s20+$0x0] =	vst.idx.msk $0xffff, v3;
	v3 =	vmov s25  }
0xfd: {  	[tilespmem:v2+s20+$0x0] =	vst.idx.msk $0xffff, v5;
	v2 =	vand.u32 $0x7F, v3  }
0xfe: {  	v3 =	vld [tilespmem:s0+$0xFFFFFFF0];
	v63 =	vadd.s32 v0, v2  }
0xff: {  	v5 =	vld [tilespmem:s0+$0x0];
	v2 =	vadd.s32 v1, v2  }
0x100: {  	s28 =	sadd.s32 s22, s28  }
0x101: {  	s0 =	sshll.u32 s28, $0x11  }
0x102: {  	s0 =	sor.u32 s5, s0  }
0x103: {  	s0 =	sshrl.u32 s0, $0x3;
	[tilespmem:v63+s20+$0x0] =	vst.idx.msk $0xffff, v3  }
0x104: {  	s3 =	sadd.s32 s2, s0;
	[tilespmem:v2+s20+$0x0] =	vst.idx.msk $0xffff, v5  }
0x105: {  	[hbm4b:s3+s4] =	stream.linear.scatter [tilespmem:s20], [sflag:$0x4], $0x80, $0x38;
	[tilespmem:$0x12A00] =	vst v63  }
0x106: {  	s30 =	simm.s32 $0x11988;
	s29 =	sadd.s32 $0x10, s3  }
0x107: {  	[hbm4b:s29+s4] =	stream.linear.scatter [tilespmem:s30], [sflag:$0x4], $0x80, $0x38;
	[tilespmem:$0x12A00] =	vst v63  }
0x108: {  	s29 =	sadd.s32 $0x20, s3;
	s30 =	simm.s32 $0x11A10  }
0x109: {  	[hbm4b:s29+s4] =	stream.linear.scatter [tilespmem:s30], [sflag:$0x4], $0x80, $0x38;
	[tilespmem:$0x12A00] =	vst v63  }
0x10a: {  	s29 =	sadd.s32 $0x30, s3;
	s30 =	simm.s32 $0x11A98  }
0x10b: {  	[hbm4b:s29+s4] =	stream.linear.scatter [tilespmem:s30], [sflag:$0x4], $0x80, $0x38;
	[tilespmem:$0x12A00] =	vst v63  }
0x10c: {  	s29 =	sadd.s32 $0x40, s3;
	s30 =	simm.s32 $0x11B20  }
0x10d: {  	[hbm4b:s29+s4] =	stream.linear.scatter [tilespmem:s30], [sflag:$0x4], $0x80, $0x38;
	[tilespmem:$0x12A00] =	vst v63  }
0x10e: {  	s29 =	sadd.s32 $0x50, s3;
	s30 =	simm.s32 $0x11BA8  }
0x10f: {  	[hbm4b:s29+s4] =	stream.linear.scatter [tilespmem:s30], [sflag:$0x4], $0x80, $0x38;
	[tilespmem:$0x12A00] =	vst v63  }
0x110: {  	s29 =	sadd.s32 $0x60, s3;
	s30 =	simm.s32 $0x11C30  }
0x111: {  	[hbm4b:s29+s4] =	stream.linear.scatter [tilespmem:s30], [sflag:$0x4], $0x80, $0x38;
	[tilespmem:$0x12A00] =	vst v63  }
0x112: {  	s28 =	simm.s32 $0x11CB8;
	s3 =	sadd.s32 $0x70, s3  }
0x113: {  	[hbm4b:s3+s4] =	stream.linear.scatter [tilespmem:s28], [sflag:$0x4], $0x80, $0x38;
	[tilespmem:$0x12A00] =	vst v63  }
0x114: {  	s29 =	simm.s32 $0x11D40;
	s3 =	sadd.s32 s0, s9  }
0x115: {  	[hbm4b:s3+s4] =	stream.linear.scatter [tilespmem:s29], [sflag:$0x4], $0x80, $0x38;
	[tilespmem:$0x12A00] =	vst v63  }
0x116: {  	s30 =	sadd.s32 $0x10, s3;
	s29 =	simm.s32 $0x11DC8  }
0x117: {  	[hbm4b:s30+s4] =	stream.linear.scatter [tilespmem:s29], [sflag:$0x4], $0x80, $0x38;
	[tilespmem:$0x12A00] =	vst v63  }
0x118: {  	s30 =	sadd.s32 $0x20, s3;
	s29 =	simm.s32 $0x11E50  }
0x119: {  	[hbm4b:s30+s4] =	stream.linear.scatter [tilespmem:s29], [sflag:$0x4], $0x80, $0x38;
	[tilespmem:$0x12A00] =	vst v63  }
0x11a: {  	s30 =	sadd.s32 $0x30, s3;
	s29 =	simm.s32 $0x11ED8  }
0x11b: {  	[hbm4b:s30+s4] =	stream.linear.scatter [tilespmem:s29], [sflag:$0x4], $0x80, $0x38;
	[tilespmem:$0x12A00] =	vst v63  }
0x11c: {  	s30 =	sadd.s32 $0x40, s3;
	s29 =	simm.s32 $0x11F60  }
0x11d: {  	[hbm4b:s30+s4] =	stream.linear.scatter [tilespmem:s29], [sflag:$0x4], $0x80, $0x38;
	[tilespmem:$0x12A00] =	vst v63  }
0x11e: {  	s30 =	sadd.s32 $0x50, s3;
	s29 =	simm.s32 $0x11FE8  }
0x11f: {  	[hbm4b:s30+s4] =	stream.linear.scatter [tilespmem:s29], [sflag:$0x4], $0x80, $0x38;
	[tilespmem:$0x12A00] =	vst v63  }
0x120: {  	s30 =	sadd.s32 $0x60, s3;
	s29 =	simm.s32 $0x12070  }
0x121: {  	[hbm4b:s30+s4] =	stream.linear.scatter [tilespmem:s29], [sflag:$0x4], $0x80, $0x38;
	[tilespmem:$0x12A00] =	vst v63  }
0x122: {  	s3 =	sadd.s32 $0x70, s3;
	s30 =	simm.s32 $0x120F8  }
0x123: {  	[hbm4b:s3+s4] =	stream.linear.scatter [tilespmem:s30], [sflag:$0x4], $0x80, $0x38;
	[tilespmem:$0x12A00] =	vst v63  }
0x124: {  	s28 =	simm.s32 $0x12180;
	s3 =	sadd.s32 s0, s10  }
0x125: {  	[hbm4b:s3+s4] =	stream.linear.scatter [tilespmem:s28], [sflag:$0x4], $0x80, $0x38;
	[tilespmem:$0x12A00] =	vst v63  }
0x126: {  	s30 =	simm.s32 $0x12208;
	s29 =	sadd.s32 $0x10, s3  }
0x127: {  	[hbm4b:s29+s4] =	stream.linear.scatter [tilespmem:s30], [sflag:$0x4], $0x80, $0x38;
	[tilespmem:$0x12A00] =	vst v63  }
0x128: {  	s29 =	sadd.s32 $0x20, s3;
	s30 =	simm.s32 $0x12290  }
0x129: {  	[hbm4b:s29+s4] =	stream.linear.scatter [tilespmem:s30], [sflag:$0x4], $0x80, $0x38;
	[tilespmem:$0x12A00] =	vst v63  }
0x12a: {  	s29 =	sadd.s32 $0x30, s3;
	s30 =	simm.s32 $0x12318  }
0x12b: {  	[hbm4b:s29+s4] =	stream.linear.scatter [tilespmem:s30], [sflag:$0x4], $0x80, $0x38;
	[tilespmem:$0x12A00] =	vst v63  }
0x12c: {  	s29 =	sadd.s32 $0x40, s3;
	s30 =	simm.s32 $0x123A0  }
0x12d: {  	[hbm4b:s29+s4] =	stream.linear.scatter [tilespmem:s30], [sflag:$0x4], $0x80, $0x38;
	[tilespmem:$0x12A00] =	vst v63  }
0x12e: {  	s29 =	sadd.s32 $0x50, s3;
	s30 =	simm.s32 $0x12428  }
0x12f: {  	[hbm4b:s29+s4] =	stream.linear.scatter [tilespmem:s30], [sflag:$0x4], $0x80, $0x38;
	[tilespmem:$0x12A00] =	vst v63  }
0x130: {  	s29 =	sadd.s32 $0x60, s3;
	s30 =	simm.s32 $0x124B0  }
0x131: {  	[hbm4b:s29+s4] =	stream.linear.scatter [tilespmem:s30], [sflag:$0x4], $0x80, $0x38;
	[tilespmem:$0x12A00] =	vst v63  }
0x132: {  	s3 =	sadd.s32 $0x70, s3  }
0x133: {  	[hbm4b:s3+s4] =	stream.linear.scatter [tilespmem:s7], [sflag:$0x4], $0x80, $0x38;
	[tilespmem:$0x12A00] =	vst v63  }
0x134: {  	s0 =	sadd.s32 s0, s11  }
0x135: {  	[hbm4b:s0+s4] =	stream.linear.scatter [tilespmem:s24], [sflag:$0x4], $0x80, $0x38;
	[tilespmem:$0x12A00] =	vst v63  }
0x136: {  	s29 =	sadd.s32 $0x10, s0  }
0x137: {  	[hbm4b:s29+s4] =	stream.linear.scatter [tilespmem:s23], [sflag:$0x4], $0x80, $0x38;
	[tilespmem:$0x12A00] =	vst v63  }
0x138: {  	s30 =	sadd.s32 $0x20, s0  }
0x139: {  	[hbm4b:s30+s4] =	stream.linear.scatter [tilespmem:s1], [sflag:$0x4], $0x80, $0x38;
	[tilespmem:$0x12A00] =	vst v63  }
0x13a: {  	s25 =	sadd.s32 $0x30, s0  }
0x13b: {  	[hbm4b:s25+s4] =	stream.linear.scatter [tilespmem:s8], [sflag:$0x4], $0x80, $0x38;
	[tilespmem:$0x12A00] =	vst v63  }
0x13c: {  	s21 =	sadd.s32 $0x1, s21;
	s28 =	sadd.s32 $0x40, s0  }
0x13d: {  	[hbm4b:s28+s4] =	stream.linear.scatter [tilespmem:s12], [sflag:$0x4], $0x80, $0x38;
	[tilespmem:$0x12A00] =	vst v63  }
0x13e: {  	p0 =	sne.s32 s21, $0x4;
	s29 =	sadd.s32 $0x50, s0  }
0x13f: {  	[hbm4b:s29+s4] =	stream.linear.scatter [tilespmem:s13], [sflag:$0x4], $0x80, $0x38;
	[tilespmem:$0x12A00] =	vst v63  }
.Ltmp2:
0x140: {  	_ = 	snop;
	(pc) =	sbr.rel @p0 .LBB2_3-.Ltmp2, $4  }
0x141: {  	s30 =	sadd.s32 $0x60, s0  }
0x142: {  	[hbm4b:s30+s4] =	stream.linear.scatter [tilespmem:s14], [sflag:$0x4], $0x80, $0x38;
	[tilespmem:$0x12A00] =	vst v63  }
0x143: {  	s31 =	sadd.s32 $0x2000, s31;
	s6 =	sadd.s32 $0x2000, s6;
	s0 =	sadd.s32 $0x70, s0  }
0x144: {  	[hbm4b:s0+s4] =	stream.linear.scatter [tilespmem:s15], [sflag:$0x4], $0x80, $0x38;
	[tilespmem:$0x12A00] =	vst v63  }
0x145: {  	s0 =	sshll.u32 s18, $0x10;
	s3 =	rddreg [dreg:$0x6]  }
0x146: {  	s0 =	sadd.s32 s3, s0  }
0x147: {  	s22 =	rddreg [dreg:$0x1];
	s0 =	sshrl.u32 s0, $0x3  }
0x148: {  	s19 =	simm.s32 $0x0;
	s25 =	simm.s32 $0x5;
	s0 =	sadd.s32 s22, s0  }
0x149: {  	[tilespmem:s19], [sflag:$0x5] =	stream.linear.gather [hbm4b:s0+s19], $0x400, $0x38;
	[tilespmem:$0x12A00] =	vst v63  }
0x14a: {  	_ =	swait.ge [sflag:s25], $0x400  }
0x14b: {  	s29 =	simm.s32 $0x400;
	s6 =	simm.s32 $0x800;
	[sflag:s25] =	ssyncset.done $0x0  }
0x14c: {  	s30 =	simm.s32 $0x2;
	s28 =	rddreg [dreg:$0x4];
	[sflag:s25] =	ssyncadd.s32 $0xFFFFFC00  }
0x14d: {  	[tilespmem:s6], [sflag:$0x1] =	stream.indirect.gather [hbm4b:s28+s29], $0x20, s19, s29, $0xb8;
	[tilespmem:$0x12A00] =	vst v63  }
0x14e: {  	s21 =	simm.s32 $0x8840;
	_ =	swait.ge [sflag:s30], $0x8000  }
0x14f: {  	s22 =	simm.s32 $0x9870;
	[sflag:s30] =	ssyncset.done $0x0;
	s31 =	rddreg [dreg:$0x11]  }
0x150: {  	s25 =	simm.s32 $0x0;
	[sflag:s30] =	ssyncadd.s32 $0xFFFF8000;
	s6 =	sshll.u32 s31, $0x3  }
.LBB2_9:
0x151: {  	_ =	swait.ge [sflag:s16], $0x400  }
0x152: {  	[sflag:s16] =	ssyncset.done $0x0  }
0x153: {  	[sflag:s16] =	ssyncadd.s32 $0xFFFFFC00  }
0x154: {  	_ =	swait.ge [sflag:s16], $0x400  }
0x155: {  	[sflag:s16] =	ssyncset.done $0x0  }
0x156: {  	[sflag:s16] =	ssyncadd.s32 $0xFFFFFC00  }
0x157: {  	_ =	swait.ge [sflag:s16], $0x400  }
0x158: {  	[sflag:s16] =	ssyncset.done $0x0  }
0x159: {  	[sflag:s16] =	ssyncadd.s32 $0xFFFFFC00  }
0x15a: {  	_ =	swait.ge [sflag:s16], $0x400  }
0x15b: {  	v2 =	vmov s19;
	[sflag:s16] =	ssyncset.done $0x0  }
0x15c: {  	v2 =	vand.u32 $0x7C, v2;
	[sflag:s16] =	ssyncadd.s32 $0xFFFFFC00  }
0x15d: {  	v4 =	vadd.s32 v0, v2;
	v3 =	vld [tilespmem:s21+$0xFFFFFFC0]  }
0x15e: {  	v2 =	vadd.s32 v1, v2;
	v5 =	vld [tilespmem:s21+$0xFFFFFFD0];
	_ =	sdelay $0x2  }
0x15f: {  	s0 =	simm.s32 $0x1  }
0x160: {  	[tilespmem:v4+s26+$0x0] =	vst.idx.msk $0xffff, v3;
	v3 =	vmov s0  }
0x161: {  	[tilespmem:v2+s26+$0x0] =	vst.idx.msk $0xffff, v5;
	v2 =	vand.u32 $0x7D, v3  }
0x162: {  	v3 =	vld [tilespmem:s21+$0xFFFFFFE0];
	v4 =	vadd.s32 v0, v2  }
0x163: {  	v5 =	vld [tilespmem:s21+$0xFFFFFFF0];
	v2 =	vadd.s32 v1, v2;
	_ =	sdelay $0x2  }
0x164: {  	s3 =	simm.s32 $0x2  }
0x165: {  	[tilespmem:v4+s26+$0x0] =	vst.idx.msk $0xffff, v3;
	v3 =	vmov s3  }
0x166: {  	[tilespmem:v2+s26+$0x0] =	vst.idx.msk $0xffff, v5;
	v2 =	vand.u32 $0x7E, v3  }
0x167: {  	v3 =	vld [tilespmem:s21+$0x0];
	v4 =	vadd.s32 v0, v2  }
0x168: {  	v5 =	vld [tilespmem:s21+$0x10];
	v2 =	vadd.s32 v1, v2;
	_ =	sdelay $0x2  }
0x169: {  	s31 =	simm.s32 $0x3  }
0x16a: {  	[tilespmem:v4+s26+$0x0] =	vst.idx.msk $0xffff, v3;
	v3 =	vmov s31  }
0x16b: {  	[tilespmem:v2+s26+$0x0] =	vst.idx.msk $0xffff, v5;
	v3 =	vand.u32 $0x7F, v3  }
0x16c: {  	v5 =	vld [tilespmem:s21+$0x20];
	v6 =	vadd.s32 v0, v3;
	_ =	sdelay $0x1  }
0x16d: {  	v2 =	vld [tilespmem:s21+$0x30];
	v3 =	vadd.s32 v1, v3;
	_ =	sdelay $0x1  }
0x16e: {  	s28 =	simm.s32 $0x4  }
0x16f: {  	s29 =	simm.s32 $0x8;
	s30 =	smov.u32 s21;
	v4 =	vmov s28;
	[tilespmem:v6+s26+$0x0] =	vst.idx.msk $0xffff, v5  }
.LBB2_10:
0x170: {  	p0 =	sne.s32 s29, $0x7C  }
0x171: {  	v4 =	vand.u32 $0x7C, v4;
	[tilespmem:v3+s26+$0x0] =	vst.idx.msk $0xffff, v2;
	s30 =	sadd.s32 $0x80, s30;
	s0 =	smov.u32 s29;
	s29 =	sadd.s32 $0x4, s29  }
0x172: {  	v2 =	vld [tilespmem:s30+$0xFFFFFFC0];
	v3 =	vadd.s32 v0, v4  }
0x173: {  	v4 =	vadd.s32 v1, v4;
	v5 =	vld [tilespmem:s30+$0xFFFFFFD0];
	_ =	sdelay $0x2  }
0x174: {  	s3 =	sadd.s32 $0x1, s28  }
0x175: {  	[tilespmem:v3+s26+$0x0] =	vst.idx.msk $0xffff, v2;
	v2 =	vmov s3  }
0x176: {  	[tilespmem:v4+s26+$0x0] =	vst.idx.msk $0xffff, v5;
	v2 =	vand.u32 $0x7D, v2  }
0x177: {  	v3 =	vld [tilespmem:s30+$0xFFFFFFE0];
	v4 =	vadd.s32 v0, v2  }
0x178: {  	v2 =	vadd.s32 v1, v2;
	v5 =	vld [tilespmem:s30+$0xFFFFFFF0];
	_ =	sdelay $0x2  }
0x179: {  	s3 =	sadd.s32 $0x2, s28  }
0x17a: {  	[tilespmem:v4+s26+$0x0] =	vst.idx.msk $0xffff, v3;
	v3 =	vmov s3  }
0x17b: {  	[tilespmem:v2+s26+$0x0] =	vst.idx.msk $0xffff, v5;
	v2 =	vand.u32 $0x7E, v3  }
0x17c: {  	v3 =	vld [tilespmem:s30+$0x0];
	v4 =	vadd.s32 v0, v2  }
0x17d: {  	v2 =	vadd.s32 v1, v2;
	v5 =	vld [tilespmem:s30+$0x10];
	_ =	sdelay $0x2  }
0x17e: {  	s3 =	sadd.s32 $0x3, s28;
	s28 =	smov.u32 s0  }
0x17f: {  	[tilespmem:v4+s26+$0x0] =	vst.idx.msk $0xffff, v3;
	v3 =	vmov s3  }
0x180: {  	[tilespmem:v2+s26+$0x0] =	vst.idx.msk $0xffff, v5;
	v3 =	vand.u32 $0x7F, v3  }
0x181: {  	v5 =	vld [tilespmem:s30+$0x20];
	v6 =	vadd.s32 v0, v3  }
.Ltmp3:
0x182: {  	v3 =	vadd.s32 v1, v3;
	v2 =	vld [tilespmem:s30+$0x30];
	(pc) =	sbr.rel @p0 .LBB2_10-.Ltmp3, $2  }
0x183: {  	_ =	sdelay $0x2  }
0x184: {  	v4 =	vmov s28;
	[tilespmem:v6+s26+$0x0] =	vst.idx.msk $0xffff, v5  }
0x185: {  	_ =	sdelay $0x3  }
0x186: {  	v4 =	vand.u32 $0x7C, v4;
	[tilespmem:v3+s26+$0x0] =	vst.idx.msk $0xffff, v2;
	s0 =	sadd.s32 $0x80, s30  }
0x187: {  	v2 =	vld [tilespmem:s0+$0xFFFFFFC0];
	v3 =	vadd.s32 v0, v4  }
0x188: {  	v5 =	vld [tilespmem:s0+$0xFFFFFFD0];
	v4 =	vadd.s32 v1, v4;
	_ =	sdelay $0x2  }
0x189: {  	s3 =	sadd.s32 $0x1, s28  }
0x18a: {  	[tilespmem:v3+s26+$0x0] =	vst.idx.msk $0xffff, v2;
	v2 =	vmov s3  }
0x18b: {  	[tilespmem:v4+s26+$0x0] =	vst.idx.msk $0xffff, v5;
	v2 =	vand.u32 $0x7D, v2  }
0x18c: {  	v3 =	vld [tilespmem:s0+$0xFFFFFFE0];
	v4 =	vadd.s32 v0, v2  }
0x18d: {  	v5 =	vld [tilespmem:s0+$0xFFFFFFF0];
	v2 =	vadd.s32 v1, v2;
	_ =	sdelay $0x2  }
0x18e: {  	s3 =	sadd.s32 $0x2, s28  }
0x18f: {  	[tilespmem:v4+s26+$0x0] =	vst.idx.msk $0xffff, v3;
	v3 =	vmov s3  }
0x190: {  	[tilespmem:v2+s26+$0x0] =	vst.idx.msk $0xffff, v5;
	v2 =	vand.u32 $0x7E, v3  }
0x191: {  	v3 =	vld [tilespmem:s0+$0x0];
	v4 =	vadd.s32 v0, v2  }
0x192: {  	v5 =	vld [tilespmem:s0+$0x10];
	v2 =	vadd.s32 v1, v2;
	_ =	sdelay $0x2  }
0x193: {  	s3 =	sadd.s32 $0x3, s28  }
0x194: {  	[tilespmem:v4+s26+$0x0] =	vst.idx.msk $0xffff, v3;
	v3 =	vmov s3  }
0x195: {  	[tilespmem:v2+s26+$0x0] =	vst.idx.msk $0xffff, v5;
	v2 =	vand.u32 $0x7F, v3  }
0x196: {  	v3 =	vld [tilespmem:s0+$0x20];
	v4 =	vadd.s32 v0, v2  }
0x197: {  	s3 =	sshll.u32 s25, $0x1;
	v5 =	vld [tilespmem:s0+$0x30];
	v2 =	vadd.s32 v1, v2  }
0x198: {  	s0 =	sadd.s32 s6, s3  }
0x199: {  	s0 =	sshll.u32 s0, $0x11  }
0x19a: {  	s0 =	sor.u32 s5, s0  }
0x19b: {  	s0 =	sshrl.u32 s0, $0x3;
	[tilespmem:v4+s26+$0x0] =	vst.idx.msk $0xffff, v3  }
0x19c: {  	s28 =	simm.s32 $0x0;
	s3 =	sadd.s32 s2, s0;
	[tilespmem:v2+s26+$0x0] =	vst.idx.msk $0xffff, v5  }
0x19d: {  	[hbm4b:s3+s28] =	stream.linear.scatter [tilespmem:s26], [sflag:$0x3], $0x80, $0x38;
	[tilespmem:$0x12A00] =	vst v63  }
0x19e: {  	s30 =	simm.s32 $0x10888;
	s29 =	sadd.s32 $0x10, s3  }
0x19f: {  	[hbm4b:s29+s28] =	stream.linear.scatter [tilespmem:s30], [sflag:$0x3], $0x80, $0x38;
	[tilespmem:$0x12A00] =	vst v63  }
0x1a0: {  	s29 =	sadd.s32 $0x20, s3;
	s30 =	simm.s32 $0x10910  }
0x1a1: {  	[hbm4b:s29+s28] =	stream.linear.scatter [tilespmem:s30], [sflag:$0x3], $0x80, $0x38;
	[tilespmem:$0x12A00] =	vst v63  }
0x1a2: {  	s29 =	sadd.s32 $0x30, s3;
	s30 =	simm.s32 $0x10998  }
0x1a3: {  	[hbm4b:s29+s28] =	stream.linear.scatter [tilespmem:s30], [sflag:$0x3], $0x80, $0x38;
	[tilespmem:$0x12A00] =	vst v63  }
0x1a4: {  	s29 =	sadd.s32 $0x40, s3;
	s30 =	simm.s32 $0x10A20  }
0x1a5: {  	[hbm4b:s29+s28] =	stream.linear.scatter [tilespmem:s30], [sflag:$0x3], $0x80, $0x38;
	[tilespmem:$0x12A00] =	vst v63  }
0x1a6: {  	s29 =	sadd.s32 $0x50, s3;
	s30 =	simm.s32 $0x10AA8  }
0x1a7: {  	[hbm4b:s29+s28] =	stream.linear.scatter [tilespmem:s30], [sflag:$0x3], $0x80, $0x38;
	[tilespmem:$0x12A00] =	vst v63  }
0x1a8: {  	s29 =	sadd.s32 $0x60, s3;
	s30 =	simm.s32 $0x10B30  }
0x1a9: {  	[hbm4b:s29+s28] =	stream.linear.scatter [tilespmem:s30], [sflag:$0x3], $0x80, $0x38;
	[tilespmem:$0x12A00] =	vst v63  }
0x1aa: {  	s3 =	sadd.s32 $0x70, s3;
	s29 =	simm.s32 $0x10BB8  }
0x1ab: {  	[hbm4b:s3+s28] =	stream.linear.scatter [tilespmem:s29], [sflag:$0x3], $0x80, $0x38;
	[tilespmem:$0x12A00] =	vst v63  }
0x1ac: {  	s3 =	sadd.s32 s0, s9;
	s29 =	simm.s32 $0x10C40  }
0x1ad: {  	[hbm4b:s3+s28] =	stream.linear.scatter [tilespmem:s29], [sflag:$0x3], $0x80, $0x38;
	[tilespmem:$0x12A00] =	vst v63  }
0x1ae: {  	s30 =	simm.s32 $0x10CC8;
	s29 =	sadd.s32 $0x10, s3  }
0x1af: {  	[hbm4b:s29+s28] =	stream.linear.scatter [tilespmem:s30], [sflag:$0x3], $0x80, $0x38;
	[tilespmem:$0x12A00] =	vst v63  }
0x1b0: {  	s29 =	sadd.s32 $0x20, s3;
	s30 =	simm.s32 $0x10D50  }
0x1b1: {  	[hbm4b:s29+s28] =	stream.linear.scatter [tilespmem:s30], [sflag:$0x3], $0x80, $0x38;
	[tilespmem:$0x12A00] =	vst v63  }
0x1b2: {  	s29 =	sadd.s32 $0x30, s3;
	s30 =	simm.s32 $0x10DD8  }
0x1b3: {  	[hbm4b:s29+s28] =	stream.linear.scatter [tilespmem:s30], [sflag:$0x3], $0x80, $0x38;
	[tilespmem:$0x12A00] =	vst v63  }
0x1b4: {  	s29 =	sadd.s32 $0x40, s3;
	s30 =	simm.s32 $0x10E60  }
0x1b5: {  	[hbm4b:s29+s28] =	stream.linear.scatter [tilespmem:s30], [sflag:$0x3], $0x80, $0x38;
	[tilespmem:$0x12A00] =	vst v63  }
0x1b6: {  	s29 =	sadd.s32 $0x50, s3;
	s30 =	simm.s32 $0x10EE8  }
0x1b7: {  	[hbm4b:s29+s28] =	stream.linear.scatter [tilespmem:s30], [sflag:$0x3], $0x80, $0x38;
	[tilespmem:$0x12A00] =	vst v63  }
0x1b8: {  	s29 =	sadd.s32 $0x60, s3;
	s30 =	simm.s32 $0x10F70  }
0x1b9: {  	[hbm4b:s29+s28] =	stream.linear.scatter [tilespmem:s30], [sflag:$0x3], $0x80, $0x38;
	[tilespmem:$0x12A00] =	vst v63  }
0x1ba: {  	s3 =	sadd.s32 $0x70, s3;
	s29 =	simm.s32 $0x10FF8  }
0x1bb: {  	[hbm4b:s3+s28] =	stream.linear.scatter [tilespmem:s29], [sflag:$0x3], $0x80, $0x38;
	[tilespmem:$0x12A00] =	vst v63  }
0x1bc: {  	s3 =	sadd.s32 s0, s10;
	s29 =	simm.s32 $0x11080  }
0x1bd: {  	[hbm4b:s3+s28] =	stream.linear.scatter [tilespmem:s29], [sflag:$0x3], $0x80, $0x38;
	[tilespmem:$0x12A00] =	vst v63  }
0x1be: {  	s30 =	simm.s32 $0x11108;
	s29 =	sadd.s32 $0x10, s3  }
0x1bf: {  	[hbm4b:s29+s28] =	stream.linear.scatter [tilespmem:s30], [sflag:$0x3], $0x80, $0x38;
	[tilespmem:$0x12A00] =	vst v63  }
0x1c0: {  	s29 =	sadd.s32 $0x20, s3;
	s30 =	simm.s32 $0x11190  }
0x1c1: {  	[hbm4b:s29+s28] =	stream.linear.scatter [tilespmem:s30], [sflag:$0x3], $0x80, $0x38;
	[tilespmem:$0x12A00] =	vst v63  }
0x1c2: {  	s29 =	sadd.s32 $0x30, s3;
	s30 =	simm.s32 $0x11218  }
0x1c3: {  	[hbm4b:s29+s28] =	stream.linear.scatter [tilespmem:s30], [sflag:$0x3], $0x80, $0x38;
	[tilespmem:$0x12A00] =	vst v63  }
0x1c4: {  	s29 =	sadd.s32 $0x40, s3;
	s30 =	simm.s32 $0x112A0  }
0x1c5: {  	[hbm4b:s29+s28] =	stream.linear.scatter [tilespmem:s30], [sflag:$0x3], $0x80, $0x38;
	[tilespmem:$0x12A00] =	vst v63  }
0x1c6: {  	s29 =	sadd.s32 $0x50, s3;
	s30 =	simm.s32 $0x11328  }
0x1c7: {  	[hbm4b:s29+s28] =	stream.linear.scatter [tilespmem:s30], [sflag:$0x3], $0x80, $0x38;
	[tilespmem:$0x12A00] =	vst v63  }
0x1c8: {  	s29 =	sadd.s32 $0x60, s3;
	s30 =	simm.s32 $0x113B0  }
0x1c9: {  	[hbm4b:s29+s28] =	stream.linear.scatter [tilespmem:s30], [sflag:$0x3], $0x80, $0x38;
	[tilespmem:$0x12A00] =	vst v63  }
0x1ca: {  	s3 =	sadd.s32 $0x70, s3;
	s29 =	simm.s32 $0x11438  }
0x1cb: {  	[hbm4b:s3+s28] =	stream.linear.scatter [tilespmem:s29], [sflag:$0x3], $0x80, $0x38;
	[tilespmem:$0x12A00] =	vst v63  }
0x1cc: {  	s0 =	sadd.s32 s0, s11;
	s3 =	simm.s32 $0x114C0  }
0x1cd: {  	[hbm4b:s0+s28] =	stream.linear.scatter [tilespmem:s3], [sflag:$0x3], $0x80, $0x38;
	[tilespmem:$0x12A00] =	vst v63  }
0x1ce: {  	s29 =	simm.s32 $0x11548;
	s3 =	sadd.s32 $0x10, s0  }
0x1cf: {  	[hbm4b:s3+s28] =	stream.linear.scatter [tilespmem:s29], [sflag:$0x3], $0x80, $0x38;
	[tilespmem:$0x12A00] =	vst v63  }
0x1d0: {  	s3 =	sadd.s32 $0x20, s0;
	s29 =	simm.s32 $0x115D0  }
0x1d1: {  	[hbm4b:s3+s28] =	stream.linear.scatter [tilespmem:s29], [sflag:$0x3], $0x80, $0x38;
	[tilespmem:$0x12A00] =	vst v63  }
0x1d2: {  	s3 =	sadd.s32 $0x30, s0;
	s29 =	simm.s32 $0x11658  }
0x1d3: {  	[hbm4b:s3+s28] =	stream.linear.scatter [tilespmem:s29], [sflag:$0x3], $0x80, $0x38;
	[tilespmem:$0x12A00] =	vst v63  }
0x1d4: {  	s3 =	sadd.s32 $0x40, s0;
	s29 =	simm.s32 $0x116E0  }
0x1d5: {  	[hbm4b:s3+s28] =	stream.linear.scatter [tilespmem:s29], [sflag:$0x3], $0x80, $0x38;
	[tilespmem:$0x12A00] =	vst v63  }
0x1d6: {  	s3 =	sadd.s32 $0x50, s0;
	s29 =	simm.s32 $0x11768  }
0x1d7: {  	[hbm4b:s3+s28] =	stream.linear.scatter [tilespmem:s29], [sflag:$0x3], $0x80, $0x38;
	[tilespmem:$0x12A00] =	vst v63  }
0x1d8: {  	s3 =	sadd.s32 $0x60, s0;
	s29 =	simm.s32 $0x117F0  }
0x1d9: {  	[hbm4b:s3+s28] =	stream.linear.scatter [tilespmem:s29], [sflag:$0x3], $0x80, $0x38;
	[tilespmem:$0x12A00] =	vst v63  }
0x1da: {  	s0 =	sadd.s32 $0x70, s0;
	s3 =	simm.s32 $0x11878  }
0x1db: {  	[hbm4b:s0+s28] =	stream.linear.scatter [tilespmem:s3], [sflag:$0x3], $0x80, $0x38;
	[tilespmem:$0x12A00] =	vst v63  }
0x1dc: {  	_ =	swait.ge [sflag:s17], $0x400  }
0x1dd: {  	[sflag:s17] =	ssyncset.done $0x0  }
0x1de: {  	[sflag:s17] =	ssyncadd.s32 $0xFFFFFC00  }
0x1df: {  	_ =	swait.ge [sflag:s17], $0x400  }
0x1e0: {  	[sflag:s17] =	ssyncset.done $0x0  }
0x1e1: {  	[sflag:s17] =	ssyncadd.s32 $0xFFFFFC00  }
0x1e2: {  	_ =	swait.ge [sflag:s17], $0x400  }
0x1e3: {  	[sflag:s17] =	ssyncset.done $0x0  }
0x1e4: {  	[sflag:s17] =	ssyncadd.s32 $0xFFFFFC00  }
0x1e5: {  	_ =	swait.ge [sflag:s17], $0x400  }
0x1e6: {  	v2 =	vmov s28;
	[sflag:s17] =	ssyncset.done $0x0  }
0x1e7: {  	v2 =	vand.u32 $0x7C, v2;
	[sflag:s17] =	ssyncadd.s32 $0xFFFFFC00  }
0x1e8: {  	v4 =	vadd.s32 v0, v2;
	v3 =	vld [tilespmem:s22+$0xFFFFFF90]  }
0x1e9: {  	v2 =	vadd.s32 v1, v2;
	v5 =	vld [tilespmem:s22+$0xFFFFFFA0];
	_ =	sdelay $0x2  }
0x1ea: {  	s3 =	simm.s32 $0x1  }
0x1eb: {  	[tilespmem:v4+s20+$0x0] =	vst.idx.msk $0xffff, v3;
	v3 =	vmov s3  }
0x1ec: {  	[tilespmem:v2+s20+$0x0] =	vst.idx.msk $0xffff, v5;
	v2 =	vand.u32 $0x7D, v3  }
0x1ed: {  	v3 =	vld [tilespmem:s22+$0xFFFFFFB0];
	v4 =	vadd.s32 v0, v2  }
0x1ee: {  	v5 =	vld [tilespmem:s22+$0xFFFFFFC0];
	v2 =	vadd.s32 v1, v2;
	_ =	sdelay $0x2  }
0x1ef: {  	s3 =	simm.s32 $0x2  }
0x1f0: {  	[tilespmem:v4+s20+$0x0] =	vst.idx.msk $0xffff, v3;
	v3 =	vmov s3  }
0x1f1: {  	[tilespmem:v2+s20+$0x0] =	vst.idx.msk $0xffff, v5;
	v2 =	vand.u32 $0x7E, v3  }
0x1f2: {  	v3 =	vld [tilespmem:s22+$0xFFFFFFD0];
	v4 =	vadd.s32 v0, v2  }
0x1f3: {  	v5 =	vld [tilespmem:s22+$0xFFFFFFE0];
	v2 =	vadd.s32 v1, v2;
	_ =	sdelay $0x2  }
0x1f4: {  	s3 =	simm.s32 $0x3  }
0x1f5: {  	[tilespmem:v4+s20+$0x0] =	vst.idx.msk $0xffff, v3;
	v3 =	vmov s3  }
0x1f6: {  	[tilespmem:v2+s20+$0x0] =	vst.idx.msk $0xffff, v5;
	v3 =	vand.u32 $0x7F, v3  }
0x1f7: {  	v5 =	vld [tilespmem:s22+$0xFFFFFFF0];
	v6 =	vadd.s32 v0, v3;
	_ =	sdelay $0x1  }
0x1f8: {  	v2 =	vld [tilespmem:s22+$0x0];
	v3 =	vadd.s32 v1, v3;
	_ =	sdelay $0x1  }
0x1f9: {  	s29 =	simm.s32 $0x4  }
0x1fa: {  	s31 =	smov.u32 s22;
	s30 =	simm.s32 $0x8;
	s28 =	sshllo.u32 s25, $0x1;
	v4 =	vmov s29;
	[tilespmem:v6+s20+$0x0] =	vst.idx.msk $0xffff, v5  }
.LBB2_12:
0x1fb: {  	p0 =	sne.s32 s30, $0x7C  }
0x1fc: {  	v4 =	vand.u32 $0x7C, v4;
	[tilespmem:v3+s20+$0x0] =	vst.idx.msk $0xffff, v2;
	s31 =	sadd.s32 $0x80, s31;
	s0 =	smov.u32 s30;
	s30 =	sadd.s32 $0x4, s30  }
0x1fd: {  	v2 =	vld [tilespmem:s31+$0xFFFFFF90];
	v3 =	vadd.s32 v0, v4  }
0x1fe: {  	v4 =	vadd.s32 v1, v4;
	v5 =	vld [tilespmem:s31+$0xFFFFFFA0];
	_ =	sdelay $0x2  }
0x1ff: {  	s3 =	sadd.s32 $0x1, s29  }
0x200: {  	[tilespmem:v3+s20+$0x0] =	vst.idx.msk $0xffff, v2;
	v2 =	vmov s3  }
0x201: {  	[tilespmem:v4+s20+$0x0] =	vst.idx.msk $0xffff, v5;
	v2 =	vand.u32 $0x7D, v2  }
0x202: {  	v3 =	vld [tilespmem:s31+$0xFFFFFFB0];
	v4 =	vadd.s32 v0, v2  }
0x203: {  	v2 =	vadd.s32 v1, v2;
	v5 =	vld [tilespmem:s31+$0xFFFFFFC0];
	_ =	sdelay $0x2  }
0x204: {  	s3 =	sadd.s32 $0x2, s29  }
0x205: {  	[tilespmem:v4+s20+$0x0] =	vst.idx.msk $0xffff, v3;
	v3 =	vmov s3  }
0x206: {  	[tilespmem:v2+s20+$0x0] =	vst.idx.msk $0xffff, v5;
	v2 =	vand.u32 $0x7E, v3  }
0x207: {  	v3 =	vld [tilespmem:s31+$0xFFFFFFD0];
	v4 =	vadd.s32 v0, v2  }
0x208: {  	v2 =	vadd.s32 v1, v2;
	v5 =	vld [tilespmem:s31+$0xFFFFFFE0];
	_ =	sdelay $0x2  }
0x209: {  	s3 =	sadd.s32 $0x3, s29;
	s29 =	smov.u32 s0  }
0x20a: {  	[tilespmem:v4+s20+$0x0] =	vst.idx.msk $0xffff, v3;
	v3 =	vmov s3  }
0x20b: {  	[tilespmem:v2+s20+$0x0] =	vst.idx.msk $0xffff, v5;
	v3 =	vand.u32 $0x7F, v3  }
0x20c: {  	v5 =	vld [tilespmem:s31+$0xFFFFFFF0];
	v6 =	vadd.s32 v0, v3  }
.Ltmp4:
0x20d: {  	v3 =	vadd.s32 v1, v3;
	v2 =	vld [tilespmem:s31+$0x0];
	(pc) =	sbr.rel @p0 .LBB2_12-.Ltmp4, $2  }
0x20e: {  	_ =	sdelay $0x2  }
0x20f: {  	v4 =	vmov s29;
	[tilespmem:v6+s20+$0x0] =	vst.idx.msk $0xffff, v5  }
0x210: {  	_ =	sdelay $0x3  }
0x211: {  	v4 =	vand.u32 $0x7C, v4;
	[tilespmem:v3+s20+$0x0] =	vst.idx.msk $0xffff, v2;
	s0 =	sadd.s32 $0x80, s31  }
0x212: {  	v2 =	vld [tilespmem:s0+$0xFFFFFF90];
	v3 =	vadd.s32 v0, v4  }
0x213: {  	v5 =	vld [tilespmem:s0+$0xFFFFFFA0];
	v4 =	vadd.s32 v1, v4;
	_ =	sdelay $0x2  }
0x214: {  	s3 =	sadd.s32 $0x1, s29  }
0x215: {  	[tilespmem:v3+s20+$0x0] =	vst.idx.msk $0xffff, v2;
	v2 =	vmov s3  }
0x216: {  	[tilespmem:v4+s20+$0x0] =	vst.idx.msk $0xffff, v5;
	v2 =	vand.u32 $0x7D, v2  }
0x217: {  	v3 =	vld [tilespmem:s0+$0xFFFFFFB0];
	v61 =	vadd.s32 v0, v2  }
0x218: {  	v5 =	vld [tilespmem:s0+$0xFFFFFFC0];
	v2 =	vadd.s32 v1, v2;
	_ =	sdelay $0x2  }
0x219: {  	s30 =	sadd.s32 $0x2, s29  }
0x21a: {  	v6 =	vmov s30;
	[tilespmem:v61+s20+$0x0] =	vst.idx.msk $0xffff, v3  }
0x21b: {  	[tilespmem:v2+s20+$0x0] =	vst.idx.msk $0xffff, v5;
	v2 =	vand.u32 $0x7E, v6  }
0x21c: {  	v3 =	vld [tilespmem:s0+$0xFFFFFFD0];
	v62 =	vadd.s32 v0, v2  }
0x21d: {  	v5 =	vld [tilespmem:s0+$0xFFFFFFE0];
	v2 =	vadd.s32 v1, v2;
	_ =	sdelay $0x2  }
0x21e: {  	s31 =	sadd.s32 $0x3, s29  }
0x21f: {  	[tilespmem:v62+s20+$0x0] =	vst.idx.msk $0xffff, v3;
	v3 =	vmov s31  }
0x220: {  	[tilespmem:v2+s20+$0x0] =	vst.idx.msk $0xffff, v5;
	v2 =	vand.u32 $0x7F, v3  }
0x221: {  	v3 =	vld [tilespmem:s0+$0xFFFFFFF0];
	v63 =	vadd.s32 v0, v2  }
0x222: {  	v5 =	vld [tilespmem:s0+$0x0];
	v2 =	vadd.s32 v1, v2  }
0x223: {  	s29 =	sadd.s32 s6, s28  }
0x224: {  	s0 =	sshll.u32 s29, $0x11  }
0x225: {  	s0 =	sor.u32 s5, s0  }
0x226: {  	s0 =	sshrl.u32 s0, $0x3;
	[tilespmem:v63+s20+$0x0] =	vst.idx.msk $0xffff, v3  }
0x227: {  	s3 =	sadd.s32 s2, s0;
	[tilespmem:v2+s20+$0x0] =	vst.idx.msk $0xffff, v5  }
0x228: {  	[hbm4b:s3+s4] =	stream.linear.scatter [tilespmem:s20], [sflag:$0x4], $0x80, $0x38;
	[tilespmem:$0x12A00] =	vst v63  }
0x229: {  	s31 =	simm.s32 $0x11988;
	s30 =	sadd.s32 $0x10, s3  }
0x22a: {  	[hbm4b:s30+s4] =	stream.linear.scatter [tilespmem:s31], [sflag:$0x4], $0x80, $0x38;
	[tilespmem:$0x12A00] =	vst v63  }
0x22b: {  	s30 =	sadd.s32 $0x20, s3;
	s31 =	simm.s32 $0x11A10  }
0x22c: {  	[hbm4b:s30+s4] =	stream.linear.scatter [tilespmem:s31], [sflag:$0x4], $0x80, $0x38;
	[tilespmem:$0x12A00] =	vst v63  }
0x22d: {  	s30 =	sadd.s32 $0x30, s3;
	s31 =	simm.s32 $0x11A98  }
0x22e: {  	[hbm4b:s30+s4] =	stream.linear.scatter [tilespmem:s31], [sflag:$0x4], $0x80, $0x38;
	[tilespmem:$0x12A00] =	vst v63  }
0x22f: {  	s30 =	sadd.s32 $0x40, s3;
	s31 =	simm.s32 $0x11B20  }
0x230: {  	[hbm4b:s30+s4] =	stream.linear.scatter [tilespmem:s31], [sflag:$0x4], $0x80, $0x38;
	[tilespmem:$0x12A00] =	vst v63  }
0x231: {  	s30 =	sadd.s32 $0x50, s3;
	s31 =	simm.s32 $0x11BA8  }
0x232: {  	[hbm4b:s30+s4] =	stream.linear.scatter [tilespmem:s31], [sflag:$0x4], $0x80, $0x38;
	[tilespmem:$0x12A00] =	vst v63  }
0x233: {  	s30 =	sadd.s32 $0x60, s3;
	s31 =	simm.s32 $0x11C30  }
0x234: {  	[hbm4b:s30+s4] =	stream.linear.scatter [tilespmem:s31], [sflag:$0x4], $0x80, $0x38;
	[tilespmem:$0x12A00] =	vst v63  }
0x235: {  	s29 =	simm.s32 $0x11CB8;
	s3 =	sadd.s32 $0x70, s3  }
0x236: {  	[hbm4b:s3+s4] =	stream.linear.scatter [tilespmem:s29], [sflag:$0x4], $0x80, $0x38;
	[tilespmem:$0x12A00] =	vst v63  }
0x237: {  	s30 =	simm.s32 $0x11D40;
	s3 =	sadd.s32 s0, s9  }
0x238: {  	[hbm4b:s3+s4] =	stream.linear.scatter [tilespmem:s30], [sflag:$0x4], $0x80, $0x38;
	[tilespmem:$0x12A00] =	vst v63  }
0x239: {  	s31 =	sadd.s32 $0x10, s3;
	s30 =	simm.s32 $0x11DC8  }
0x23a: {  	[hbm4b:s31+s4] =	stream.linear.scatter [tilespmem:s30], [sflag:$0x4], $0x80, $0x38;
	[tilespmem:$0x12A00] =	vst v63  }
0x23b: {  	s31 =	sadd.s32 $0x20, s3;
	s30 =	simm.s32 $0x11E50  }
0x23c: {  	[hbm4b:s31+s4] =	stream.linear.scatter [tilespmem:s30], [sflag:$0x4], $0x80, $0x38;
	[tilespmem:$0x12A00] =	vst v63  }
0x23d: {  	s31 =	sadd.s32 $0x30, s3;
	s30 =	simm.s32 $0x11ED8  }
0x23e: {  	[hbm4b:s31+s4] =	stream.linear.scatter [tilespmem:s30], [sflag:$0x4], $0x80, $0x38;
	[tilespmem:$0x12A00] =	vst v63  }
0x23f: {  	s31 =	sadd.s32 $0x40, s3;
	s30 =	simm.s32 $0x11F60  }
0x240: {  	[hbm4b:s31+s4] =	stream.linear.scatter [tilespmem:s30], [sflag:$0x4], $0x80, $0x38;
	[tilespmem:$0x12A00] =	vst v63  }
0x241: {  	s31 =	sadd.s32 $0x50, s3;
	s30 =	simm.s32 $0x11FE8  }
0x242: {  	[hbm4b:s31+s4] =	stream.linear.scatter [tilespmem:s30], [sflag:$0x4], $0x80, $0x38;
	[tilespmem:$0x12A00] =	vst v63  }
0x243: {  	s31 =	sadd.s32 $0x60, s3;
	s30 =	simm.s32 $0x12070  }
0x244: {  	[hbm4b:s31+s4] =	stream.linear.scatter [tilespmem:s30], [sflag:$0x4], $0x80, $0x38;
	[tilespmem:$0x12A00] =	vst v63  }
0x245: {  	s3 =	sadd.s32 $0x70, s3;
	s31 =	simm.s32 $0x120F8  }
0x246: {  	[hbm4b:s3+s4] =	stream.linear.scatter [tilespmem:s31], [sflag:$0x4], $0x80, $0x38;
	[tilespmem:$0x12A00] =	vst v63  }
0x247: {  	s29 =	simm.s32 $0x12180;
	s3 =	sadd.s32 s0, s10  }
0x248: {  	[hbm4b:s3+s4] =	stream.linear.scatter [tilespmem:s29], [sflag:$0x4], $0x80, $0x38;
	[tilespmem:$0x12A00] =	vst v63  }
0x249: {  	s31 =	simm.s32 $0x12208;
	s30 =	sadd.s32 $0x10, s3  }
0x24a: {  	[hbm4b:s30+s4] =	stream.linear.scatter [tilespmem:s31], [sflag:$0x4], $0x80, $0x38;
	[tilespmem:$0x12A00] =	vst v63  }
0x24b: {  	s30 =	sadd.s32 $0x20, s3;
	s31 =	simm.s32 $0x12290  }
0x24c: {  	[hbm4b:s30+s4] =	stream.linear.scatter [tilespmem:s31], [sflag:$0x4], $0x80, $0x38;
	[tilespmem:$0x12A00] =	vst v63  }
0x24d: {  	s30 =	sadd.s32 $0x30, s3;
	s31 =	simm.s32 $0x12318  }
0x24e: {  	[hbm4b:s30+s4] =	stream.linear.scatter [tilespmem:s31], [sflag:$0x4], $0x80, $0x38;
	[tilespmem:$0x12A00] =	vst v63  }
0x24f: {  	s30 =	sadd.s32 $0x40, s3;
	s31 =	simm.s32 $0x123A0  }
0x250: {  	[hbm4b:s30+s4] =	stream.linear.scatter [tilespmem:s31], [sflag:$0x4], $0x80, $0x38;
	[tilespmem:$0x12A00] =	vst v63  }
0x251: {  	s30 =	sadd.s32 $0x50, s3;
	s31 =	simm.s32 $0x12428  }
0x252: {  	[hbm4b:s30+s4] =	stream.linear.scatter [tilespmem:s31], [sflag:$0x4], $0x80, $0x38;
	[tilespmem:$0x12A00] =	vst v63  }
0x253: {  	s30 =	sadd.s32 $0x60, s3;
	s31 =	simm.s32 $0x124B0  }
0x254: {  	[hbm4b:s30+s4] =	stream.linear.scatter [tilespmem:s31], [sflag:$0x4], $0x80, $0x38;
	[tilespmem:$0x12A00] =	vst v63  }
0x255: {  	s3 =	sadd.s32 $0x70, s3  }
0x256: {  	[hbm4b:s3+s4] =	stream.linear.scatter [tilespmem:s7], [sflag:$0x4], $0x80, $0x38;
	[tilespmem:$0x12A00] =	vst v63  }
0x257: {  	s0 =	sadd.s32 s0, s11  }
0x258: {  	[hbm4b:s0+s4] =	stream.linear.scatter [tilespmem:s24], [sflag:$0x4], $0x80, $0x38;
	[tilespmem:$0x12A00] =	vst v63  }
0x259: {  	s30 =	sadd.s32 $0x10, s0  }
0x25a: {  	[hbm4b:s30+s4] =	stream.linear.scatter [tilespmem:s23], [sflag:$0x4], $0x80, $0x38;
	[tilespmem:$0x12A00] =	vst v63  }
0x25b: {  	s31 =	sadd.s32 $0x20, s0  }
0x25c: {  	[hbm4b:s31+s4] =	stream.linear.scatter [tilespmem:s1], [sflag:$0x4], $0x80, $0x38;
	[tilespmem:$0x12A00] =	vst v63  }
0x25d: {  	s28 =	sadd.s32 $0x30, s0  }
0x25e: {  	[hbm4b:s28+s4] =	stream.linear.scatter [tilespmem:s8], [sflag:$0x4], $0x80, $0x38;
	[tilespmem:$0x12A00] =	vst v63  }
0x25f: {  	s25 =	sadd.s32 $0x1, s25;
	s29 =	sadd.s32 $0x40, s0  }
0x260: {  	[hbm4b:s29+s4] =	stream.linear.scatter [tilespmem:s12], [sflag:$0x4], $0x80, $0x38;
	[tilespmem:$0x12A00] =	vst v63  }
0x261: {  	p0 =	sne.s32 s25, $0x4;
	s30 =	sadd.s32 $0x50, s0  }
0x262: {  	[hbm4b:s30+s4] =	stream.linear.scatter [tilespmem:s13], [sflag:$0x4], $0x80, $0x38;
	[tilespmem:$0x12A00] =	vst v63  }
.Ltmp5:
0x263: {  	_ = 	snop;
	(pc) =	sbr.rel @p0 .LBB2_9-.Ltmp5, $4  }
0x264: {  	s31 =	sadd.s32 $0x60, s0  }
0x265: {  	[hbm4b:s31+s4] =	stream.linear.scatter [tilespmem:s14], [sflag:$0x4], $0x80, $0x38;
	[tilespmem:$0x12A00] =	vst v63  }
0x266: {  	s21 =	sadd.s32 $0x2000, s21;
	s22 =	sadd.s32 $0x2000, s22;
	s0 =	sadd.s32 $0x70, s0  }
0x267: {  	[hbm4b:s0+s4] =	stream.linear.scatter [tilespmem:s15], [sflag:$0x4], $0x80, $0x38;
	[tilespmem:$0x12A00] =	vst v63  }
0x268: {  	s18 =	sadd.s32 $0x1, s18  }
0x269: {  	p0 =	sne.s32 s18, $0xC  }
.Ltmp6:
0x26a: {  	_ = 	snop;
	(pc) =	sbr.rel @p0 .LBB2_2-.Ltmp6, $1  }
0x26b: {  	_ =	sdelay $0x3  }
0x26c: {  	s0 =	simm.s32 $0x1  }
0x26d: {  	s6 =	simm.s32 $0x0;
	s18 =	simm.s32 $0x840;
	_ =	swait.ge [sflag:s0], $0x8000  }
0x26e: {  	s19 =	simm.s32 $0x1870;
	[sflag:s0] =	ssyncset.done $0x0;
	s30 =	rddreg [dreg:$0x7]  }
0x26f: {  	s21 =	simm.s32 $0x0;
	s31 =	rddreg [dreg:$0x8];
	[sflag:s0] =	ssyncadd.s32 $0xFFFF8000  }
.LBB2_16:
0x270: {  	_ =	swait.ge [sflag:s16], $0x400  }
0x271: {  	[sflag:s16] =	ssyncset.done $0x0  }
0x272: {  	[sflag:s16] =	ssyncadd.s32 $0xFFFFFC00  }
0x273: {  	_ =	swait.ge [sflag:s16], $0x400  }
0x274: {  	[sflag:s16] =	ssyncset.done $0x0  }
0x275: {  	[sflag:s16] =	ssyncadd.s32 $0xFFFFFC00  }
0x276: {  	_ =	swait.ge [sflag:s16], $0x400  }
0x277: {  	[sflag:s16] =	ssyncset.done $0x0  }
0x278: {  	[sflag:s16] =	ssyncadd.s32 $0xFFFFFC00  }
0x279: {  	_ =	swait.ge [sflag:s16], $0x400  }
0x27a: {  	v2 =	vmov s6;
	[sflag:s16] =	ssyncset.done $0x0  }
0x27b: {  	v2 =	vand.u32 $0x7C, v2;
	[sflag:s16] =	ssyncadd.s32 $0xFFFFFC00  }
0x27c: {  	v4 =	vadd.s32 v0, v2;
	v3 =	vld [tilespmem:s18+$0xFFFFFFC0]  }
0x27d: {  	v2 =	vadd.s32 v1, v2;
	v5 =	vld [tilespmem:s18+$0xFFFFFFD0];
	_ =	sdelay $0x2  }
0x27e: {  	s0 =	simm.s32 $0x1  }
0x27f: {  	[tilespmem:v4+s26+$0x0] =	vst.idx.msk $0xffff, v3;
	v3 =	vmov s0  }
0x280: {  	[tilespmem:v2+s26+$0x0] =	vst.idx.msk $0xffff, v5;
	v2 =	vand.u32 $0x7D, v3  }
0x281: {  	v3 =	vld [tilespmem:s18+$0xFFFFFFE0];
	v4 =	vadd.s32 v0, v2  }
0x282: {  	v5 =	vld [tilespmem:s18+$0xFFFFFFF0];
	v2 =	vadd.s32 v1, v2;
	_ =	sdelay $0x2  }
0x283: {  	s25 =	simm.s32 $0x2  }
0x284: {  	[tilespmem:v4+s26+$0x0] =	vst.idx.msk $0xffff, v3;
	v3 =	vmov s25  }
0x285: {  	[tilespmem:v2+s26+$0x0] =	vst.idx.msk $0xffff, v5;
	v2 =	vand.u32 $0x7E, v3  }
0x286: {  	v3 =	vld [tilespmem:s18+$0x0];
	v4 =	vadd.s32 v0, v2  }
0x287: {  	v5 =	vld [tilespmem:s18+$0x10];
	v2 =	vadd.s32 v1, v2;
	_ =	sdelay $0x2  }
0x288: {  	s29 =	simm.s32 $0x3  }
0x289: {  	[tilespmem:v4+s26+$0x0] =	vst.idx.msk $0xffff, v3;
	v3 =	vmov s29  }
0x28a: {  	[tilespmem:v2+s26+$0x0] =	vst.idx.msk $0xffff, v5;
	v3 =	vand.u32 $0x7F, v3  }
0x28b: {  	v5 =	vld [tilespmem:s18+$0x20];
	v6 =	vadd.s32 v0, v3;
	_ =	sdelay $0x1  }
0x28c: {  	v2 =	vld [tilespmem:s18+$0x30];
	v3 =	vadd.s32 v1, v3;
	_ =	sdelay $0x1  }
0x28d: {  	s22 =	simm.s32 $0x4  }
0x28e: {  	s28 =	smov.u32 s18;
	s25 =	simm.s32 $0x8;
	v4 =	vmov s22;
	[tilespmem:v6+s26+$0x0] =	vst.idx.msk $0xffff, v5  }
.LBB2_17:
0x28f: {  	p0 =	sne.s32 s25, $0x7C  }
0x290: {  	v4 =	vand.u32 $0x7C, v4;
	[tilespmem:v3+s26+$0x0] =	vst.idx.msk $0xffff, v2;
	s28 =	sadd.s32 $0x80, s28;
	s0 =	smov.u32 s25;
	s25 =	sadd.s32 $0x4, s25  }
0x291: {  	v2 =	vld [tilespmem:s28+$0xFFFFFFC0];
	v3 =	vadd.s32 v0, v4  }
0x292: {  	v4 =	vadd.s32 v1, v4;
	v5 =	vld [tilespmem:s28+$0xFFFFFFD0];
	_ =	sdelay $0x2  }
0x293: {  	s3 =	sadd.s32 $0x1, s22  }
0x294: {  	[tilespmem:v3+s26+$0x0] =	vst.idx.msk $0xffff, v2;
	v2 =	vmov s3  }
0x295: {  	[tilespmem:v4+s26+$0x0] =	vst.idx.msk $0xffff, v5;
	v2 =	vand.u32 $0x7D, v2  }
0x296: {  	v3 =	vld [tilespmem:s28+$0xFFFFFFE0];
	v4 =	vadd.s32 v0, v2  }
0x297: {  	v2 =	vadd.s32 v1, v2;
	v5 =	vld [tilespmem:s28+$0xFFFFFFF0];
	_ =	sdelay $0x2  }
0x298: {  	s3 =	sadd.s32 $0x2, s22  }
0x299: {  	[tilespmem:v4+s26+$0x0] =	vst.idx.msk $0xffff, v3;
	v3 =	vmov s3  }
0x29a: {  	[tilespmem:v2+s26+$0x0] =	vst.idx.msk $0xffff, v5;
	v2 =	vand.u32 $0x7E, v3  }
0x29b: {  	v3 =	vld [tilespmem:s28+$0x0];
	v4 =	vadd.s32 v0, v2  }
0x29c: {  	v2 =	vadd.s32 v1, v2;
	v5 =	vld [tilespmem:s28+$0x10];
	_ =	sdelay $0x2  }
0x29d: {  	s3 =	sadd.s32 $0x3, s22;
	s22 =	smov.u32 s0  }
0x29e: {  	[tilespmem:v4+s26+$0x0] =	vst.idx.msk $0xffff, v3;
	v3 =	vmov s3  }
0x29f: {  	[tilespmem:v2+s26+$0x0] =	vst.idx.msk $0xffff, v5;
	v3 =	vand.u32 $0x7F, v3  }
0x2a0: {  	v5 =	vld [tilespmem:s28+$0x20];
	v6 =	vadd.s32 v0, v3  }
.Ltmp7:
0x2a1: {  	v3 =	vadd.s32 v1, v3;
	v2 =	vld [tilespmem:s28+$0x30];
	(pc) =	sbr.rel @p0 .LBB2_17-.Ltmp7, $2  }
0x2a2: {  	_ =	sdelay $0x2  }
0x2a3: {  	v4 =	vmov s22;
	[tilespmem:v6+s26+$0x0] =	vst.idx.msk $0xffff, v5  }
0x2a4: {  	_ =	sdelay $0x3  }
0x2a5: {  	v4 =	vand.u32 $0x7C, v4;
	[tilespmem:v3+s26+$0x0] =	vst.idx.msk $0xffff, v2;
	s0 =	sadd.s32 $0x80, s28  }
0x2a6: {  	v2 =	vld [tilespmem:s0+$0xFFFFFFC0];
	v3 =	vadd.s32 v0, v4  }
0x2a7: {  	v5 =	vld [tilespmem:s0+$0xFFFFFFD0];
	v4 =	vadd.s32 v1, v4;
	_ =	sdelay $0x2  }
0x2a8: {  	s3 =	sadd.s32 $0x1, s22  }
0x2a9: {  	[tilespmem:v3+s26+$0x0] =	vst.idx.msk $0xffff, v2;
	v2 =	vmov s3  }
0x2aa: {  	[tilespmem:v4+s26+$0x0] =	vst.idx.msk $0xffff, v5;
	v2 =	vand.u32 $0x7D, v2  }
0x2ab: {  	v3 =	vld [tilespmem:s0+$0xFFFFFFE0];
	v4 =	vadd.s32 v0, v2  }
0x2ac: {  	v5 =	vld [tilespmem:s0+$0xFFFFFFF0];
	v2 =	vadd.s32 v1, v2;
	_ =	sdelay $0x2  }
0x2ad: {  	s25 =	sadd.s32 $0x2, s22  }
0x2ae: {  	[tilespmem:v4+s26+$0x0] =	vst.idx.msk $0xffff, v3;
	v3 =	vmov s25  }
0x2af: {  	[tilespmem:v2+s26+$0x0] =	vst.idx.msk $0xffff, v5;
	v2 =	vand.u32 $0x7E, v3  }
0x2b0: {  	v3 =	vld [tilespmem:s0+$0x0];
	v4 =	vadd.s32 v0, v2  }
0x2b1: {  	v5 =	vld [tilespmem:s0+$0x10];
	v2 =	vadd.s32 v1, v2;
	_ =	sdelay $0x2  }
0x2b2: {  	s22 =	sadd.s32 $0x3, s22  }
0x2b3: {  	[tilespmem:v4+s26+$0x0] =	vst.idx.msk $0xffff, v3;
	v3 =	vmov s22  }
0x2b4: {  	[tilespmem:v2+s26+$0x0] =	vst.idx.msk $0xffff, v5;
	v2 =	vand.u32 $0x7F, v3  }
0x2b5: {  	v3 =	vld [tilespmem:s0+$0x20];
	v4 =	vadd.s32 v0, v2  }
0x2b6: {  	v5 =	vld [tilespmem:s0+$0x30];
	v2 =	vadd.s32 v1, v2;
	_ =	sdelay $0x1  }
0x2b7: {  	s25 =	sshll.u32 s21, $0x12  }
0x2b8: {  	s0 =	sor.u32 s5, s25  }
0x2b9: {  	s22 =	sshrl.u32 s0, $0x3;
	[tilespmem:v4+s26+$0x0] =	vst.idx.msk $0xffff, v3  }
0x2ba: {  	s25 =	simm.s32 $0x0;
	s0 =	sadd.s32 s22, s30;
	[tilespmem:v2+s26+$0x0] =	vst.idx.msk $0xffff, v5  }
0x2bb: {  	[hbm4b:s0+s25] =	stream.linear.scatter [tilespmem:s26], [sflag:$0x3], $0x80, $0x38;
	[tilespmem:$0x12A00] =	vst v63  }
0x2bc: {  	s28 =	simm.s32 $0x10888;
	s3 =	sadd.s32 $0x10, s0  }
0x2bd: {  	[hbm4b:s3+s25] =	stream.linear.scatter [tilespmem:s28], [sflag:$0x3], $0x80, $0x38;
	[tilespmem:$0x12A00] =	vst v63  }
0x2be: {  	s3 =	sadd.s32 $0x20, s0;
	s28 =	simm.s32 $0x10910  }
0x2bf: {  	[hbm4b:s3+s25] =	stream.linear.scatter [tilespmem:s28], [sflag:$0x3], $0x80, $0x38;
	[tilespmem:$0x12A00] =	vst v63  }
0x2c0: {  	s3 =	sadd.s32 $0x30, s0;
	s28 =	simm.s32 $0x10998  }
0x2c1: {  	[hbm4b:s3+s25] =	stream.linear.scatter [tilespmem:s28], [sflag:$0x3], $0x80, $0x38;
	[tilespmem:$0x12A00] =	vst v63  }
0x2c2: {  	s3 =	sadd.s32 $0x40, s0;
	s28 =	simm.s32 $0x10A20  }
0x2c3: {  	[hbm4b:s3+s25] =	stream.linear.scatter [tilespmem:s28], [sflag:$0x3], $0x80, $0x38;
	[tilespmem:$0x12A00] =	vst v63  }
0x2c4: {  	s3 =	sadd.s32 $0x50, s0;
	s28 =	simm.s32 $0x10AA8  }
0x2c5: {  	[hbm4b:s3+s25] =	stream.linear.scatter [tilespmem:s28], [sflag:$0x3], $0x80, $0x38;
	[tilespmem:$0x12A00] =	vst v63  }
0x2c6: {  	s3 =	sadd.s32 $0x60, s0;
	s28 =	simm.s32 $0x10B30  }
0x2c7: {  	[hbm4b:s3+s25] =	stream.linear.scatter [tilespmem:s28], [sflag:$0x3], $0x80, $0x38;
	[tilespmem:$0x12A00] =	vst v63  }
0x2c8: {  	s0 =	sadd.s32 $0x70, s0;
	s3 =	simm.s32 $0x10BB8  }
0x2c9: {  	[hbm4b:s0+s25] =	stream.linear.scatter [tilespmem:s3], [sflag:$0x3], $0x80, $0x38;
	[tilespmem:$0x12A00] =	vst v63  }
0x2ca: {  	s0 =	sadd.s32 s22, s31;
	s3 =	simm.s32 $0x10C40  }
0x2cb: {  	[hbm4b:s0+s25] =	stream.linear.scatter [tilespmem:s3], [sflag:$0x3], $0x80, $0x38;
	[tilespmem:$0x12A00] =	vst v63  }
0x2cc: {  	s28 =	simm.s32 $0x10CC8;
	s3 =	sadd.s32 $0x10, s0  }
0x2cd: {  	[hbm4b:s3+s25] =	stream.linear.scatter [tilespmem:s28], [sflag:$0x3], $0x80, $0x38;
	[tilespmem:$0x12A00] =	vst v63  }
0x2ce: {  	s3 =	sadd.s32 $0x20, s0;
	s28 =	simm.s32 $0x10D50  }
0x2cf: {  	[hbm4b:s3+s25] =	stream.linear.scatter [tilespmem:s28], [sflag:$0x3], $0x80, $0x38;
	[tilespmem:$0x12A00] =	vst v63  }
0x2d0: {  	s3 =	sadd.s32 $0x30, s0;
	s28 =	simm.s32 $0x10DD8  }
0x2d1: {  	[hbm4b:s3+s25] =	stream.linear.scatter [tilespmem:s28], [sflag:$0x3], $0x80, $0x38;
	[tilespmem:$0x12A00] =	vst v63  }
0x2d2: {  	s3 =	sadd.s32 $0x40, s0;
	s28 =	simm.s32 $0x10E60  }
0x2d3: {  	[hbm4b:s3+s25] =	stream.linear.scatter [tilespmem:s28], [sflag:$0x3], $0x80, $0x38;
	[tilespmem:$0x12A00] =	vst v63  }
0x2d4: {  	s3 =	sadd.s32 $0x50, s0;
	s28 =	simm.s32 $0x10EE8  }
0x2d5: {  	[hbm4b:s3+s25] =	stream.linear.scatter [tilespmem:s28], [sflag:$0x3], $0x80, $0x38;
	[tilespmem:$0x12A00] =	vst v63  }
0x2d6: {  	s3 =	sadd.s32 $0x60, s0;
	s28 =	simm.s32 $0x10F70  }
0x2d7: {  	[hbm4b:s3+s25] =	stream.linear.scatter [tilespmem:s28], [sflag:$0x3], $0x80, $0x38;
	[tilespmem:$0x12A00] =	vst v63  }
0x2d8: {  	s0 =	sadd.s32 $0x70, s0;
	s3 =	simm.s32 $0x10FF8  }
0x2d9: {  	[hbm4b:s0+s25] =	stream.linear.scatter [tilespmem:s3], [sflag:$0x3], $0x80, $0x38;
	[tilespmem:$0x12A00] =	vst v63  }
0x2da: {  	s3 =	rddreg [dreg:$0x9]  }
0x2db: {  	s0 =	sadd.s32 s22, s3;
	s3 =	simm.s32 $0x11080  }
0x2dc: {  	[hbm4b:s0+s25] =	stream.linear.scatter [tilespmem:s3], [sflag:$0x3], $0x80, $0x38;
	[tilespmem:$0x12A00] =	vst v63  }
0x2dd: {  	s28 =	simm.s32 $0x11108;
	s3 =	sadd.s32 $0x10, s0  }
0x2de: {  	[hbm4b:s3+s25] =	stream.linear.scatter [tilespmem:s28], [sflag:$0x3], $0x80, $0x38;
	[tilespmem:$0x12A00] =	vst v63  }
0x2df: {  	s3 =	sadd.s32 $0x20, s0;
	s28 =	simm.s32 $0x11190  }
0x2e0: {  	[hbm4b:s3+s25] =	stream.linear.scatter [tilespmem:s28], [sflag:$0x3], $0x80, $0x38;
	[tilespmem:$0x12A00] =	vst v63  }
0x2e1: {  	s3 =	sadd.s32 $0x30, s0;
	s28 =	simm.s32 $0x11218  }
0x2e2: {  	[hbm4b:s3+s25] =	stream.linear.scatter [tilespmem:s28], [sflag:$0x3], $0x80, $0x38;
	[tilespmem:$0x12A00] =	vst v63  }
0x2e3: {  	s3 =	sadd.s32 $0x40, s0;
	s28 =	simm.s32 $0x112A0  }
0x2e4: {  	[hbm4b:s3+s25] =	stream.linear.scatter [tilespmem:s28], [sflag:$0x3], $0x80, $0x38;
	[tilespmem:$0x12A00] =	vst v63  }
0x2e5: {  	s3 =	sadd.s32 $0x50, s0;
	s28 =	simm.s32 $0x11328  }
0x2e6: {  	[hbm4b:s3+s25] =	stream.linear.scatter [tilespmem:s28], [sflag:$0x3], $0x80, $0x38;
	[tilespmem:$0x12A00] =	vst v63  }
0x2e7: {  	s3 =	sadd.s32 $0x60, s0;
	s28 =	simm.s32 $0x113B0  }
0x2e8: {  	[hbm4b:s3+s25] =	stream.linear.scatter [tilespmem:s28], [sflag:$0x3], $0x80, $0x38;
	[tilespmem:$0x12A00] =	vst v63  }
0x2e9: {  	s0 =	sadd.s32 $0x70, s0;
	s3 =	simm.s32 $0x11438  }
0x2ea: {  	[hbm4b:s0+s25] =	stream.linear.scatter [tilespmem:s3], [sflag:$0x3], $0x80, $0x38;
	[tilespmem:$0x12A00] =	vst v63  }
0x2eb: {  	s3 =	rddreg [dreg:$0xa]  }
0x2ec: {  	s0 =	sadd.s32 s22, s3;
	s3 =	simm.s32 $0x114C0  }
0x2ed: {  	[hbm4b:s0+s25] =	stream.linear.scatter [tilespmem:s3], [sflag:$0x3], $0x80, $0x38;
	[tilespmem:$0x12A00] =	vst v63  }
0x2ee: {  	s28 =	simm.s32 $0x11548;
	s3 =	sadd.s32 $0x10, s0  }
0x2ef: {  	[hbm4b:s3+s25] =	stream.linear.scatter [tilespmem:s28], [sflag:$0x3], $0x80, $0x38;
	[tilespmem:$0x12A00] =	vst v63  }
0x2f0: {  	s3 =	sadd.s32 $0x20, s0;
	s28 =	simm.s32 $0x115D0  }
0x2f1: {  	[hbm4b:s3+s25] =	stream.linear.scatter [tilespmem:s28], [sflag:$0x3], $0x80, $0x38;
	[tilespmem:$0x12A00] =	vst v63  }
0x2f2: {  	s3 =	sadd.s32 $0x30, s0;
	s28 =	simm.s32 $0x11658  }
0x2f3: {  	[hbm4b:s3+s25] =	stream.linear.scatter [tilespmem:s28], [sflag:$0x3], $0x80, $0x38;
	[tilespmem:$0x12A00] =	vst v63  }
0x2f4: {  	s3 =	sadd.s32 $0x40, s0;
	s28 =	simm.s32 $0x116E0  }
0x2f5: {  	[hbm4b:s3+s25] =	stream.linear.scatter [tilespmem:s28], [sflag:$0x3], $0x80, $0x38;
	[tilespmem:$0x12A00] =	vst v63  }
0x2f6: {  	s3 =	sadd.s32 $0x50, s0;
	s28 =	simm.s32 $0x11768  }
0x2f7: {  	[hbm4b:s3+s25] =	stream.linear.scatter [tilespmem:s28], [sflag:$0x3], $0x80, $0x38;
	[tilespmem:$0x12A00] =	vst v63  }
0x2f8: {  	s3 =	sadd.s32 $0x60, s0;
	s28 =	simm.s32 $0x117F0  }
0x2f9: {  	[hbm4b:s3+s25] =	stream.linear.scatter [tilespmem:s28], [sflag:$0x3], $0x80, $0x38;
	[tilespmem:$0x12A00] =	vst v63  }
0x2fa: {  	s0 =	sadd.s32 $0x70, s0;
	s3 =	simm.s32 $0x11878  }
0x2fb: {  	[hbm4b:s0+s25] =	stream.linear.scatter [tilespmem:s3], [sflag:$0x3], $0x80, $0x38;
	[tilespmem:$0x12A00] =	vst v63  }
0x2fc: {  	_ =	swait.ge [sflag:s17], $0x400  }
0x2fd: {  	[sflag:s17] =	ssyncset.done $0x0  }
0x2fe: {  	[sflag:s17] =	ssyncadd.s32 $0xFFFFFC00  }
0x2ff: {  	_ =	swait.ge [sflag:s17], $0x400  }
0x300: {  	[sflag:s17] =	ssyncset.done $0x0  }
0x301: {  	[sflag:s17] =	ssyncadd.s32 $0xFFFFFC00  }
0x302: {  	_ =	swait.ge [sflag:s17], $0x400  }
0x303: {  	[sflag:s17] =	ssyncset.done $0x0  }
0x304: {  	[sflag:s17] =	ssyncadd.s32 $0xFFFFFC00  }
0x305: {  	_ =	swait.ge [sflag:s17], $0x400  }
0x306: {  	v2 =	vmov s25;
	[sflag:s17] =	ssyncset.done $0x0  }
0x307: {  	v2 =	vand.u32 $0x7C, v2;
	[sflag:s17] =	ssyncadd.s32 $0xFFFFFC00  }
0x308: {  	v4 =	vadd.s32 v0, v2;
	v3 =	vld [tilespmem:s19+$0xFFFFFF90]  }
0x309: {  	v2 =	vadd.s32 v1, v2;
	v5 =	vld [tilespmem:s19+$0xFFFFFFA0];
	_ =	sdelay $0x2  }
0x30a: {  	s25 =	simm.s32 $0x1  }
0x30b: {  	[tilespmem:v4+s20+$0x0] =	vst.idx.msk $0xffff, v3;
	v3 =	vmov s25  }
0x30c: {  	[tilespmem:v2+s20+$0x0] =	vst.idx.msk $0xffff, v5;
	v2 =	vand.u32 $0x7D, v3  }
0x30d: {  	v3 =	vld [tilespmem:s19+$0xFFFFFFB0];
	v4 =	vadd.s32 v0, v2  }
0x30e: {  	v5 =	vld [tilespmem:s19+$0xFFFFFFC0];
	v2 =	vadd.s32 v1, v2;
	_ =	sdelay $0x2  }
0x30f: {  	s3 =	simm.s32 $0x2  }
0x310: {  	[tilespmem:v4+s20+$0x0] =	vst.idx.msk $0xffff, v3;
	v3 =	vmov s3  }
0x311: {  	[tilespmem:v2+s20+$0x0] =	vst.idx.msk $0xffff, v5;
	v2 =	vand.u32 $0x7E, v3  }
0x312: {  	v3 =	vld [tilespmem:s19+$0xFFFFFFD0];
	v4 =	vadd.s32 v0, v2  }
0x313: {  	v5 =	vld [tilespmem:s19+$0xFFFFFFE0];
	v2 =	vadd.s32 v1, v2;
	_ =	sdelay $0x2  }
0x314: {  	s25 =	simm.s32 $0x3  }
0x315: {  	[tilespmem:v4+s20+$0x0] =	vst.idx.msk $0xffff, v3;
	v3 =	vmov s25  }
0x316: {  	[tilespmem:v2+s20+$0x0] =	vst.idx.msk $0xffff, v5;
	v3 =	vand.u32 $0x7F, v3  }
0x317: {  	v5 =	vld [tilespmem:s19+$0xFFFFFFF0];
	v6 =	vadd.s32 v0, v3;
	_ =	sdelay $0x1  }
0x318: {  	v2 =	vld [tilespmem:s19+$0x0];
	v3 =	vadd.s32 v1, v3;
	_ =	sdelay $0x1  }
0x319: {  	s25 =	simm.s32 $0x4  }
0x31a: {  	s29 =	smov.u32 s19;
	s28 =	simm.s32 $0x8;
	v4 =	vmov s25;
	[tilespmem:v6+s20+$0x0] =	vst.idx.msk $0xffff, v5  }
.LBB2_19:
0x31b: {  	p0 =	sne.s32 s28, $0x7C  }
0x31c: {  	v4 =	vand.u32 $0x7C, v4;
	[tilespmem:v3+s20+$0x0] =	vst.idx.msk $0xffff, v2;
	s29 =	sadd.s32 $0x80, s29;
	s0 =	smov.u32 s28;
	s28 =	sadd.s32 $0x4, s28  }
0x31d: {  	v2 =	vld [tilespmem:s29+$0xFFFFFF90];
	v3 =	vadd.s32 v0, v4  }
0x31e: {  	v4 =	vadd.s32 v1, v4;
	v5 =	vld [tilespmem:s29+$0xFFFFFFA0];
	_ =	sdelay $0x2  }
0x31f: {  	s3 =	sadd.s32 $0x1, s25  }
0x320: {  	[tilespmem:v3+s20+$0x0] =	vst.idx.msk $0xffff, v2;
	v2 =	vmov s3  }
0x321: {  	[tilespmem:v4+s20+$0x0] =	vst.idx.msk $0xffff, v5;
	v2 =	vand.u32 $0x7D, v2  }
0x322: {  	v3 =	vld [tilespmem:s29+$0xFFFFFFB0];
	v4 =	vadd.s32 v0, v2  }
0x323: {  	v2 =	vadd.s32 v1, v2;
	v5 =	vld [tilespmem:s29+$0xFFFFFFC0];
	_ =	sdelay $0x2  }
0x324: {  	s3 =	sadd.s32 $0x2, s25  }
0x325: {  	[tilespmem:v4+s20+$0x0] =	vst.idx.msk $0xffff, v3;
	v3 =	vmov s3  }
0x326: {  	[tilespmem:v2+s20+$0x0] =	vst.idx.msk $0xffff, v5;
	v2 =	vand.u32 $0x7E, v3  }
0x327: {  	v3 =	vld [tilespmem:s29+$0xFFFFFFD0];
	v4 =	vadd.s32 v0, v2  }
0x328: {  	v2 =	vadd.s32 v1, v2;
	v5 =	vld [tilespmem:s29+$0xFFFFFFE0];
	_ =	sdelay $0x2  }
0x329: {  	s3 =	sadd.s32 $0x3, s25;
	s25 =	smov.u32 s0  }
0x32a: {  	[tilespmem:v4+s20+$0x0] =	vst.idx.msk $0xffff, v3;
	v3 =	vmov s3  }
0x32b: {  	[tilespmem:v2+s20+$0x0] =	vst.idx.msk $0xffff, v5;
	v3 =	vand.u32 $0x7F, v3  }
0x32c: {  	v5 =	vld [tilespmem:s29+$0xFFFFFFF0];
	v6 =	vadd.s32 v0, v3  }
.Ltmp8:
0x32d: {  	v3 =	vadd.s32 v1, v3;
	v2 =	vld [tilespmem:s29+$0x0];
	(pc) =	sbr.rel @p0 .LBB2_19-.Ltmp8, $2  }
0x32e: {  	_ =	sdelay $0x2  }
0x32f: {  	v4 =	vmov s25;
	[tilespmem:v6+s20+$0x0] =	vst.idx.msk $0xffff, v5  }
0x330: {  	_ =	sdelay $0x3  }
0x331: {  	v4 =	vand.u32 $0x7C, v4;
	[tilespmem:v3+s20+$0x0] =	vst.idx.msk $0xffff, v2;
	s0 =	sadd.s32 $0x80, s29  }
0x332: {  	v2 =	vld [tilespmem:s0+$0xFFFFFF90];
	v3 =	vadd.s32 v0, v4  }
0x333: {  	v5 =	vld [tilespmem:s0+$0xFFFFFFA0];
	v4 =	vadd.s32 v1, v4;
	_ =	sdelay $0x2  }
0x334: {  	s3 =	sadd.s32 $0x1, s25  }
0x335: {  	[tilespmem:v3+s20+$0x0] =	vst.idx.msk $0xffff, v2;
	v2 =	vmov s3  }
0x336: {  	[tilespmem:v4+s20+$0x0] =	vst.idx.msk $0xffff, v5;
	v2 =	vand.u32 $0x7D, v2  }
0x337: {  	v3 =	vld [tilespmem:s0+$0xFFFFFFB0];
	v61 =	vadd.s32 v0, v2  }
0x338: {  	v5 =	vld [tilespmem:s0+$0xFFFFFFC0];
	v2 =	vadd.s32 v1, v2;
	_ =	sdelay $0x2  }
0x339: {  	s28 =	sadd.s32 $0x2, s25  }
0x33a: {  	v6 =	vmov s28;
	[tilespmem:v61+s20+$0x0] =	vst.idx.msk $0xffff, v3  }
0x33b: {  	[tilespmem:v2+s20+$0x0] =	vst.idx.msk $0xffff, v5;
	v2 =	vand.u32 $0x7E, v6  }
0x33c: {  	v3 =	vld [tilespmem:s0+$0xFFFFFFD0];
	v62 =	vadd.s32 v0, v2  }
0x33d: {  	v5 =	vld [tilespmem:s0+$0xFFFFFFE0];
	v2 =	vadd.s32 v1, v2;
	_ =	sdelay $0x2  }
0x33e: {  	s29 =	sadd.s32 $0x3, s25  }
0x33f: {  	[tilespmem:v62+s20+$0x0] =	vst.idx.msk $0xffff, v3;
	v3 =	vmov s29  }
0x340: {  	[tilespmem:v2+s20+$0x0] =	vst.idx.msk $0xffff, v5;
	v2 =	vand.u32 $0x7F, v3  }
0x341: {  	v3 =	vld [tilespmem:s0+$0xFFFFFFF0];
	v63 =	vadd.s32 v0, v2  }
0x342: {  	v5 =	vld [tilespmem:s0+$0x0];
	v2 =	vadd.s32 v1, v2;
	_ =	sdelay $0x3  }
0x343: {  	s25 =	rddreg [dreg:$0xb];
	[tilespmem:v63+s20+$0x0] =	vst.idx.msk $0xffff, v3  }
0x344: {  	s0 =	sadd.s32 s22, s25;
	[tilespmem:v2+s20+$0x0] =	vst.idx.msk $0xffff, v5  }
0x345: {  	[hbm4b:s0+s4] =	stream.linear.scatter [tilespmem:s20], [sflag:$0x4], $0x80, $0x38;
	[tilespmem:$0x12A00] =	vst v63  }
0x346: {  	s29 =	simm.s32 $0x11988;
	s28 =	sadd.s32 $0x10, s0  }
0x347: {  	[hbm4b:s28+s4] =	stream.linear.scatter [tilespmem:s29], [sflag:$0x4], $0x80, $0x38;
	[tilespmem:$0x12A00] =	vst v63  }
0x348: {  	s28 =	sadd.s32 $0x20, s0;
	s29 =	simm.s32 $0x11A10  }
0x349: {  	[hbm4b:s28+s4] =	stream.linear.scatter [tilespmem:s29], [sflag:$0x4], $0x80, $0x38;
	[tilespmem:$0x12A00] =	vst v63  }
0x34a: {  	s28 =	sadd.s32 $0x30, s0;
	s29 =	simm.s32 $0x11A98  }
0x34b: {  	[hbm4b:s28+s4] =	stream.linear.scatter [tilespmem:s29], [sflag:$0x4], $0x80, $0x38;
	[tilespmem:$0x12A00] =	vst v63  }
0x34c: {  	s28 =	sadd.s32 $0x40, s0;
	s29 =	simm.s32 $0x11B20  }
0x34d: {  	[hbm4b:s28+s4] =	stream.linear.scatter [tilespmem:s29], [sflag:$0x4], $0x80, $0x38;
	[tilespmem:$0x12A00] =	vst v63  }
0x34e: {  	s28 =	sadd.s32 $0x50, s0;
	s29 =	simm.s32 $0x11BA8  }
0x34f: {  	[hbm4b:s28+s4] =	stream.linear.scatter [tilespmem:s29], [sflag:$0x4], $0x80, $0x38;
	[tilespmem:$0x12A00] =	vst v63  }
0x350: {  	s25 =	sadd.s32 $0x60, s0;
	s28 =	simm.s32 $0x11C30  }
0x351: {  	[hbm4b:s25+s4] =	stream.linear.scatter [tilespmem:s28], [sflag:$0x4], $0x80, $0x38;
	[tilespmem:$0x12A00] =	vst v63  }
0x352: {  	s3 =	rddreg [dreg:$0xc];
	s0 =	sadd.s32 $0x70, s0;
	s29 =	simm.s32 $0x11CB8  }
0x353: {  	[hbm4b:s0+s4] =	stream.linear.scatter [tilespmem:s29], [sflag:$0x4], $0x80, $0x38;
	[tilespmem:$0x12A00] =	vst v63  }
0x354: {  	s25 =	simm.s32 $0x11D40;
	s0 =	sadd.s32 s22, s3  }
0x355: {  	[hbm4b:s0+s4] =	stream.linear.scatter [tilespmem:s25], [sflag:$0x4], $0x80, $0x38;
	[tilespmem:$0x12A00] =	vst v63  }
0x356: {  	s29 =	simm.s32 $0x11DC8;
	s28 =	sadd.s32 $0x10, s0  }
0x357: {  	[hbm4b:s28+s4] =	stream.linear.scatter [tilespmem:s29], [sflag:$0x4], $0x80, $0x38;
	[tilespmem:$0x12A00] =	vst v63  }
0x358: {  	s28 =	sadd.s32 $0x20, s0;
	s29 =	simm.s32 $0x11E50  }
0x359: {  	[hbm4b:s28+s4] =	stream.linear.scatter [tilespmem:s29], [sflag:$0x4], $0x80, $0x38;
	[tilespmem:$0x12A00] =	vst v63  }
0x35a: {  	s28 =	sadd.s32 $0x30, s0;
	s29 =	simm.s32 $0x11ED8  }
0x35b: {  	[hbm4b:s28+s4] =	stream.linear.scatter [tilespmem:s29], [sflag:$0x4], $0x80, $0x38;
	[tilespmem:$0x12A00] =	vst v63  }
0x35c: {  	s28 =	sadd.s32 $0x40, s0;
	s29 =	simm.s32 $0x11F60  }
0x35d: {  	[hbm4b:s28+s4] =	stream.linear.scatter [tilespmem:s29], [sflag:$0x4], $0x80, $0x38;
	[tilespmem:$0x12A00] =	vst v63  }
0x35e: {  	s28 =	sadd.s32 $0x50, s0;
	s29 =	simm.s32 $0x11FE8  }
0x35f: {  	[hbm4b:s28+s4] =	stream.linear.scatter [tilespmem:s29], [sflag:$0x4], $0x80, $0x38;
	[tilespmem:$0x12A00] =	vst v63  }
0x360: {  	s25 =	sadd.s32 $0x60, s0;
	s28 =	simm.s32 $0x12070  }
0x361: {  	[hbm4b:s25+s4] =	stream.linear.scatter [tilespmem:s28], [sflag:$0x4], $0x80, $0x38;
	[tilespmem:$0x12A00] =	vst v63  }
0x362: {  	s3 =	rddreg [dreg:$0xd];
	s0 =	sadd.s32 $0x70, s0;
	s29 =	simm.s32 $0x120F8  }
0x363: {  	[hbm4b:s0+s4] =	stream.linear.scatter [tilespmem:s29], [sflag:$0x4], $0x80, $0x38;
	[tilespmem:$0x12A00] =	vst v63  }
0x364: {  	s25 =	simm.s32 $0x12180;
	s0 =	sadd.s32 s22, s3  }
0x365: {  	[hbm4b:s0+s4] =	stream.linear.scatter [tilespmem:s25], [sflag:$0x4], $0x80, $0x38;
	[tilespmem:$0x12A00] =	vst v63  }
0x366: {  	s29 =	simm.s32 $0x12208;
	s28 =	sadd.s32 $0x10, s0  }
0x367: {  	[hbm4b:s28+s4] =	stream.linear.scatter [tilespmem:s29], [sflag:$0x4], $0x80, $0x38;
	[tilespmem:$0x12A00] =	vst v63  }
0x368: {  	s28 =	sadd.s32 $0x20, s0;
	s29 =	simm.s32 $0x12290  }
0x369: {  	[hbm4b:s28+s4] =	stream.linear.scatter [tilespmem:s29], [sflag:$0x4], $0x80, $0x38;
	[tilespmem:$0x12A00] =	vst v63  }
0x36a: {  	s28 =	sadd.s32 $0x30, s0;
	s29 =	simm.s32 $0x12318  }
0x36b: {  	[hbm4b:s28+s4] =	stream.linear.scatter [tilespmem:s29], [sflag:$0x4], $0x80, $0x38;
	[tilespmem:$0x12A00] =	vst v63  }
0x36c: {  	s28 =	sadd.s32 $0x40, s0;
	s29 =	simm.s32 $0x123A0  }
0x36d: {  	[hbm4b:s28+s4] =	stream.linear.scatter [tilespmem:s29], [sflag:$0x4], $0x80, $0x38;
	[tilespmem:$0x12A00] =	vst v63  }
0x36e: {  	s28 =	sadd.s32 $0x50, s0;
	s29 =	simm.s32 $0x12428  }
0x36f: {  	[hbm4b:s28+s4] =	stream.linear.scatter [tilespmem:s29], [sflag:$0x4], $0x80, $0x38;
	[tilespmem:$0x12A00] =	vst v63  }
0x370: {  	s28 =	sadd.s32 $0x60, s0;
	s29 =	simm.s32 $0x124B0  }
0x371: {  	[hbm4b:s28+s4] =	stream.linear.scatter [tilespmem:s29], [sflag:$0x4], $0x80, $0x38;
	[tilespmem:$0x12A00] =	vst v63  }
0x372: {  	s25 =	rddreg [dreg:$0xe];
	s0 =	sadd.s32 $0x70, s0  }
0x373: {  	[hbm4b:s0+s4] =	stream.linear.scatter [tilespmem:s7], [sflag:$0x4], $0x80, $0x38;
	[tilespmem:$0x12A00] =	vst v63  }
0x374: {  	s0 =	sadd.s32 s22, s25  }
0x375: {  	[hbm4b:s0+s4] =	stream.linear.scatter [tilespmem:s24], [sflag:$0x4], $0x80, $0x38;
	[tilespmem:$0x12A00] =	vst v63  }
0x376: {  	s28 =	sadd.s32 $0x10, s0  }
0x377: {  	[hbm4b:s28+s4] =	stream.linear.scatter [tilespmem:s23], [sflag:$0x4], $0x80, $0x38;
	[tilespmem:$0x12A00] =	vst v63  }
0x378: {  	s29 =	sadd.s32 $0x20, s0  }
0x379: {  	[hbm4b:s29+s4] =	stream.linear.scatter [tilespmem:s1], [sflag:$0x4], $0x80, $0x38;
	[tilespmem:$0x12A00] =	vst v63  }
0x37a: {  	s22 =	sadd.s32 $0x30, s0  }
0x37b: {  	[hbm4b:s22+s4] =	stream.linear.scatter [tilespmem:s8], [sflag:$0x4], $0x80, $0x38;
	[tilespmem:$0x12A00] =	vst v63  }
0x37c: {  	s21 =	sadd.s32 $0x1, s21;
	s25 =	sadd.s32 $0x40, s0  }
0x37d: {  	[hbm4b:s25+s4] =	stream.linear.scatter [tilespmem:s12], [sflag:$0x4], $0x80, $0x38;
	[tilespmem:$0x12A00] =	vst v63  }
0x37e: {  	p0 =	sne.s32 s21, $0x4;
	s28 =	sadd.s32 $0x50, s0  }
0x37f: {  	[hbm4b:s28+s4] =	stream.linear.scatter [tilespmem:s13], [sflag:$0x4], $0x80, $0x38;
	[tilespmem:$0x12A00] =	vst v63  }
.Ltmp9:
0x380: {  	_ = 	snop;
	(pc) =	sbr.rel @p0 .LBB2_16-.Ltmp9, $4  }
0x381: {  	s29 =	sadd.s32 $0x60, s0  }
0x382: {  	[hbm4b:s29+s4] =	stream.linear.scatter [tilespmem:s14], [sflag:$0x4], $0x80, $0x38;
	[tilespmem:$0x12A00] =	vst v63  }
0x383: {  	s18 =	sadd.s32 $0x2000, s18;
	s19 =	sadd.s32 $0x2000, s19;
	s0 =	sadd.s32 $0x70, s0  }
0x384: {  	[hbm4b:s0+s4] =	stream.linear.scatter [tilespmem:s15], [sflag:$0x4], $0x80, $0x38;
	[tilespmem:$0x12A00] =	vst v63  }
0x385: {  	_ =	swait.ge [sflag:s16], $0x400  }
0x386: {  	[sflag:s16] =	ssyncset.done $0x0  }
0x387: {  	[sflag:s16] =	ssyncadd.s32 $0xFFFFFC00  }
0x388: {  	_ =	swait.ge [sflag:s16], $0x400  }
0x389: {  	[sflag:s16] =	ssyncset.done $0x0  }
0x38a: {  	[sflag:s16] =	ssyncadd.s32 $0xFFFFFC00  }
0x38b: {  	_ =	swait.ge [sflag:s16], $0x400  }
0x38c: {  	[sflag:s16] =	ssyncset.done $0x0  }
0x38d: {  	[sflag:s16] =	ssyncadd.s32 $0xFFFFFC00  }
0x38e: {  	_ =	swait.ge [sflag:s16], $0x400  }
0x38f: {  	[sflag:s16] =	ssyncset.done $0x0  }
0x390: {  	[sflag:s16] =	ssyncadd.s32 $0xFFFFFC00  }
0x391: {  	_ =	swait.ge [sflag:s17], $0x400  }
0x392: {  	[sflag:s17] =	ssyncset.done $0x0  }
0x393: {  	[sflag:s17] =	ssyncadd.s32 $0xFFFFFC00  }
0x394: {  	_ =	swait.ge [sflag:s17], $0x400  }
0x395: {  	[sflag:s17] =	ssyncset.done $0x0  }
0x396: {  	[sflag:s17] =	ssyncadd.s32 $0xFFFFFC00  }
0x397: {  	_ =	swait.ge [sflag:s17], $0x400  }
0x398: {  	[sflag:s17] =	ssyncset.done $0x0  }
0x399: {  	[sflag:s17] =	ssyncadd.s32 $0xFFFFFC00  }
0x39a: {  	_ =	swait.ge [sflag:s17], $0x400  }
0x39b: {  	s3 =	rddreg [dreg:$0x10]  }
0x39c: {  	s0 =	rddreg [dreg:$0xf];
	s3 =	sadd.s32 $0x1, s3  }
0x39d: {  	p0 =	sne.s32 s3, s0  }
.Ltmp10:
0x39e: {  	_ = 	snop;
	(pc) =	sbr.rel @p0 .LBB2_1-.Ltmp10, $3  }
0x39f: {  	_ =	sdelay $0x1  }
0x3a0: {  	[sflag:s17] =	ssyncset.done $0x0  }
0x3a1: {  	[sflag:s17] =	ssyncadd.s32 $0xFFFFFC00  }
0x3a2: {  	_ =	sfence.sel $0x180000  }
0x3a3: {  	[bflag:$0x0] =	sbarrier.arrive $0xFFFF  }
0x3a4: {  	_ =	strace $0x90000047  }
0x3a5: {  	s0 =	stileid.u32;
	[bflag:$0x2] =	sbarrier.arrive $0xFFFF  }
0x3a6: {  	p0 =	sne.s32 s0, $0x0;
	s0 =	rddreg [dreg:$0x3]  }
0x3a7: {  	s0 =	sadd.s32 @!p0 $0x100000, s0  }
0x3a8: {  	[sflag:s0] =	ssyncadd.tile.s32 @!p0 $0x1;
	_ =	shalt  }
.Lfunc_end2:
_tile_overlayer_lowered:
.L_overlay_start_2:
0x3a9: {  	(tag) =	ssettag $0x2  }
0x3aa: {  	s0 =	rddreg [dreg:$0x0];
	s2 =	stileid.u32  }
0x3ab: {  	s1 =	rddreg [dreg:$0x1];
	p0 =	sne.s32 s2, $0x0  }
0x3ac: {  	s3 =	rddreg [dreg:$0x2];
	[bflag:$0x3] =	sbarrier.arrive $0xFFFF;
	s2 =	simm.s32 @!p0 $0x1C05  }
0x3ad: {  	[timem:s3], [sflag:s2] =	dma.local @!p0 [hbm:s0], s1  }
0x3ae: {  	s0 =	simm.s32 @!p0 $0x5  }
0x3af: {  	_ =	swait.ge @!p0 [sflag:s0], s1  }
0x3b0: {  	s1 =	ssub.s32 @!p0 $0x0, s1;
	[sflag:s0] =	ssyncset.done @!p0 $0x0  }
0x3b1: {  	[sflag:s0] =	ssyncadd.s32 @!p0 s1  }
0x3b2: {  	[bflag:$0x3] =	sbarrier.arrive $0xFFFF  }
0x3b3: {  	_ =	shalt  }

</sc_bundles>
